<compile_context>
chip_gen: v7x
topology: tpu7x:2x2x1
jax: 0.10.2.dev20260603
libtpu: 0.0.44.dev20260713+nightly
codegen_flags: <defaults>
</compile_context>

<pallas_src>
import functools

import jax
import jax.numpy as jnp
from jax import lax
from jax.experimental import pallas as pl
from jax.experimental.pallas import tpu as pltpu
from jax.experimental.pallas import tpu_sc as plsc

N = 1_000_000
BT = 4096
CH = 10000
VPC = CH // 16
NCHUNK = N // CH
NSUB = 16
MAXK = 7
EPS = 1e-7
F32_MIN = float(jnp.finfo(jnp.float32).min)
LN2 = 0.6931471805599453


def _vlog(x):
    b = plsc.bitcast(x, jnp.int32)
    ex = lax.shift_right_logical(b, 23) - 127
    m = plsc.bitcast((b & 0x7FFFFF) | 0x3F800000, jnp.float32)
    s = (m - 1.0) / (m + 1.0)
    s2 = s * s
    p = jnp.float32(1.0 / 9.0)
    p = p * s2 + jnp.float32(1.0 / 7.0)
    p = p * s2 + jnp.float32(1.0 / 5.0)
    p = p * s2 + jnp.float32(1.0 / 3.0)
    p = p * s2 + jnp.float32(1.0)
    return ex.astype(jnp.float32) * jnp.float32(LN2) + 2.0 * s * p


def _sc_body(lh_hbm, d_hbm, ev_hbm, loss_hbm, exch_hbm,
             hist_v, tmp_hist, lh_a, lh_b, d_a, d_b, ev_a, ev_b,
             tmp16, tmp256, mx_buf, a_buf, e_buf,
             panels_sh,
             sem_lh_a, sem_lh_b, sem_d_a, sem_d_b, sem_ev_a, sem_ev_b):
    tid = lax.axis_index("s")
    iota16 = lax.iota(jnp.int32, 16)
    lh_bufs = (lh_a, lh_b)
    d_bufs = (d_a, d_b)
    ev_bufs = (ev_a, ev_b)
    sem_lh = (sem_lh_a, sem_lh_b)
    sem_d = (sem_d_a, sem_d_b)
    sem_ev = (sem_ev_a, sem_ev_b)

    def cid_of(k):
        return tid + NSUB * k

    _ns0 = jax.named_scope("p0_zero"); _ns0.__enter__()
    @plsc.parallel_loop(0, 2 * BT // 16, unroll=8)
    def _zero(i):
        hist_v[pl.ds(i * 16, 16)] = jnp.zeros((16,), jnp.float32)
    mx_buf[...] = jnp.full((16,), F32_MIN, jnp.float32)
    a_buf[...] = jnp.zeros((16,), jnp.float32)
    e_buf[...] = jnp.zeros((16,), jnp.float32)

    _ns0.__exit__(None, None, None)
    _ns1 = jax.named_scope("p1_stream"); _ns1.__enter__()
    def start_loads(cid, p):
        pltpu.async_copy(lh_hbm.at[pl.ds(cid * CH, CH)], lh_bufs[p], sem_lh[p])
        pltpu.async_copy(d_hbm.at[pl.ds(cid * CH, CH)], d_bufs[p], sem_d[p])
        pltpu.async_copy(ev_hbm.at[pl.ds(cid * CH, CH)], ev_bufs[p], sem_ev[p])

    def wait_loads(cid, p):
        pltpu.make_async_copy(lh_hbm.at[pl.ds(cid * CH, CH)], lh_bufs[p],
                              sem_lh[p]).wait()
        pltpu.make_async_copy(d_hbm.at[pl.ds(cid * CH, CH)], d_bufs[p],
                              sem_d[p]).wait()
        pltpu.make_async_copy(ev_hbm.at[pl.ds(cid * CH, CH)], ev_bufs[p],
                              sem_ev[p]).wait()

    def p1_compute(p):
        @plsc.parallel_loop(0, VPC, unroll=5,
                            carry=(mx_buf[...], a_buf[...], e_buf[...]))
        def body(v, carry):
            m, av, ev_ = carry
            x = lh_bufs[p][pl.ds(v * 16, 16)]
            dd = d_bufs[p][pl.ds(v * 16, 16)]
            w = ev_bufs[p][pl.ds(v * 16, 16)].astype(jnp.float32)
            e = jnp.exp(x)
            c = jnp.minimum((dd * BT).astype(jnp.int32), BT - 1)
            plsc.addupdate_scatter(hist_v, [c], e)
            plsc.addupdate_scatter(hist_v, [c + BT], w)
            return (jnp.maximum(m, x), av + w * x, ev_ + w)
        m, av, ev_ = body
        mx_buf[...] = m
        a_buf[...] = av
        e_buf[...] = ev_

    start_loads(cid_of(0), 0)
    for k in range(MAXK):
        p = k % 2
        cid = cid_of(k)
        have = (cid < NCHUNK) if k == MAXK - 1 else None

        if have is None:
            wait_loads(cid, p)
        else:
            pl.when(have)(functools.partial(wait_loads, cid, p))

        if k + 1 < MAXK:
            nid = cid_of(k + 1)
            np_ = (k + 1) % 2
            if k + 1 == MAXK - 1:
                pl.when(nid < NCHUNK)(functools.partial(start_loads, nid, np_))
            else:
                start_loads(nid, np_)

        if have is None:
            p1_compute(p)
        else:
            pl.when(have)(functools.partial(p1_compute, p))

    mx = jnp.max(mx_buf[...])
    av = jnp.sum(a_buf[...])
    ev_ = jnp.sum(e_buf[...])
    row = jnp.where(iota16 == 0, mx,
                    jnp.where(iota16 == 1, av,
                              jnp.where(iota16 == 2, ev_, jnp.float32(0.0))))
    tmp16[...] = row
    pltpu.sync_copy(tmp16, exch_hbm.at[tid])
    pltpu.sync_copy(hist_v, panels_sh.at[tid])
    plsc.subcore_barrier()

    _ns1.__exit__(None, None, None)
    _ns2 = jax.named_scope("p2_merge"); _ns2.__enter__()
    for r in (8, 4, 2, 1):
        @pl.when(tid < r)
        def _(r=r):
            pltpu.sync_copy(panels_sh.at[tid + r], tmp_hist)

            @plsc.parallel_loop(0, 2 * BT // 16, unroll=8)
            def _ab(j):
                hist_v[pl.ds(j * 16, 16)] = (hist_v[pl.ds(j * 16, 16)]
                                             + tmp_hist[pl.ds(j * 16, 16)])
            if r > 1:
                pltpu.sync_copy(hist_v, panels_sh.at[tid])
        plsc.subcore_barrier()

    _ns2.__exit__(None, None, None)
    _ns3 = jax.named_scope("p3_final"); _ns3.__enter__()
    @pl.when(tid == 0)
    def _():
        pltpu.sync_copy(exch_hbm, tmp256)
        mxw = plsc.load_gather(tmp256, [iota16, iota16 * 0])
        aw = plsc.load_gather(tmp256, [iota16, iota16 * 0 + 1])
        ew = plsc.load_gather(tmp256, [iota16, iota16 * 0 + 2])
        gamma = jnp.max(mxw)
        a_tot = jnp.sum(aw)
        e_tot = jnp.sum(ew)
        epsg = jnp.float32(EPS) * jnp.exp(jnp.full((16,), gamma, jnp.float32))

        def tbody(j, tot):
            return tot + jnp.sum(hist_v[pl.ds(j * 16, 16)])
        total = lax.fori_loop(0, BT // 16, tbody, jnp.float32(0.0), unroll=8)

        def sbody(j, carry):
            run, tv = carry
            h = hist_v[pl.ds(j * 16, 16)]
            cs = plsc.cumsum(h)
            s = (total - run) - cs + h
            n = hist_v[pl.ds(BT + j * 16, 16)]
            return (run + jnp.sum(h), tv + n * _vlog(s + epsg))
        _, tvec = lax.fori_loop(0, BT // 16, sbody,
                                (jnp.float32(0.0),
                                 jnp.zeros((16,), jnp.float32)))
        t_tot = jnp.sum(tvec)

        num = jnp.full((16,), t_tot, jnp.float32) - jnp.full((16,), a_tot,
                                                            jnp.float32)
        den = jnp.full((16,), e_tot, jnp.float32)
        tmp16[...] = num / den
        pltpu.sync_copy(tmp16, loss_hbm)
    _ns3.__exit__(None, None, None)


_sc_call = pl.kernel(
    _sc_body,
    out_type=[jax.ShapeDtypeStruct((16,), jnp.float32),
              jax.ShapeDtypeStruct((16, 16), jnp.float32)],
    mesh=plsc.VectorSubcoreMesh(core_axis_name="c", subcore_axis_name="s",
                                num_cores=1),
    scratch_types=[
        pltpu.VMEM((2 * BT,), jnp.float32),
        pltpu.VMEM((2 * BT,), jnp.float32),
        pltpu.VMEM((CH,), jnp.float32),
        pltpu.VMEM((CH,), jnp.float32),
        pltpu.VMEM((CH,), jnp.float32),
        pltpu.VMEM((CH,), jnp.float32),
        pltpu.VMEM((CH,), jnp.int32),
        pltpu.VMEM((CH,), jnp.int32),
        pltpu.VMEM((16,), jnp.float32),
        pltpu.VMEM((16, 16), jnp.float32),
        pltpu.VMEM((16,), jnp.float32),
        pltpu.VMEM((16,), jnp.float32),
        pltpu.VMEM((16,), jnp.float32),
        pltpu.VMEM_SHARED((NSUB, 2 * BT), jnp.float32),
        pltpu.SemaphoreType.DMA,
        pltpu.SemaphoreType.DMA,
        pltpu.SemaphoreType.DMA,
        pltpu.SemaphoreType.DMA,
        pltpu.SemaphoreType.DMA,
        pltpu.SemaphoreType.DMA,
    ],
    compiler_params=pltpu.CompilerParams(needs_layout_passes=False),
)


def kernel(log_h, durations, events):
    lh = jnp.reshape(log_h, (-1,))
    d = jnp.reshape(durations, (-1,))
    ev = jnp.reshape(events, (-1,))
    loss16, _ = _sc_call(lh, d, ev)
    return loss16[0]

# --- scband reference (transcript-rebuilt; emitter-appended) ---
"""Pipeline reference for scband-deep-surv-loss-56607668961656 (READ-ONLY COPY).

The authoritative reference and input builder live on the scoring server;
editing this copy changes nothing except your own understanding.
"""

import jax, jax.numpy as jnp
import numpy as np

N = 1000000
EPS = 1e-7

def setup_inputs(seed: int = 0) -> dict:
    key = jax.random.key(seed)
    k1, k2, k3 = jax.random.split(key, 3)
    log_h = jax.random.normal(k1, (N,), dtype=jnp.float32)
    durations = jax.random.uniform(k2, (N,), dtype=jnp.float32)
    events = jax.random.randint(k3, (N,), 0, 2, dtype=jnp.int32)
    return {"log_h": log_h, "durations": durations, "events": events}

def reference(log_h, durations, events):
    # cox_ph_loss (PyCox): sort by duration descending, then sorted Cox PH loss
    log_h = jnp.reshape(log_h, (-1,))
    durations = jnp.reshape(durations, (-1,))
    ev = jnp.reshape(events, (-1,)).astype(jnp.float32)
    idx = jnp.argsort(-durations)  # descending order of durations
    ev_s = jnp.take(ev, idx, axis=0)
    lh_s = jnp.take(log_h, idx, axis=0)
    gamma = jnp.max(lh_s)
    log_cumsum_h = jnp.log(jnp.cumsum(jnp.exp(lh_s - gamma)) + EPS) + gamma
    loss = -jnp.sum((lh_s - log_cumsum_h) * ev_s) / jnp.sum(ev_s)
    return loss

if __name__ == "__main__":
    import jax
    _d = setup_inputs()
    print(jax.jit(kernel)(*tuple(_d.values())))

</pallas_src>

<mosaic_0001>
#map = affine_map<(d0, d1) -> (0)>
#map1 = affine_map<(d0, d1) -> (0, 0)>
module attributes {stable_mosaic.version = 14 : i64} {
  func.func @_sc_body(%arg0: i32, %arg1: i32, %arg2: memref<1000000xf32, #tpu.memory_space<hbm>>, %arg3: memref<1000000xf32, #tpu.memory_space<hbm>>, %arg4: memref<1000000xi32, #tpu.memory_space<hbm>>, %arg5: memref<16xf32, #tpu.memory_space<hbm>>, %arg6: memref<16x16xf32, #tpu.memory_space<hbm>>, %arg7: memref<8192xf32, #tpu.memory_space<vmem>>, %arg8: memref<8192xf32, #tpu.memory_space<vmem>>, %arg9: memref<10000xf32, #tpu.memory_space<vmem>>, %arg10: memref<10000xf32, #tpu.memory_space<vmem>>, %arg11: memref<10000xf32, #tpu.memory_space<vmem>>, %arg12: memref<10000xf32, #tpu.memory_space<vmem>>, %arg13: memref<10000xi32, #tpu.memory_space<vmem>>, %arg14: memref<10000xi32, #tpu.memory_space<vmem>>, %arg15: memref<16xf32, #tpu.memory_space<vmem>>, %arg16: memref<16x16xf32, #tpu.memory_space<vmem>>, %arg17: memref<16xf32, #tpu.memory_space<vmem>>, %arg18: memref<16xf32, #tpu.memory_space<vmem>>, %arg19: memref<16xf32, #tpu.memory_space<vmem>>, %arg20: memref<16x8192xf32, #tpu.memory_space<vmem_shared>>, %arg21: memref<!tpu.dma_semaphore, #tpu.memory_space<semaphore_mem>>, %arg22: memref<!tpu.dma_semaphore, #tpu.memory_space<semaphore_mem>>, %arg23: memref<!tpu.dma_semaphore, #tpu.memory_space<semaphore_mem>>, %arg24: memref<!tpu.dma_semaphore, #tpu.memory_space<semaphore_mem>>, %arg25: memref<!tpu.dma_semaphore, #tpu.memory_space<semaphore_mem>>, %arg26: memref<!tpu.dma_semaphore, #tpu.memory_space<semaphore_mem>>) attributes {dimension_semantics = [#tpu.dimension_semantics<core_parallel>, #tpu.dimension_semantics<subcore_parallel>], iteration_bounds = array<i64: 1, 16>, scalar_prefetch = 0 : i64, scratch_operands = 20 : i64, tpu.core_type = #tpu.core_type<sc_vector_subcore>, window_params = [{transform_indices = #map}, {transform_indices = #map}, {transform_indices = #map}, {transform_indices = #map}, {transform_indices = #map1}]} {
    %iota3A = tpu.iota {dimensions = array<i32: 0>} : vector<16xi32>
    %parallel_loop3A = arith.constant 0 : i32
    %parallel_loop3A_0 = arith.constant 512 : i32
    %parallel_loop3A_1 = arith.constant 1 : i32
    "tpu.trace_start"() <{level = 10 : i32, message = "p0_zero"}> : () -> ()
    scf.for %parallel_loop3A_346 = %parallel_loop3A to %parallel_loop3A_0 step %parallel_loop3A_1  : i32 {
      %parallel_loop3A_347 = arith.constant 0.000000e+00 : f32
      %parallel_loop3A_348 = vector.broadcast %parallel_loop3A_347 : f32 to vector<16xf32>
      %parallel_loop3A_349 = arith.constant 16 : i32
      %parallel_loop3A_350 = arith.muli %parallel_loop3A_346, %parallel_loop3A_349 : i32
      %parallel_loop3A_351 = arith.index_cast %parallel_loop3A_350 : i32 to index
      %parallel_loop3A_352 = tpu.vector_load %arg7[%parallel_loop3A_351] {strides = array<i32>} : memref<8192xf32, #tpu.memory_space<vmem>>, vector<16xf32>,
      tpu.vector_store %arg7[%parallel_loop3A_351], %parallel_loop3A_348 {strides = array<i32>} : memref<8192xf32, #tpu.memory_space<vmem>>, vector<16xf32>,
    } {sc.loop_unroll_factor = 8 : i64, sc.parallel_access}
    %broadcast_in_dim3A = arith.constant -3.40282347E+38 : f32
    %broadcast_in_dim3A_2 = vector.broadcast %broadcast_in_dim3A : f32 to vector<16xf32>
    %swap3A = arith.constant 0 : index
    %swap3A_3 = tpu.vector_load %arg17[%swap3A] {strides = array<i32>} : memref<16xf32, #tpu.memory_space<vmem>>, vector<16xf32>,
    tpu.vector_store %arg17[%swap3A], %broadcast_in_dim3A_2 {strides = array<i32>} : memref<16xf32, #tpu.memory_space<vmem>>, vector<16xf32>,
    %broadcast_in_dim3A_4 = arith.constant 0.000000e+00 : f32
    %broadcast_in_dim3A_5 = vector.broadcast %broadcast_in_dim3A_4 : f32 to vector<16xf32>
    %swap3A_6 = arith.constant 0 : index
    %swap3A_7 = tpu.vector_load %arg18[%swap3A_6] {strides = array<i32>} : memref<16xf32, #tpu.memory_space<vmem>>, vector<16xf32>,
    tpu.vector_store %arg18[%swap3A_6], %broadcast_in_dim3A_5 {strides = array<i32>} : memref<16xf32, #tpu.memory_space<vmem>>, vector<16xf32>,
    %broadcast_in_dim3A_8 = arith.constant 0.000000e+00 : f32
    %broadcast_in_dim3A_9 = vector.broadcast %broadcast_in_dim3A_8 : f32 to vector<16xf32>
    %swap3A_10 = arith.constant 0 : index
    %swap3A_11 = tpu.vector_load %arg19[%swap3A_10] {strides = array<i32>} : memref<16xf32, #tpu.memory_space<vmem>>, vector<16xf32>,
    tpu.vector_store %arg19[%swap3A_10], %broadcast_in_dim3A_9 {strides = array<i32>} : memref<16xf32, #tpu.memory_space<vmem>>, vector<16xf32>,
    "tpu.trace_stop"() : () -> ()
    "tpu.trace_start"() <{level = 10 : i32, message = "p1_stream"}> : () -> ()
    %add3A = arith.constant 0 : i32
    %add3A_12 = arith.addi %arg1, %add3A : i32
    %mul3A = arith.constant 10000 : i32
    %mul3A_13 = arith.muli %add3A_12, %mul3A : i32
    %dma_start3A = tpu.memref_slice %arg2[%mul3A_13] : memref<1000000xf32, #tpu.memory_space<hbm>> -> memref<10000xf32, #tpu.memory_space<hbm>>
    %dma_start3A_14 = tpu.memref_slice %arg2[%mul3A_13] : memref<1000000xf32, #tpu.memory_space<hbm>> -> memref<10000xf32, #tpu.memory_space<hbm>>
    tpu.enqueue_dma source(%dma_start3A_14 : memref<10000xf32, #tpu.memory_space<hbm>>) target(%arg9 : memref<10000xf32, #tpu.memory_space<vmem>>) target_semaphore(%arg21 : memref<!tpu.dma_semaphore, #tpu.memory_space<semaphore_mem>>)
    %mul3A_15 = arith.constant 10000 : i32
    %mul3A_16 = arith.muli %add3A_12, %mul3A_15 : i32
    %dma_start3A_17 = tpu.memref_slice %arg3[%mul3A_16] : memref<1000000xf32, #tpu.memory_space<hbm>> -> memref<10000xf32, #tpu.memory_space<hbm>>
    %dma_start3A_18 = tpu.memref_slice %arg3[%mul3A_16] : memref<1000000xf32, #tpu.memory_space<hbm>> -> memref<10000xf32, #tpu.memory_space<hbm>>
    tpu.enqueue_dma source(%dma_start3A_18 : memref<10000xf32, #tpu.memory_space<hbm>>) target(%arg11 : memref<10000xf32, #tpu.memory_space<vmem>>) target_semaphore(%arg23 : memref<!tpu.dma_semaphore, #tpu.memory_space<semaphore_mem>>)
    %mul3A_19 = arith.constant 10000 : i32
    %mul3A_20 = arith.muli %add3A_12, %mul3A_19 : i32
    %dma_start3A_21 = tpu.memref_slice %arg4[%mul3A_20] : memref<1000000xi32, #tpu.memory_space<hbm>> -> memref<10000xi32, #tpu.memory_space<hbm>>
    %dma_start3A_22 = tpu.memref_slice %arg4[%mul3A_20] : memref<1000000xi32, #tpu.memory_space<hbm>> -> memref<10000xi32, #tpu.memory_space<hbm>>
    tpu.enqueue_dma source(%dma_start3A_22 : memref<10000xi32, #tpu.memory_space<hbm>>) target(%arg13 : memref<10000xi32, #tpu.memory_space<vmem>>) target_semaphore(%arg25 : memref<!tpu.dma_semaphore, #tpu.memory_space<semaphore_mem>>)
    %add3A_23 = arith.constant 0 : i32
    %add3A_24 = arith.addi %arg1, %add3A_23 : i32
    %mul3A_25 = arith.constant 10000 : i32
    %mul3A_26 = arith.muli %add3A_24, %mul3A_25 : i32
    %dma_wait3A = tpu.memref_slice %arg2[%mul3A_26] : memref<1000000xf32, #tpu.memory_space<hbm>> -> memref<10000xf32, #tpu.memory_space<hbm>>
    %dma_wait3A_27 = tpu.memref_slice %arg2[%mul3A_26] : memref<1000000xf32, #tpu.memory_space<hbm>> -> memref<10000xf32, #tpu.memory_space<hbm>>
    tpu.wait_dma2 semaphore(%arg21 : memref<!tpu.dma_semaphore, #tpu.memory_space<semaphore_mem>>) src(%dma_wait3A_27 : memref<10000xf32, #tpu.memory_space<hbm>>) dst(%arg9 : memref<10000xf32, #tpu.memory_space<vmem>>)
    %mul3A_28 = arith.constant 10000 : i32
    %mul3A_29 = arith.muli %add3A_24, %mul3A_28 : i32
    %dma_wait3A_30 = tpu.memref_slice %arg3[%mul3A_29] : memref<1000000xf32, #tpu.memory_space<hbm>> -> memref<10000xf32, #tpu.memory_space<hbm>>
    %dma_wait3A_31 = tpu.memref_slice %arg3[%mul3A_29] : memref<1000000xf32, #tpu.memory_space<hbm>> -> memref<10000xf32, #tpu.memory_space<hbm>>
    tpu.wait_dma2 semaphore(%arg23 : memref<!tpu.dma_semaphore, #tpu.memory_space<semaphore_mem>>) src(%dma_wait3A_31 : memref<10000xf32, #tpu.memory_space<hbm>>) dst(%arg11 : memref<10000xf32, #tpu.memory_space<vmem>>)
    %mul3A_32 = arith.constant 10000 : i32
    %mul3A_33 = arith.muli %add3A_24, %mul3A_32 : i32
    %dma_wait3A_34 = tpu.memref_slice %arg4[%mul3A_33] : memref<1000000xi32, #tpu.memory_space<hbm>> -> memref<10000xi32, #tpu.memory_space<hbm>>
    %dma_wait3A_35 = tpu.memref_slice %arg4[%mul3A_33] : memref<1000000xi32, #tpu.memory_space<hbm>> -> memref<10000xi32, #tpu.memory_space<hbm>>
    tpu.wait_dma2 semaphore(%arg25 : memref<!tpu.dma_semaphore, #tpu.memory_space<semaphore_mem>>) src(%dma_wait3A_35 : memref<10000xi32, #tpu.memory_space<hbm>>) dst(%arg13 : memref<10000xi32, #tpu.memory_space<vmem>>)
    %add3A_36 = arith.constant 16 : i32
    %add3A_37 = arith.addi %arg1, %add3A_36 : i32
    %mul3A_38 = arith.constant 10000 : i32
    %mul3A_39 = arith.muli %add3A_37, %mul3A_38 : i32
    %dma_start3A_40 = tpu.memref_slice %arg2[%mul3A_39] : memref<1000000xf32, #tpu.memory_space<hbm>> -> memref<10000xf32, #tpu.memory_space<hbm>>
    %dma_start3A_41 = tpu.memref_slice %arg2[%mul3A_39] : memref<1000000xf32, #tpu.memory_space<hbm>> -> memref<10000xf32, #tpu.memory_space<hbm>>
    tpu.enqueue_dma source(%dma_start3A_41 : memref<10000xf32, #tpu.memory_space<hbm>>) target(%arg10 : memref<10000xf32, #tpu.memory_space<vmem>>) target_semaphore(%arg22 : memref<!tpu.dma_semaphore, #tpu.memory_space<semaphore_mem>>)
    %mul3A_42 = arith.constant 10000 : i32
    %mul3A_43 = arith.muli %add3A_37, %mul3A_42 : i32
    %dma_start3A_44 = tpu.memref_slice %arg3[%mul3A_43] : memref<1000000xf32, #tpu.memory_space<hbm>> -> memref<10000xf32, #tpu.memory_space<hbm>>
    %dma_start3A_45 = tpu.memref_slice %arg3[%mul3A_43] : memref<1000000xf32, #tpu.memory_space<hbm>> -> memref<10000xf32, #tpu.memory_space<hbm>>
    tpu.enqueue_dma source(%dma_start3A_45 : memref<10000xf32, #tpu.memory_space<hbm>>) target(%arg12 : memref<10000xf32, #tpu.memory_space<vmem>>) target_semaphore(%arg24 : memref<!tpu.dma_semaphore, #tpu.memory_space<semaphore_mem>>)
    %mul3A_46 = arith.constant 10000 : i32
    %mul3A_47 = arith.muli %add3A_37, %mul3A_46 : i32
    %dma_start3A_48 = tpu.memref_slice %arg4[%mul3A_47] : memref<1000000xi32, #tpu.memory_space<hbm>> -> memref<10000xi32, #tpu.memory_space<hbm>>
    %dma_start3A_49 = tpu.memref_slice %arg4[%mul3A_47] : memref<1000000xi32, #tpu.memory_space<hbm>> -> memref<10000xi32, #tpu.memory_space<hbm>>
    tpu.enqueue_dma source(%dma_start3A_49 : memref<10000xi32, #tpu.memory_space<hbm>>) target(%arg14 : memref<10000xi32, #tpu.memory_space<vmem>>) target_semaphore(%arg26 : memref<!tpu.dma_semaphore, #tpu.memory_space<semaphore_mem>>)
    %get3A = arith.constant 0 : index
    %get3A_50 = tpu.vector_load %arg17[%get3A] {strides = array<i32>} : memref<16xf32, #tpu.memory_space<vmem>>, vector<16xf32>,
    %get3A_51 = arith.constant 0 : index
    %get3A_52 = tpu.vector_load %arg18[%get3A_51] {strides = array<i32>} : memref<16xf32, #tpu.memory_space<vmem>>, vector<16xf32>,
    %get3A_53 = arith.constant 0 : index
    %get3A_54 = tpu.vector_load %arg19[%get3A_53] {strides = array<i32>} : memref<16xf32, #tpu.memory_space<vmem>>, vector<16xf32>,
    %parallel_loop3A_55 = arith.constant 0 : i32
    %parallel_loop3A_56 = arith.constant 625 : i32
    %parallel_loop3A_57 = arith.constant 1 : i32
    %parallel_loop3A_58:3 = scf.for %parallel_loop3A_346 = %parallel_loop3A_55 to %parallel_loop3A_56 step %parallel_loop3A_57 iter_args(%parallel_loop3A_347 = %get3A_50, %parallel_loop3A_348 = %get3A_52, %parallel_loop3A_349 = %get3A_54) -> (vector<16xf32>, vector<16xf32>, vector<16xf32>)  : i32 {
      %parallel_loop3A_350 = arith.constant 16 : i32
      %parallel_loop3A_351 = arith.muli %parallel_loop3A_346, %parallel_loop3A_350 : i32
      %parallel_loop3A_352 = arith.index_cast %parallel_loop3A_351 : i32 to index
      %parallel_loop3A_353 = tpu.vector_load %arg9[%parallel_loop3A_352] {strides = array<i32>} : memref<10000xf32, #tpu.memory_space<vmem>>, vector<16xf32>,
      %parallel_loop3A_354 = arith.constant 16 : i32
      %parallel_loop3A_355 = arith.muli %parallel_loop3A_346, %parallel_loop3A_354 : i32
      %parallel_loop3A_356 = arith.index_cast %parallel_loop3A_355 : i32 to index
      %parallel_loop3A_357 = tpu.vector_load %arg11[%parallel_loop3A_356] {strides = array<i32>} : memref<10000xf32, #tpu.memory_space<vmem>>, vector<16xf32>,
      %parallel_loop3A_358 = arith.constant 16 : i32
      %parallel_loop3A_359 = arith.muli %parallel_loop3A_346, %parallel_loop3A_358 : i32
      %parallel_loop3A_360 = arith.index_cast %parallel_loop3A_359 : i32 to index
      %parallel_loop3A_361 = tpu.vector_load %arg13[%parallel_loop3A_360] {strides = array<i32>} : memref<10000xi32, #tpu.memory_space<vmem>>, vector<16xi32>,
      %parallel_loop3A_362 = arith.sitofp %parallel_loop3A_361 : vector<16xi32> to vector<16xf32>
      %parallel_loop3A_363 = math.exp %parallel_loop3A_353 : vector<16xf32>
      %parallel_loop3A_364 = arith.constant 4.096000e+03 : f32
      %parallel_loop3A_365 = vector.broadcast %parallel_loop3A_364 : f32 to vector<16xf32>
      %parallel_loop3A_366 = arith.mulf %parallel_loop3A_357, %parallel_loop3A_365 : vector<16xf32>
      %parallel_loop3A_367 = arith.fptosi %parallel_loop3A_366 : vector<16xf32> to vector<16xi32>
      %parallel_loop3A_368 = arith.constant 4095 : i32
      %parallel_loop3A_369 = vector.broadcast %parallel_loop3A_368 : i32 to vector<16xi32>
      %parallel_loop3A_370 = arith.minsi %parallel_loop3A_367, %parallel_loop3A_369 : vector<16xi32>
      tpu.vector_store_idx %arg7[%parallel_loop3A_370], %parallel_loop3A_363 {add = true} : memref<8192xf32, #tpu.memory_space<vmem>>[vector<16xi32>], vector<16xf32>,
      %parallel_loop3A_371 = arith.constant 4096 : i32
      %parallel_loop3A_372 = vector.broadcast %parallel_loop3A_371 : i32 to vector<16xi32>
      %parallel_loop3A_373 = arith.addi %parallel_loop3A_370, %parallel_loop3A_372 : vector<16xi32>
      tpu.vector_store_idx %arg7[%parallel_loop3A_373], %parallel_loop3A_362 {add = true} : memref<8192xf32, #tpu.memory_space<vmem>>[vector<16xi32>], vector<16xf32>,
      %parallel_loop3A_374 = arith.maximumf %parallel_loop3A_347, %parallel_loop3A_353 : vector<16xf32>
      %parallel_loop3A_375 = arith.mulf %parallel_loop3A_362, %parallel_loop3A_353 : vector<16xf32>
      %parallel_loop3A_376 = arith.addf %parallel_loop3A_348, %parallel_loop3A_375 : vector<16xf32>
      %parallel_loop3A_377 = arith.addf %parallel_loop3A_349, %parallel_loop3A_362 : vector<16xf32>
      scf.yield %parallel_loop3A_374, %parallel_loop3A_376, %parallel_loop3A_377 : vector<16xf32>, vector<16xf32>, vector<16xf32>
    } {sc.loop_unroll_factor = 5 : i64, sc.parallel_access}
    %swap3A_59 = arith.constant 0 : index
    %swap3A_60 = tpu.vector_load %arg17[%swap3A_59] {strides = array<i32>} : memref<16xf32, #tpu.memory_space<vmem>>, vector<16xf32>,
    tpu.vector_store %arg17[%swap3A_59], %parallel_loop3A_58#0 {strides = array<i32>} : memref<16xf32, #tpu.memory_space<vmem>>, vector<16xf32>,
    %swap3A_61 = arith.constant 0 : index
    %swap3A_62 = tpu.vector_load %arg18[%swap3A_61] {strides = array<i32>} : memref<16xf32, #tpu.memory_space<vmem>>, vector<16xf32>,
    tpu.vector_store %arg18[%swap3A_61], %parallel_loop3A_58#1 {strides = array<i32>} : memref<16xf32, #tpu.memory_space<vmem>>, vector<16xf32>,
    %swap3A_63 = arith.constant 0 : index
    %swap3A_64 = tpu.vector_load %arg19[%swap3A_63] {strides = array<i32>} : memref<16xf32, #tpu.memory_space<vmem>>, vector<16xf32>,
    tpu.vector_store %arg19[%swap3A_63], %parallel_loop3A_58#2 {strides = array<i32>} : memref<16xf32, #tpu.memory_space<vmem>>, vector<16xf32>,
    %add3A_65 = arith.constant 16 : i32
    %add3A_66 = arith.addi %arg1, %add3A_65 : i32
    %mul3A_67 = arith.constant 10000 : i32
    %mul3A_68 = arith.muli %add3A_66, %mul3A_67 : i32
    %dma_wait3A_69 = tpu.memref_slice %arg2[%mul3A_68] : memref<1000000xf32, #tpu.memory_space<hbm>> -> memref<10000xf32, #tpu.memory_space<hbm>>
    %dma_wait3A_70 = tpu.memref_slice %arg2[%mul3A_68] : memref<1000000xf32, #tpu.memory_space<hbm>> -> memref<10000xf32, #tpu.memory_space<hbm>>
    tpu.wait_dma2 semaphore(%arg22 : memref<!tpu.dma_semaphore, #tpu.memory_space<semaphore_mem>>) src(%dma_wait3A_70 : memref<10000xf32, #tpu.memory_space<hbm>>) dst(%arg10 : memref<10000xf32, #tpu.memory_space<vmem>>)
    %mul3A_71 = arith.constant 10000 : i32
    %mul3A_72 = arith.muli %add3A_66, %mul3A_71 : i32
    %dma_wait3A_73 = tpu.memref_slice %arg3[%mul3A_72] : memref<1000000xf32, #tpu.memory_space<hbm>> -> memref<10000xf32, #tpu.memory_space<hbm>>
    %dma_wait3A_74 = tpu.memref_slice %arg3[%mul3A_72] : memref<1000000xf32, #tpu.memory_space<hbm>> -> memref<10000xf32, #tpu.memory_space<hbm>>
    tpu.wait_dma2 semaphore(%arg24 : memref<!tpu.dma_semaphore, #tpu.memory_space<semaphore_mem>>) src(%dma_wait3A_74 : memref<10000xf32, #tpu.memory_space<hbm>>) dst(%arg12 : memref<10000xf32, #tpu.memory_space<vmem>>)
    %mul3A_75 = arith.constant 10000 : i32
    %mul3A_76 = arith.muli %add3A_66, %mul3A_75 : i32
    %dma_wait3A_77 = tpu.memref_slice %arg4[%mul3A_76] : memref<1000000xi32, #tpu.memory_space<hbm>> -> memref<10000xi32, #tpu.memory_space<hbm>>
    %dma_wait3A_78 = tpu.memref_slice %arg4[%mul3A_76] : memref<1000000xi32, #tpu.memory_space<hbm>> -> memref<10000xi32, #tpu.memory_space<hbm>>
    tpu.wait_dma2 semaphore(%arg26 : memref<!tpu.dma_semaphore, #tpu.memory_space<semaphore_mem>>) src(%dma_wait3A_78 : memref<10000xi32, #tpu.memory_space<hbm>>) dst(%arg14 : memref<10000xi32, #tpu.memory_space<vmem>>)
    %add3A_79 = arith.constant 32 : i32
    %add3A_80 = arith.addi %arg1, %add3A_79 : i32
    %mul3A_81 = arith.constant 10000 : i32
    %mul3A_82 = arith.muli %add3A_80, %mul3A_81 : i32
    %dma_start3A_83 = tpu.memref_slice %arg2[%mul3A_82] : memref<1000000xf32, #tpu.memory_space<hbm>> -> memref<10000xf32, #tpu.memory_space<hbm>>
    %dma_start3A_84 = tpu.memref_slice %arg2[%mul3A_82] : memref<1000000xf32, #tpu.memory_space<hbm>> -> memref<10000xf32, #tpu.memory_space<hbm>>
    tpu.enqueue_dma source(%dma_start3A_84 : memref<10000xf32, #tpu.memory_space<hbm>>) target(%arg9 : memref<10000xf32, #tpu.memory_space<vmem>>) target_semaphore(%arg21 : memref<!tpu.dma_semaphore, #tpu.memory_space<semaphore_mem>>)
    %mul3A_85 = arith.constant 10000 : i32
    %mul3A_86 = arith.muli %add3A_80, %mul3A_85 : i32
    %dma_start3A_87 = tpu.memref_slice %arg3[%mul3A_86] : memref<1000000xf32, #tpu.memory_space<hbm>> -> memref<10000xf32, #tpu.memory_space<hbm>>
    %dma_start3A_88 = tpu.memref_slice %arg3[%mul3A_86] : memref<1000000xf32, #tpu.memory_space<hbm>> -> memref<10000xf32, #tpu.memory_space<hbm>>
    tpu.enqueue_dma source(%dma_start3A_88 : memref<10000xf32, #tpu.memory_space<hbm>>) target(%arg11 : memref<10000xf32, #tpu.memory_space<vmem>>) target_semaphore(%arg23 : memref<!tpu.dma_semaphore, #tpu.memory_space<semaphore_mem>>)
    %mul3A_89 = arith.constant 10000 : i32
    %mul3A_90 = arith.muli %add3A_80, %mul3A_89 : i32
    %dma_start3A_91 = tpu.memref_slice %arg4[%mul3A_90] : memref<1000000xi32, #tpu.memory_space<hbm>> -> memref<10000xi32, #tpu.memory_space<hbm>>
    %dma_start3A_92 = tpu.memref_slice %arg4[%mul3A_90] : memref<1000000xi32, #tpu.memory_space<hbm>> -> memref<10000xi32, #tpu.memory_space<hbm>>
    tpu.enqueue_dma source(%dma_start3A_92 : memref<10000xi32, #tpu.memory_space<hbm>>) target(%arg13 : memref<10000xi32, #tpu.memory_space<vmem>>) target_semaphore(%arg25 : memref<!tpu.dma_semaphore, #tpu.memory_space<semaphore_mem>>)
    %get3A_93 = arith.constant 0 : index
    %get3A_94 = tpu.vector_load %arg17[%get3A_93] {strides = array<i32>} : memref<16xf32, #tpu.memory_space<vmem>>, vector<16xf32>,
    %get3A_95 = arith.constant 0 : index
    %get3A_96 = tpu.vector_load %arg18[%get3A_95] {strides = array<i32>} : memref<16xf32, #tpu.memory_space<vmem>>, vector<16xf32>,
    %get3A_97 = arith.constant 0 : index
    %get3A_98 = tpu.vector_load %arg19[%get3A_97] {strides = array<i32>} : memref<16xf32, #tpu.memory_space<vmem>>, vector<16xf32>,
    %parallel_loop3A_99 = arith.constant 0 : i32
    %parallel_loop3A_100 = arith.constant 625 : i32
    %parallel_loop3A_101 = arith.constant 1 : i32
    %parallel_loop3A_102:3 = scf.for %parallel_loop3A_346 = %parallel_loop3A_99 to %parallel_loop3A_100 step %parallel_loop3A_101 iter_args(%parallel_loop3A_347 = %get3A_94, %parallel_loop3A_348 = %get3A_96, %parallel_loop3A_349 = %get3A_98) -> (vector<16xf32>, vector<16xf32>, vector<16xf32>)  : i32 {
      %parallel_loop3A_350 = arith.constant 16 : i32
      %parallel_loop3A_351 = arith.muli %parallel_loop3A_346, %parallel_loop3A_350 : i32
      %parallel_loop3A_352 = arith.index_cast %parallel_loop3A_351 : i32 to index
      %parallel_loop3A_353 = tpu.vector_load %arg10[%parallel_loop3A_352] {strides = array<i32>} : memref<10000xf32, #tpu.memory_space<vmem>>, vector<16xf32>,
      %parallel_loop3A_354 = arith.constant 16 : i32
      %parallel_loop3A_355 = arith.muli %parallel_loop3A_346, %parallel_loop3A_354 : i32
      %parallel_loop3A_356 = arith.index_cast %parallel_loop3A_355 : i32 to index
      %parallel_loop3A_357 = tpu.vector_load %arg12[%parallel_loop3A_356] {strides = array<i32>} : memref<10000xf32, #tpu.memory_space<vmem>>, vector<16xf32>,
      %parallel_loop3A_358 = arith.constant 16 : i32
      %parallel_loop3A_359 = arith.muli %parallel_loop3A_346, %parallel_loop3A_358 : i32
      %parallel_loop3A_360 = arith.index_cast %parallel_loop3A_359 : i32 to index
      %parallel_loop3A_361 = tpu.vector_load %arg14[%parallel_loop3A_360] {strides = array<i32>} : memref<10000xi32, #tpu.memory_space<vmem>>, vector<16xi32>,
      %parallel_loop3A_362 = arith.sitofp %parallel_loop3A_361 : vector<16xi32> to vector<16xf32>
      %parallel_loop3A_363 = math.exp %parallel_loop3A_353 : vector<16xf32>
      %parallel_loop3A_364 = arith.constant 4.096000e+03 : f32
      %parallel_loop3A_365 = vector.broadcast %parallel_loop3A_364 : f32 to vector<16xf32>
      %parallel_loop3A_366 = arith.mulf %parallel_loop3A_357, %parallel_loop3A_365 : vector<16xf32>
      %parallel_loop3A_367 = arith.fptosi %parallel_loop3A_366 : vector<16xf32> to vector<16xi32>
      %parallel_loop3A_368 = arith.constant 4095 : i32
      %parallel_loop3A_369 = vector.broadcast %parallel_loop3A_368 : i32 to vector<16xi32>
      %parallel_loop3A_370 = arith.minsi %parallel_loop3A_367, %parallel_loop3A_369 : vector<16xi32>
      tpu.vector_store_idx %arg7[%parallel_loop3A_370], %parallel_loop3A_363 {add = true} : memref<8192xf32, #tpu.memory_space<vmem>>[vector<16xi32>], vector<16xf32>,
      %parallel_loop3A_371 = arith.constant 4096 : i32
      %parallel_loop3A_372 = vector.broadcast %parallel_loop3A_371 : i32 to vector<16xi32>
      %parallel_loop3A_373 = arith.addi %parallel_loop3A_370, %parallel_loop3A_372 : vector<16xi32>
      tpu.vector_store_idx %arg7[%parallel_loop3A_373], %parallel_loop3A_362 {add = true} : memref<8192xf32, #tpu.memory_space<vmem>>[vector<16xi32>], vector<16xf32>,
      %parallel_loop3A_374 = arith.maximumf %parallel_loop3A_347, %parallel_loop3A_353 : vector<16xf32>
      %parallel_loop3A_375 = arith.mulf %parallel_loop3A_362, %parallel_loop3A_353 : vector<16xf32>
      %parallel_loop3A_376 = arith.addf %parallel_loop3A_348, %parallel_loop3A_375 : vector<16xf32>
      %parallel_loop3A_377 = arith.addf %parallel_loop3A_349, %parallel_loop3A_362 : vector<16xf32>
      scf.yield %parallel_loop3A_374, %parallel_loop3A_376, %parallel_loop3A_377 : vector<16xf32>, vector<16xf32>, vector<16xf32>
    } {sc.loop_unroll_factor = 5 : i64, sc.parallel_access}
    %swap3A_103 = arith.constant 0 : index
    %swap3A_104 = tpu.vector_load %arg17[%swap3A_103] {strides = array<i32>} : memref<16xf32, #tpu.memory_space<vmem>>, vector<16xf32>,
    tpu.vector_store %arg17[%swap3A_103], %parallel_loop3A_102#0 {strides = array<i32>} : memref<16xf32, #tpu.memory_space<vmem>>, vector<16xf32>,
    %swap3A_105 = arith.constant 0 : index
    %swap3A_106 = tpu.vector_load %arg18[%swap3A_105] {strides = array<i32>} : memref<16xf32, #tpu.memory_space<vmem>>, vector<16xf32>,
    tpu.vector_store %arg18[%swap3A_105], %parallel_loop3A_102#1 {strides = array<i32>} : memref<16xf32, #tpu.memory_space<vmem>>, vector<16xf32>,
    %swap3A_107 = arith.constant 0 : index
    %swap3A_108 = tpu.vector_load %arg19[%swap3A_107] {strides = array<i32>} : memref<16xf32, #tpu.memory_space<vmem>>, vector<16xf32>,
    tpu.vector_store %arg19[%swap3A_107], %parallel_loop3A_102#2 {strides = array<i32>} : memref<16xf32, #tpu.memory_space<vmem>>, vector<16xf32>,
    %add3A_109 = arith.constant 32 : i32
    %add3A_110 = arith.addi %arg1, %add3A_109 : i32
    %mul3A_111 = arith.constant 10000 : i32
    %mul3A_112 = arith.muli %add3A_110, %mul3A_111 : i32
    %dma_wait3A_113 = tpu.memref_slice %arg2[%mul3A_112] : memref<1000000xf32, #tpu.memory_space<hbm>> -> memref<10000xf32, #tpu.memory_space<hbm>>
    %dma_wait3A_114 = tpu.memref_slice %arg2[%mul3A_112] : memref<1000000xf32, #tpu.memory_space<hbm>> -> memref<10000xf32, #tpu.memory_space<hbm>>
    tpu.wait_dma2 semaphore(%arg21 : memref<!tpu.dma_semaphore, #tpu.memory_space<semaphore_mem>>) src(%dma_wait3A_114 : memref<10000xf32, #tpu.memory_space<hbm>>) dst(%arg9 : memref<10000xf32, #tpu.memory_space<vmem>>)
    %mul3A_115 = arith.constant 10000 : i32
    %mul3A_116 = arith.muli %add3A_110, %mul3A_115 : i32
    %dma_wait3A_117 = tpu.memref_slice %arg3[%mul3A_116] : memref<1000000xf32, #tpu.memory_space<hbm>> -> memref<10000xf32, #tpu.memory_space<hbm>>
    %dma_wait3A_118 = tpu.memref_slice %arg3[%mul3A_116] : memref<1000000xf32, #tpu.memory_space<hbm>> -> memref<10000xf32, #tpu.memory_space<hbm>>
    tpu.wait_dma2 semaphore(%arg23 : memref<!tpu.dma_semaphore, #tpu.memory_space<semaphore_mem>>) src(%dma_wait3A_118 : memref<10000xf32, #tpu.memory_space<hbm>>) dst(%arg11 : memref<10000xf32, #tpu.memory_space<vmem>>)
    %mul3A_119 = arith.constant 10000 : i32
    %mul3A_120 = arith.muli %add3A_110, %mul3A_119 : i32
    %dma_wait3A_121 = tpu.memref_slice %arg4[%mul3A_120] : memref<1000000xi32, #tpu.memory_space<hbm>> -> memref<10000xi32, #tpu.memory_space<hbm>>
    %dma_wait3A_122 = tpu.memref_slice %arg4[%mul3A_120] : memref<1000000xi32, #tpu.memory_space<hbm>> -> memref<10000xi32, #tpu.memory_space<hbm>>
    tpu.wait_dma2 semaphore(%arg25 : memref<!tpu.dma_semaphore, #tpu.memory_space<semaphore_mem>>) src(%dma_wait3A_122 : memref<10000xi32, #tpu.memory_space<hbm>>) dst(%arg13 : memref<10000xi32, #tpu.memory_space<vmem>>)
    %add3A_123 = arith.constant 48 : i32
    %add3A_124 = arith.addi %arg1, %add3A_123 : i32
    %mul3A_125 = arith.constant 10000 : i32
    %mul3A_126 = arith.muli %add3A_124, %mul3A_125 : i32
    %dma_start3A_127 = tpu.memref_slice %arg2[%mul3A_126] : memref<1000000xf32, #tpu.memory_space<hbm>> -> memref<10000xf32, #tpu.memory_space<hbm>>
    %dma_start3A_128 = tpu.memref_slice %arg2[%mul3A_126] : memref<1000000xf32, #tpu.memory_space<hbm>> -> memref<10000xf32, #tpu.memory_space<hbm>>
    tpu.enqueue_dma source(%dma_start3A_128 : memref<10000xf32, #tpu.memory_space<hbm>>) target(%arg10 : memref<10000xf32, #tpu.memory_space<vmem>>) target_semaphore(%arg22 : memref<!tpu.dma_semaphore, #tpu.memory_space<semaphore_mem>>)
    %mul3A_129 = arith.constant 10000 : i32
    %mul3A_130 = arith.muli %add3A_124, %mul3A_129 : i32
    %dma_start3A_131 = tpu.memref_slice %arg3[%mul3A_130] : memref<1000000xf32, #tpu.memory_space<hbm>> -> memref<10000xf32, #tpu.memory_space<hbm>>
    %dma_start3A_132 = tpu.memref_slice %arg3[%mul3A_130] : memref<1000000xf32, #tpu.memory_space<hbm>> -> memref<10000xf32, #tpu.memory_space<hbm>>
    tpu.enqueue_dma source(%dma_start3A_132 : memref<10000xf32, #tpu.memory_space<hbm>>) target(%arg12 : memref<10000xf32, #tpu.memory_space<vmem>>) target_semaphore(%arg24 : memref<!tpu.dma_semaphore, #tpu.memory_space<semaphore_mem>>)
    %mul3A_133 = arith.constant 10000 : i32
    %mul3A_134 = arith.muli %add3A_124, %mul3A_133 : i32
    %dma_start3A_135 = tpu.memref_slice %arg4[%mul3A_134] : memref<1000000xi32, #tpu.memory_space<hbm>> -> memref<10000xi32, #tpu.memory_space<hbm>>
    %dma_start3A_136 = tpu.memref_slice %arg4[%mul3A_134] : memref<1000000xi32, #tpu.memory_space<hbm>> -> memref<10000xi32, #tpu.memory_space<hbm>>
    tpu.enqueue_dma source(%dma_start3A_136 : memref<10000xi32, #tpu.memory_space<hbm>>) target(%arg14 : memref<10000xi32, #tpu.memory_space<vmem>>) target_semaphore(%arg26 : memref<!tpu.dma_semaphore, #tpu.memory_space<semaphore_mem>>)
    %get3A_137 = arith.constant 0 : index
    %get3A_138 = tpu.vector_load %arg17[%get3A_137] {strides = array<i32>} : memref<16xf32, #tpu.memory_space<vmem>>, vector<16xf32>,
    %get3A_139 = arith.constant 0 : index
    %get3A_140 = tpu.vector_load %arg18[%get3A_139] {strides = array<i32>} : memref<16xf32, #tpu.memory_space<vmem>>, vector<16xf32>,
    %get3A_141 = arith.constant 0 : index
    %get3A_142 = tpu.vector_load %arg19[%get3A_141] {strides = array<i32>} : memref<16xf32, #tpu.memory_space<vmem>>, vector<16xf32>,
    %parallel_loop3A_143 = arith.constant 0 : i32
    %parallel_loop3A_144 = arith.constant 625 : i32
    %parallel_loop3A_145 = arith.constant 1 : i32
    %parallel_loop3A_146:3 = scf.for %parallel_loop3A_346 = %parallel_loop3A_143 to %parallel_loop3A_144 step %parallel_loop3A_145 iter_args(%parallel_loop3A_347 = %get3A_138, %parallel_loop3A_348 = %get3A_140, %parallel_loop3A_349 = %get3A_142) -> (vector<16xf32>, vector<16xf32>, vector<16xf32>)  : i32 {
      %parallel_loop3A_350 = arith.constant 16 : i32
      %parallel_loop3A_351 = arith.muli %parallel_loop3A_346, %parallel_loop3A_350 : i32
      %parallel_loop3A_352 = arith.index_cast %parallel_loop3A_351 : i32 to index
      %parallel_loop3A_353 = tpu.vector_load %arg9[%parallel_loop3A_352] {strides = array<i32>} : memref<10000xf32, #tpu.memory_space<vmem>>, vector<16xf32>,
      %parallel_loop3A_354 = arith.constant 16 : i32
      %parallel_loop3A_355 = arith.muli %parallel_loop3A_346, %parallel_loop3A_354 : i32
      %parallel_loop3A_356 = arith.index_cast %parallel_loop3A_355 : i32 to index
      %parallel_loop3A_357 = tpu.vector_load %arg11[%parallel_loop3A_356] {strides = array<i32>} : memref<10000xf32, #tpu.memory_space<vmem>>, vector<16xf32>,
      %parallel_loop3A_358 = arith.constant 16 : i32
      %parallel_loop3A_359 = arith.muli %parallel_loop3A_346, %parallel_loop3A_358 : i32
      %parallel_loop3A_360 = arith.index_cast %parallel_loop3A_359 : i32 to index
      %parallel_loop3A_361 = tpu.vector_load %arg13[%parallel_loop3A_360] {strides = array<i32>} : memref<10000xi32, #tpu.memory_space<vmem>>, vector<16xi32>,
      %parallel_loop3A_362 = arith.sitofp %parallel_loop3A_361 : vector<16xi32> to vector<16xf32>
      %parallel_loop3A_363 = math.exp %parallel_loop3A_353 : vector<16xf32>
      %parallel_loop3A_364 = arith.constant 4.096000e+03 : f32
      %parallel_loop3A_365 = vector.broadcast %parallel_loop3A_364 : f32 to vector<16xf32>
      %parallel_loop3A_366 = arith.mulf %parallel_loop3A_357, %parallel_loop3A_365 : vector<16xf32>
      %parallel_loop3A_367 = arith.fptosi %parallel_loop3A_366 : vector<16xf32> to vector<16xi32>
      %parallel_loop3A_368 = arith.constant 4095 : i32
      %parallel_loop3A_369 = vector.broadcast %parallel_loop3A_368 : i32 to vector<16xi32>
      %parallel_loop3A_370 = arith.minsi %parallel_loop3A_367, %parallel_loop3A_369 : vector<16xi32>
      tpu.vector_store_idx %arg7[%parallel_loop3A_370], %parallel_loop3A_363 {add = true} : memref<8192xf32, #tpu.memory_space<vmem>>[vector<16xi32>], vector<16xf32>,
      %parallel_loop3A_371 = arith.constant 4096 : i32
      %parallel_loop3A_372 = vector.broadcast %parallel_loop3A_371 : i32 to vector<16xi32>
      %parallel_loop3A_373 = arith.addi %parallel_loop3A_370, %parallel_loop3A_372 : vector<16xi32>
      tpu.vector_store_idx %arg7[%parallel_loop3A_373], %parallel_loop3A_362 {add = true} : memref<8192xf32, #tpu.memory_space<vmem>>[vector<16xi32>], vector<16xf32>,
      %parallel_loop3A_374 = arith.maximumf %parallel_loop3A_347, %parallel_loop3A_353 : vector<16xf32>
      %parallel_loop3A_375 = arith.mulf %parallel_loop3A_362, %parallel_loop3A_353 : vector<16xf32>
      %parallel_loop3A_376 = arith.addf %parallel_loop3A_348, %parallel_loop3A_375 : vector<16xf32>
      %parallel_loop3A_377 = arith.addf %parallel_loop3A_349, %parallel_loop3A_362 : vector<16xf32>
      scf.yield %parallel_loop3A_374, %parallel_loop3A_376, %parallel_loop3A_377 : vector<16xf32>, vector<16xf32>, vector<16xf32>
    } {sc.loop_unroll_factor = 5 : i64, sc.parallel_access}
    %swap3A_147 = arith.constant 0 : index
    %swap3A_148 = tpu.vector_load %arg17[%swap3A_147] {strides = array<i32>} : memref<16xf32, #tpu.memory_space<vmem>>, vector<16xf32>,
    tpu.vector_store %arg17[%swap3A_147], %parallel_loop3A_146#0 {strides = array<i32>} : memref<16xf32, #tpu.memory_space<vmem>>, vector<16xf32>,
    %swap3A_149 = arith.constant 0 : index
    %swap3A_150 = tpu.vector_load %arg18[%swap3A_149] {strides = array<i32>} : memref<16xf32, #tpu.memory_space<vmem>>, vector<16xf32>,
    tpu.vector_store %arg18[%swap3A_149], %parallel_loop3A_146#1 {strides = array<i32>} : memref<16xf32, #tpu.memory_space<vmem>>, vector<16xf32>,
    %swap3A_151 = arith.constant 0 : index
    %swap3A_152 = tpu.vector_load %arg19[%swap3A_151] {strides = array<i32>} : memref<16xf32, #tpu.memory_space<vmem>>, vector<16xf32>,
    tpu.vector_store %arg19[%swap3A_151], %parallel_loop3A_146#2 {strides = array<i32>} : memref<16xf32, #tpu.memory_space<vmem>>, vector<16xf32>,
    %add3A_153 = arith.constant 48 : i32
    %add3A_154 = arith.addi %arg1, %add3A_153 : i32
    %mul3A_155 = arith.constant 10000 : i32
    %mul3A_156 = arith.muli %add3A_154, %mul3A_155 : i32
    %dma_wait3A_157 = tpu.memref_slice %arg2[%mul3A_156] : memref<1000000xf32, #tpu.memory_space<hbm>> -> memref<10000xf32, #tpu.memory_space<hbm>>
    %dma_wait3A_158 = tpu.memref_slice %arg2[%mul3A_156] : memref<1000000xf32, #tpu.memory_space<hbm>> -> memref<10000xf32, #tpu.memory_space<hbm>>
    tpu.wait_dma2 semaphore(%arg22 : memref<!tpu.dma_semaphore, #tpu.memory_space<semaphore_mem>>) src(%dma_wait3A_158 : memref<10000xf32, #tpu.memory_space<hbm>>) dst(%arg10 : memref<10000xf32, #tpu.memory_space<vmem>>)
    %mul3A_159 = arith.constant 10000 : i32
    %mul3A_160 = arith.muli %add3A_154, %mul3A_159 : i32
    %dma_wait3A_161 = tpu.memref_slice %arg3[%mul3A_160] : memref<1000000xf32, #tpu.memory_space<hbm>> -> memref<10000xf32, #tpu.memory_space<hbm>>
    %dma_wait3A_162 = tpu.memref_slice %arg3[%mul3A_160] : memref<1000000xf32, #tpu.memory_space<hbm>> -> memref<10000xf32, #tpu.memory_space<hbm>>
    tpu.wait_dma2 semaphore(%arg24 : memref<!tpu.dma_semaphore, #tpu.memory_space<semaphore_mem>>) src(%dma_wait3A_162 : memref<10000xf32, #tpu.memory_space<hbm>>) dst(%arg12 : memref<10000xf32, #tpu.memory_space<vmem>>)
    %mul3A_163 = arith.constant 10000 : i32
    %mul3A_164 = arith.muli %add3A_154, %mul3A_163 : i32
    %dma_wait3A_165 = tpu.memref_slice %arg4[%mul3A_164] : memref<1000000xi32, #tpu.memory_space<hbm>> -> memref<10000xi32, #tpu.memory_space<hbm>>
    %dma_wait3A_166 = tpu.memref_slice %arg4[%mul3A_164] : memref<1000000xi32, #tpu.memory_space<hbm>> -> memref<10000xi32, #tpu.memory_space<hbm>>
    tpu.wait_dma2 semaphore(%arg26 : memref<!tpu.dma_semaphore, #tpu.memory_space<semaphore_mem>>) src(%dma_wait3A_166 : memref<10000xi32, #tpu.memory_space<hbm>>) dst(%arg14 : memref<10000xi32, #tpu.memory_space<vmem>>)
    %add3A_167 = arith.constant 64 : i32
    %add3A_168 = arith.addi %arg1, %add3A_167 : i32
    %mul3A_169 = arith.constant 10000 : i32
    %mul3A_170 = arith.muli %add3A_168, %mul3A_169 : i32
    %dma_start3A_171 = tpu.memref_slice %arg2[%mul3A_170] : memref<1000000xf32, #tpu.memory_space<hbm>> -> memref<10000xf32, #tpu.memory_space<hbm>>
    %dma_start3A_172 = tpu.memref_slice %arg2[%mul3A_170] : memref<1000000xf32, #tpu.memory_space<hbm>> -> memref<10000xf32, #tpu.memory_space<hbm>>
    tpu.enqueue_dma source(%dma_start3A_172 : memref<10000xf32, #tpu.memory_space<hbm>>) target(%arg9 : memref<10000xf32, #tpu.memory_space<vmem>>) target_semaphore(%arg21 : memref<!tpu.dma_semaphore, #tpu.memory_space<semaphore_mem>>)
    %mul3A_173 = arith.constant 10000 : i32
    %mul3A_174 = arith.muli %add3A_168, %mul3A_173 : i32
    %dma_start3A_175 = tpu.memref_slice %arg3[%mul3A_174] : memref<1000000xf32, #tpu.memory_space<hbm>> -> memref<10000xf32, #tpu.memory_space<hbm>>
    %dma_start3A_176 = tpu.memref_slice %arg3[%mul3A_174] : memref<1000000xf32, #tpu.memory_space<hbm>> -> memref<10000xf32, #tpu.memory_space<hbm>>
    tpu.enqueue_dma source(%dma_start3A_176 : memref<10000xf32, #tpu.memory_space<hbm>>) target(%arg11 : memref<10000xf32, #tpu.memory_space<vmem>>) target_semaphore(%arg23 : memref<!tpu.dma_semaphore, #tpu.memory_space<semaphore_mem>>)
    %mul3A_177 = arith.constant 10000 : i32
    %mul3A_178 = arith.muli %add3A_168, %mul3A_177 : i32
    %dma_start3A_179 = tpu.memref_slice %arg4[%mul3A_178] : memref<1000000xi32, #tpu.memory_space<hbm>> -> memref<10000xi32, #tpu.memory_space<hbm>>
    %dma_start3A_180 = tpu.memref_slice %arg4[%mul3A_178] : memref<1000000xi32, #tpu.memory_space<hbm>> -> memref<10000xi32, #tpu.memory_space<hbm>>
    tpu.enqueue_dma source(%dma_start3A_180 : memref<10000xi32, #tpu.memory_space<hbm>>) target(%arg13 : memref<10000xi32, #tpu.memory_space<vmem>>) target_semaphore(%arg25 : memref<!tpu.dma_semaphore, #tpu.memory_space<semaphore_mem>>)
    %get3A_181 = arith.constant 0 : index
    %get3A_182 = tpu.vector_load %arg17[%get3A_181] {strides = array<i32>} : memref<16xf32, #tpu.memory_space<vmem>>, vector<16xf32>,
    %get3A_183 = arith.constant 0 : index
    %get3A_184 = tpu.vector_load %arg18[%get3A_183] {strides = array<i32>} : memref<16xf32, #tpu.memory_space<vmem>>, vector<16xf32>,
    %get3A_185 = arith.constant 0 : index
    %get3A_186 = tpu.vector_load %arg19[%get3A_185] {strides = array<i32>} : memref<16xf32, #tpu.memory_space<vmem>>, vector<16xf32>,
    %parallel_loop3A_187 = arith.constant 0 : i32
    %parallel_loop3A_188 = arith.constant 625 : i32
    %parallel_loop3A_189 = arith.constant 1 : i32
    %parallel_loop3A_190:3 = scf.for %parallel_loop3A_346 = %parallel_loop3A_187 to %parallel_loop3A_188 step %parallel_loop3A_189 iter_args(%parallel_loop3A_347 = %get3A_182, %parallel_loop3A_348 = %get3A_184, %parallel_loop3A_349 = %get3A_186) -> (vector<16xf32>, vector<16xf32>, vector<16xf32>)  : i32 {
      %parallel_loop3A_350 = arith.constant 16 : i32
      %parallel_loop3A_351 = arith.muli %parallel_loop3A_346, %parallel_loop3A_350 : i32
      %parallel_loop3A_352 = arith.index_cast %parallel_loop3A_351 : i32 to index
      %parallel_loop3A_353 = tpu.vector_load %arg10[%parallel_loop3A_352] {strides = array<i32>} : memref<10000xf32, #tpu.memory_space<vmem>>, vector<16xf32>,
      %parallel_loop3A_354 = arith.constant 16 : i32
      %parallel_loop3A_355 = arith.muli %parallel_loop3A_346, %parallel_loop3A_354 : i32
      %parallel_loop3A_356 = arith.index_cast %parallel_loop3A_355 : i32 to index
      %parallel_loop3A_357 = tpu.vector_load %arg12[%parallel_loop3A_356] {strides = array<i32>} : memref<10000xf32, #tpu.memory_space<vmem>>, vector<16xf32>,
      %parallel_loop3A_358 = arith.constant 16 : i32
      %parallel_loop3A_359 = arith.muli %parallel_loop3A_346, %parallel_loop3A_358 : i32
      %parallel_loop3A_360 = arith.index_cast %parallel_loop3A_359 : i32 to index
      %parallel_loop3A_361 = tpu.vector_load %arg14[%parallel_loop3A_360] {strides = array<i32>} : memref<10000xi32, #tpu.memory_space<vmem>>, vector<16xi32>,
      %parallel_loop3A_362 = arith.sitofp %parallel_loop3A_361 : vector<16xi32> to vector<16xf32>
      %parallel_loop3A_363 = math.exp %parallel_loop3A_353 : vector<16xf32>
      %parallel_loop3A_364 = arith.constant 4.096000e+03 : f32
      %parallel_loop3A_365 = vector.broadcast %parallel_loop3A_364 : f32 to vector<16xf32>
      %parallel_loop3A_366 = arith.mulf %parallel_loop3A_357, %parallel_loop3A_365 : vector<16xf32>
      %parallel_loop3A_367 = arith.fptosi %parallel_loop3A_366 : vector<16xf32> to vector<16xi32>
      %parallel_loop3A_368 = arith.constant 4095 : i32
      %parallel_loop3A_369 = vector.broadcast %parallel_loop3A_368 : i32 to vector<16xi32>
      %parallel_loop3A_370 = arith.minsi %parallel_loop3A_367, %parallel_loop3A_369 : vector<16xi32>
      tpu.vector_store_idx %arg7[%parallel_loop3A_370], %parallel_loop3A_363 {add = true} : memref<8192xf32, #tpu.memory_space<vmem>>[vector<16xi32>], vector<16xf32>,
      %parallel_loop3A_371 = arith.constant 4096 : i32
      %parallel_loop3A_372 = vector.broadcast %parallel_loop3A_371 : i32 to vector<16xi32>
      %parallel_loop3A_373 = arith.addi %parallel_loop3A_370, %parallel_loop3A_372 : vector<16xi32>
      tpu.vector_store_idx %arg7[%parallel_loop3A_373], %parallel_loop3A_362 {add = true} : memref<8192xf32, #tpu.memory_space<vmem>>[vector<16xi32>], vector<16xf32>,
      %parallel_loop3A_374 = arith.maximumf %parallel_loop3A_347, %parallel_loop3A_353 : vector<16xf32>
      %parallel_loop3A_375 = arith.mulf %parallel_loop3A_362, %parallel_loop3A_353 : vector<16xf32>
      %parallel_loop3A_376 = arith.addf %parallel_loop3A_348, %parallel_loop3A_375 : vector<16xf32>
      %parallel_loop3A_377 = arith.addf %parallel_loop3A_349, %parallel_loop3A_362 : vector<16xf32>
      scf.yield %parallel_loop3A_374, %parallel_loop3A_376, %parallel_loop3A_377 : vector<16xf32>, vector<16xf32>, vector<16xf32>
    } {sc.loop_unroll_factor = 5 : i64, sc.parallel_access}
    %swap3A_191 = arith.constant 0 : index
    %swap3A_192 = tpu.vector_load %arg17[%swap3A_191] {strides = array<i32>} : memref<16xf32, #tpu.memory_space<vmem>>, vector<16xf32>,
    tpu.vector_store %arg17[%swap3A_191], %parallel_loop3A_190#0 {strides = array<i32>} : memref<16xf32, #tpu.memory_space<vmem>>, vector<16xf32>,
    %swap3A_193 = arith.constant 0 : index
    %swap3A_194 = tpu.vector_load %arg18[%swap3A_193] {strides = array<i32>} : memref<16xf32, #tpu.memory_space<vmem>>, vector<16xf32>,
    tpu.vector_store %arg18[%swap3A_193], %parallel_loop3A_190#1 {strides = array<i32>} : memref<16xf32, #tpu.memory_space<vmem>>, vector<16xf32>,
    %swap3A_195 = arith.constant 0 : index
    %swap3A_196 = tpu.vector_load %arg19[%swap3A_195] {strides = array<i32>} : memref<16xf32, #tpu.memory_space<vmem>>, vector<16xf32>,
    tpu.vector_store %arg19[%swap3A_195], %parallel_loop3A_190#2 {strides = array<i32>} : memref<16xf32, #tpu.memory_space<vmem>>, vector<16xf32>,
    %add3A_197 = arith.constant 64 : i32
    %add3A_198 = arith.addi %arg1, %add3A_197 : i32
    %mul3A_199 = arith.constant 10000 : i32
    %mul3A_200 = arith.muli %add3A_198, %mul3A_199 : i32
    %dma_wait3A_201 = tpu.memref_slice %arg2[%mul3A_200] : memref<1000000xf32, #tpu.memory_space<hbm>> -> memref<10000xf32, #tpu.memory_space<hbm>>
    %dma_wait3A_202 = tpu.memref_slice %arg2[%mul3A_200] : memref<1000000xf32, #tpu.memory_space<hbm>> -> memref<10000xf32, #tpu.memory_space<hbm>>
    tpu.wait_dma2 semaphore(%arg21 : memref<!tpu.dma_semaphore, #tpu.memory_space<semaphore_mem>>) src(%dma_wait3A_202 : memref<10000xf32, #tpu.memory_space<hbm>>) dst(%arg9 : memref<10000xf32, #tpu.memory_space<vmem>>)
    %mul3A_203 = arith.constant 10000 : i32
    %mul3A_204 = arith.muli %add3A_198, %mul3A_203 : i32
    %dma_wait3A_205 = tpu.memref_slice %arg3[%mul3A_204] : memref<1000000xf32, #tpu.memory_space<hbm>> -> memref<10000xf32, #tpu.memory_space<hbm>>
    %dma_wait3A_206 = tpu.memref_slice %arg3[%mul3A_204] : memref<1000000xf32, #tpu.memory_space<hbm>> -> memref<10000xf32, #tpu.memory_space<hbm>>
    tpu.wait_dma2 semaphore(%arg23 : memref<!tpu.dma_semaphore, #tpu.memory_space<semaphore_mem>>) src(%dma_wait3A_206 : memref<10000xf32, #tpu.memory_space<hbm>>) dst(%arg11 : memref<10000xf32, #tpu.memory_space<vmem>>)
    %mul3A_207 = arith.constant 10000 : i32
    %mul3A_208 = arith.muli %add3A_198, %mul3A_207 : i32
    %dma_wait3A_209 = tpu.memref_slice %arg4[%mul3A_208] : memref<1000000xi32, #tpu.memory_space<hbm>> -> memref<10000xi32, #tpu.memory_space<hbm>>
    %dma_wait3A_210 = tpu.memref_slice %arg4[%mul3A_208] : memref<1000000xi32, #tpu.memory_space<hbm>> -> memref<10000xi32, #tpu.memory_space<hbm>>
    tpu.wait_dma2 semaphore(%arg25 : memref<!tpu.dma_semaphore, #tpu.memory_space<semaphore_mem>>) src(%dma_wait3A_210 : memref<10000xi32, #tpu.memory_space<hbm>>) dst(%arg13 : memref<10000xi32, #tpu.memory_space<vmem>>)
    %add3A_211 = arith.constant 80 : i32
    %add3A_212 = arith.addi %arg1, %add3A_211 : i32
    %mul3A_213 = arith.constant 10000 : i32
    %mul3A_214 = arith.muli %add3A_212, %mul3A_213 : i32
    %dma_start3A_215 = tpu.memref_slice %arg2[%mul3A_214] : memref<1000000xf32, #tpu.memory_space<hbm>> -> memref<10000xf32, #tpu.memory_space<hbm>>
    %dma_start3A_216 = tpu.memref_slice %arg2[%mul3A_214] : memref<1000000xf32, #tpu.memory_space<hbm>> -> memref<10000xf32, #tpu.memory_space<hbm>>
    tpu.enqueue_dma source(%dma_start3A_216 : memref<10000xf32, #tpu.memory_space<hbm>>) target(%arg10 : memref<10000xf32, #tpu.memory_space<vmem>>) target_semaphore(%arg22 : memref<!tpu.dma_semaphore, #tpu.memory_space<semaphore_mem>>)
    %mul3A_217 = arith.constant 10000 : i32
    %mul3A_218 = arith.muli %add3A_212, %mul3A_217 : i32
    %dma_start3A_219 = tpu.memref_slice %arg3[%mul3A_218] : memref<1000000xf32, #tpu.memory_space<hbm>> -> memref<10000xf32, #tpu.memory_space<hbm>>
    %dma_start3A_220 = tpu.memref_slice %arg3[%mul3A_218] : memref<1000000xf32, #tpu.memory_space<hbm>> -> memref<10000xf32, #tpu.memory_space<hbm>>
    tpu.enqueue_dma source(%dma_start3A_220 : memref<10000xf32, #tpu.memory_space<hbm>>) target(%arg12 : memref<10000xf32, #tpu.memory_space<vmem>>) target_semaphore(%arg24 : memref<!tpu.dma_semaphore, #tpu.memory_space<semaphore_mem>>)
    %mul3A_221 = arith.constant 10000 : i32
    %mul3A_222 = arith.muli %add3A_212, %mul3A_221 : i32
    %dma_start3A_223 = tpu.memref_slice %arg4[%mul3A_222] : memref<1000000xi32, #tpu.memory_space<hbm>> -> memref<10000xi32, #tpu.memory_space<hbm>>
    %dma_start3A_224 = tpu.memref_slice %arg4[%mul3A_222] : memref<1000000xi32, #tpu.memory_space<hbm>> -> memref<10000xi32, #tpu.memory_space<hbm>>
    tpu.enqueue_dma source(%dma_start3A_224 : memref<10000xi32, #tpu.memory_space<hbm>>) target(%arg14 : memref<10000xi32, #tpu.memory_space<vmem>>) target_semaphore(%arg26 : memref<!tpu.dma_semaphore, #tpu.memory_space<semaphore_mem>>)
    %get3A_225 = arith.constant 0 : index
    %get3A_226 = tpu.vector_load %arg17[%get3A_225] {strides = array<i32>} : memref<16xf32, #tpu.memory_space<vmem>>, vector<16xf32>,
    %get3A_227 = arith.constant 0 : index
    %get3A_228 = tpu.vector_load %arg18[%get3A_227] {strides = array<i32>} : memref<16xf32, #tpu.memory_space<vmem>>, vector<16xf32>,
    %get3A_229 = arith.constant 0 : index
    %get3A_230 = tpu.vector_load %arg19[%get3A_229] {strides = array<i32>} : memref<16xf32, #tpu.memory_space<vmem>>, vector<16xf32>,
    %parallel_loop3A_231 = arith.constant 0 : i32
    %parallel_loop3A_232 = arith.constant 625 : i32
    %parallel_loop3A_233 = arith.constant 1 : i32
    %parallel_loop3A_234:3 = scf.for %parallel_loop3A_346 = %parallel_loop3A_231 to %parallel_loop3A_232 step %parallel_loop3A_233 iter_args(%parallel_loop3A_347 = %get3A_226, %parallel_loop3A_348 = %get3A_228, %parallel_loop3A_349 = %get3A_230) -> (vector<16xf32>, vector<16xf32>, vector<16xf32>)  : i32 {
      %parallel_loop3A_350 = arith.constant 16 : i32
      %parallel_loop3A_351 = arith.muli %parallel_loop3A_346, %parallel_loop3A_350 : i32
      %parallel_loop3A_352 = arith.index_cast %parallel_loop3A_351 : i32 to index
      %parallel_loop3A_353 = tpu.vector_load %arg9[%parallel_loop3A_352] {strides = array<i32>} : memref<10000xf32, #tpu.memory_space<vmem>>, vector<16xf32>,
      %parallel_loop3A_354 = arith.constant 16 : i32
      %parallel_loop3A_355 = arith.muli %parallel_loop3A_346, %parallel_loop3A_354 : i32
      %parallel_loop3A_356 = arith.index_cast %parallel_loop3A_355 : i32 to index
      %parallel_loop3A_357 = tpu.vector_load %arg11[%parallel_loop3A_356] {strides = array<i32>} : memref<10000xf32, #tpu.memory_space<vmem>>, vector<16xf32>,
      %parallel_loop3A_358 = arith.constant 16 : i32
      %parallel_loop3A_359 = arith.muli %parallel_loop3A_346, %parallel_loop3A_358 : i32
      %parallel_loop3A_360 = arith.index_cast %parallel_loop3A_359 : i32 to index
      %parallel_loop3A_361 = tpu.vector_load %arg13[%parallel_loop3A_360] {strides = array<i32>} : memref<10000xi32, #tpu.memory_space<vmem>>, vector<16xi32>,
      %parallel_loop3A_362 = arith.sitofp %parallel_loop3A_361 : vector<16xi32> to vector<16xf32>
      %parallel_loop3A_363 = math.exp %parallel_loop3A_353 : vector<16xf32>
      %parallel_loop3A_364 = arith.constant 4.096000e+03 : f32
      %parallel_loop3A_365 = vector.broadcast %parallel_loop3A_364 : f32 to vector<16xf32>
      %parallel_loop3A_366 = arith.mulf %parallel_loop3A_357, %parallel_loop3A_365 : vector<16xf32>
      %parallel_loop3A_367 = arith.fptosi %parallel_loop3A_366 : vector<16xf32> to vector<16xi32>
      %parallel_loop3A_368 = arith.constant 4095 : i32
      %parallel_loop3A_369 = vector.broadcast %parallel_loop3A_368 : i32 to vector<16xi32>
      %parallel_loop3A_370 = arith.minsi %parallel_loop3A_367, %parallel_loop3A_369 : vector<16xi32>
      tpu.vector_store_idx %arg7[%parallel_loop3A_370], %parallel_loop3A_363 {add = true} : memref<8192xf32, #tpu.memory_space<vmem>>[vector<16xi32>], vector<16xf32>,
      %parallel_loop3A_371 = arith.constant 4096 : i32
      %parallel_loop3A_372 = vector.broadcast %parallel_loop3A_371 : i32 to vector<16xi32>
      %parallel_loop3A_373 = arith.addi %parallel_loop3A_370, %parallel_loop3A_372 : vector<16xi32>
      tpu.vector_store_idx %arg7[%parallel_loop3A_373], %parallel_loop3A_362 {add = true} : memref<8192xf32, #tpu.memory_space<vmem>>[vector<16xi32>], vector<16xf32>,
      %parallel_loop3A_374 = arith.maximumf %parallel_loop3A_347, %parallel_loop3A_353 : vector<16xf32>
      %parallel_loop3A_375 = arith.mulf %parallel_loop3A_362, %parallel_loop3A_353 : vector<16xf32>
      %parallel_loop3A_376 = arith.addf %parallel_loop3A_348, %parallel_loop3A_375 : vector<16xf32>
      %parallel_loop3A_377 = arith.addf %parallel_loop3A_349, %parallel_loop3A_362 : vector<16xf32>
      scf.yield %parallel_loop3A_374, %parallel_loop3A_376, %parallel_loop3A_377 : vector<16xf32>, vector<16xf32>, vector<16xf32>
    } {sc.loop_unroll_factor = 5 : i64, sc.parallel_access}
    %swap3A_235 = arith.constant 0 : index
    %swap3A_236 = tpu.vector_load %arg17[%swap3A_235] {strides = array<i32>} : memref<16xf32, #tpu.memory_space<vmem>>, vector<16xf32>,
    tpu.vector_store %arg17[%swap3A_235], %parallel_loop3A_234#0 {strides = array<i32>} : memref<16xf32, #tpu.memory_space<vmem>>, vector<16xf32>,
    %swap3A_237 = arith.constant 0 : index
    %swap3A_238 = tpu.vector_load %arg18[%swap3A_237] {strides = array<i32>} : memref<16xf32, #tpu.memory_space<vmem>>, vector<16xf32>,
    tpu.vector_store %arg18[%swap3A_237], %parallel_loop3A_234#1 {strides = array<i32>} : memref<16xf32, #tpu.memory_space<vmem>>, vector<16xf32>,
    %swap3A_239 = arith.constant 0 : index
    %swap3A_240 = tpu.vector_load %arg19[%swap3A_239] {strides = array<i32>} : memref<16xf32, #tpu.memory_space<vmem>>, vector<16xf32>,
    tpu.vector_store %arg19[%swap3A_239], %parallel_loop3A_234#2 {strides = array<i32>} : memref<16xf32, #tpu.memory_space<vmem>>, vector<16xf32>,
    %add3A_241 = arith.constant 80 : i32
    %add3A_242 = arith.addi %arg1, %add3A_241 : i32
    %mul3A_243 = arith.constant 10000 : i32
    %mul3A_244 = arith.muli %add3A_242, %mul3A_243 : i32
    %dma_wait3A_245 = tpu.memref_slice %arg2[%mul3A_244] : memref<1000000xf32, #tpu.memory_space<hbm>> -> memref<10000xf32, #tpu.memory_space<hbm>>
    %dma_wait3A_246 = tpu.memref_slice %arg2[%mul3A_244] : memref<1000000xf32, #tpu.memory_space<hbm>> -> memref<10000xf32, #tpu.memory_space<hbm>>
    tpu.wait_dma2 semaphore(%arg22 : memref<!tpu.dma_semaphore, #tpu.memory_space<semaphore_mem>>) src(%dma_wait3A_246 : memref<10000xf32, #tpu.memory_space<hbm>>) dst(%arg10 : memref<10000xf32, #tpu.memory_space<vmem>>)
    %mul3A_247 = arith.constant 10000 : i32
    %mul3A_248 = arith.muli %add3A_242, %mul3A_247 : i32
    %dma_wait3A_249 = tpu.memref_slice %arg3[%mul3A_248] : memref<1000000xf32, #tpu.memory_space<hbm>> -> memref<10000xf32, #tpu.memory_space<hbm>>
    %dma_wait3A_250 = tpu.memref_slice %arg3[%mul3A_248] : memref<1000000xf32, #tpu.memory_space<hbm>> -> memref<10000xf32, #tpu.memory_space<hbm>>
    tpu.wait_dma2 semaphore(%arg24 : memref<!tpu.dma_semaphore, #tpu.memory_space<semaphore_mem>>) src(%dma_wait3A_250 : memref<10000xf32, #tpu.memory_space<hbm>>) dst(%arg12 : memref<10000xf32, #tpu.memory_space<vmem>>)
    %mul3A_251 = arith.constant 10000 : i32
    %mul3A_252 = arith.muli %add3A_242, %mul3A_251 : i32
    %dma_wait3A_253 = tpu.memref_slice %arg4[%mul3A_252] : memref<1000000xi32, #tpu.memory_space<hbm>> -> memref<10000xi32, #tpu.memory_space<hbm>>
    %dma_wait3A_254 = tpu.memref_slice %arg4[%mul3A_252] : memref<1000000xi32, #tpu.memory_space<hbm>> -> memref<10000xi32, #tpu.memory_space<hbm>>
    tpu.wait_dma2 semaphore(%arg26 : memref<!tpu.dma_semaphore, #tpu.memory_space<semaphore_mem>>) src(%dma_wait3A_254 : memref<10000xi32, #tpu.memory_space<hbm>>) dst(%arg14 : memref<10000xi32, #tpu.memory_space<vmem>>)
    %add3A_255 = arith.constant 96 : i32
    %add3A_256 = arith.addi %arg1, %add3A_255 : i32
    %lt3A = arith.constant 100 : i32
    %lt3A_257 = arith.cmpi slt, %add3A_256, %lt3A : i32
    %convert_element_type3A = arith.extui %lt3A_257 : i1 to i32
    %cond3A = arith.constant 0 : i32
    %cond3A_258 = arith.cmpi ne, %convert_element_type3A, %cond3A : i32
    scf.if %cond3A_258 {
      %mul3A_346 = arith.constant 10000 : i32
      %mul3A_347 = arith.muli %add3A_256, %mul3A_346 : i32
      %dma_start3A_348 = tpu.memref_slice %arg2[%mul3A_347] : memref<1000000xf32, #tpu.memory_space<hbm>> -> memref<10000xf32, #tpu.memory_space<hbm>>
      %dma_start3A_349 = tpu.memref_slice %arg2[%mul3A_347] : memref<1000000xf32, #tpu.memory_space<hbm>> -> memref<10000xf32, #tpu.memory_space<hbm>>
      tpu.enqueue_dma source(%dma_start3A_349 : memref<10000xf32, #tpu.memory_space<hbm>>) target(%arg9 : memref<10000xf32, #tpu.memory_space<vmem>>) target_semaphore(%arg21 : memref<!tpu.dma_semaphore, #tpu.memory_space<semaphore_mem>>)
      %mul3A_350 = arith.constant 10000 : i32
      %mul3A_351 = arith.muli %add3A_256, %mul3A_350 : i32
      %dma_start3A_352 = tpu.memref_slice %arg3[%mul3A_351] : memref<1000000xf32, #tpu.memory_space<hbm>> -> memref<10000xf32, #tpu.memory_space<hbm>>
      %dma_start3A_353 = tpu.memref_slice %arg3[%mul3A_351] : memref<1000000xf32, #tpu.memory_space<hbm>> -> memref<10000xf32, #tpu.memory_space<hbm>>
      tpu.enqueue_dma source(%dma_start3A_353 : memref<10000xf32, #tpu.memory_space<hbm>>) target(%arg11 : memref<10000xf32, #tpu.memory_space<vmem>>) target_semaphore(%arg23 : memref<!tpu.dma_semaphore, #tpu.memory_space<semaphore_mem>>)
      %mul3A_354 = arith.constant 10000 : i32
      %mul3A_355 = arith.muli %add3A_256, %mul3A_354 : i32
      %dma_start3A_356 = tpu.memref_slice %arg4[%mul3A_355] : memref<1000000xi32, #tpu.memory_space<hbm>> -> memref<10000xi32, #tpu.memory_space<hbm>>
      %dma_start3A_357 = tpu.memref_slice %arg4[%mul3A_355] : memref<1000000xi32, #tpu.memory_space<hbm>> -> memref<10000xi32, #tpu.memory_space<hbm>>
      tpu.enqueue_dma source(%dma_start3A_357 : memref<10000xi32, #tpu.memory_space<hbm>>) target(%arg13 : memref<10000xi32, #tpu.memory_space<vmem>>) target_semaphore(%arg25 : memref<!tpu.dma_semaphore, #tpu.memory_space<semaphore_mem>>)
    } else {
    }
    %get3A_259 = arith.constant 0 : index
    %get3A_260 = tpu.vector_load %arg17[%get3A_259] {strides = array<i32>} : memref<16xf32, #tpu.memory_space<vmem>>, vector<16xf32>,
    %get3A_261 = arith.constant 0 : index
    %get3A_262 = tpu.vector_load %arg18[%get3A_261] {strides = array<i32>} : memref<16xf32, #tpu.memory_space<vmem>>, vector<16xf32>,
    %get3A_263 = arith.constant 0 : index
    %get3A_264 = tpu.vector_load %arg19[%get3A_263] {strides = array<i32>} : memref<16xf32, #tpu.memory_space<vmem>>, vector<16xf32>,
    %parallel_loop3A_265 = arith.constant 0 : i32
    %parallel_loop3A_266 = arith.constant 625 : i32
    %parallel_loop3A_267 = arith.constant 1 : i32
    %parallel_loop3A_268:3 = scf.for %parallel_loop3A_346 = %parallel_loop3A_265 to %parallel_loop3A_266 step %parallel_loop3A_267 iter_args(%parallel_loop3A_347 = %get3A_260, %parallel_loop3A_348 = %get3A_262, %parallel_loop3A_349 = %get3A_264) -> (vector<16xf32>, vector<16xf32>, vector<16xf32>)  : i32 {
      %parallel_loop3A_350 = arith.constant 16 : i32
      %parallel_loop3A_351 = arith.muli %parallel_loop3A_346, %parallel_loop3A_350 : i32
      %parallel_loop3A_352 = arith.index_cast %parallel_loop3A_351 : i32 to index
      %parallel_loop3A_353 = tpu.vector_load %arg10[%parallel_loop3A_352] {strides = array<i32>} : memref<10000xf32, #tpu.memory_space<vmem>>, vector<16xf32>,
      %parallel_loop3A_354 = arith.constant 16 : i32
      %parallel_loop3A_355 = arith.muli %parallel_loop3A_346, %parallel_loop3A_354 : i32
      %parallel_loop3A_356 = arith.index_cast %parallel_loop3A_355 : i32 to index
      %parallel_loop3A_357 = tpu.vector_load %arg12[%parallel_loop3A_356] {strides = array<i32>} : memref<10000xf32, #tpu.memory_space<vmem>>, vector<16xf32>,
      %parallel_loop3A_358 = arith.constant 16 : i32
      %parallel_loop3A_359 = arith.muli %parallel_loop3A_346, %parallel_loop3A_358 : i32
      %parallel_loop3A_360 = arith.index_cast %parallel_loop3A_359 : i32 to index
      %parallel_loop3A_361 = tpu.vector_load %arg14[%parallel_loop3A_360] {strides = array<i32>} : memref<10000xi32, #tpu.memory_space<vmem>>, vector<16xi32>,
      %parallel_loop3A_362 = arith.sitofp %parallel_loop3A_361 : vector<16xi32> to vector<16xf32>
      %parallel_loop3A_363 = math.exp %parallel_loop3A_353 : vector<16xf32>
      %parallel_loop3A_364 = arith.constant 4.096000e+03 : f32
      %parallel_loop3A_365 = vector.broadcast %parallel_loop3A_364 : f32 to vector<16xf32>
      %parallel_loop3A_366 = arith.mulf %parallel_loop3A_357, %parallel_loop3A_365 : vector<16xf32>
      %parallel_loop3A_367 = arith.fptosi %parallel_loop3A_366 : vector<16xf32> to vector<16xi32>
      %parallel_loop3A_368 = arith.constant 4095 : i32
      %parallel_loop3A_369 = vector.broadcast %parallel_loop3A_368 : i32 to vector<16xi32>
      %parallel_loop3A_370 = arith.minsi %parallel_loop3A_367, %parallel_loop3A_369 : vector<16xi32>
      tpu.vector_store_idx %arg7[%parallel_loop3A_370], %parallel_loop3A_363 {add = true} : memref<8192xf32, #tpu.memory_space<vmem>>[vector<16xi32>], vector<16xf32>,
      %parallel_loop3A_371 = arith.constant 4096 : i32
      %parallel_loop3A_372 = vector.broadcast %parallel_loop3A_371 : i32 to vector<16xi32>
      %parallel_loop3A_373 = arith.addi %parallel_loop3A_370, %parallel_loop3A_372 : vector<16xi32>
      tpu.vector_store_idx %arg7[%parallel_loop3A_373], %parallel_loop3A_362 {add = true} : memref<8192xf32, #tpu.memory_space<vmem>>[vector<16xi32>], vector<16xf32>,
      %parallel_loop3A_374 = arith.maximumf %parallel_loop3A_347, %parallel_loop3A_353 : vector<16xf32>
      %parallel_loop3A_375 = arith.mulf %parallel_loop3A_362, %parallel_loop3A_353 : vector<16xf32>
      %parallel_loop3A_376 = arith.addf %parallel_loop3A_348, %parallel_loop3A_375 : vector<16xf32>
      %parallel_loop3A_377 = arith.addf %parallel_loop3A_349, %parallel_loop3A_362 : vector<16xf32>
      scf.yield %parallel_loop3A_374, %parallel_loop3A_376, %parallel_loop3A_377 : vector<16xf32>, vector<16xf32>, vector<16xf32>
    } {sc.loop_unroll_factor = 5 : i64, sc.parallel_access}
    %swap3A_269 = arith.constant 0 : index
    %swap3A_270 = tpu.vector_load %arg17[%swap3A_269] {strides = array<i32>} : memref<16xf32, #tpu.memory_space<vmem>>, vector<16xf32>,
    tpu.vector_store %arg17[%swap3A_269], %parallel_loop3A_268#0 {strides = array<i32>} : memref<16xf32, #tpu.memory_space<vmem>>, vector<16xf32>,
    %swap3A_271 = arith.constant 0 : index
    %swap3A_272 = tpu.vector_load %arg18[%swap3A_271] {strides = array<i32>} : memref<16xf32, #tpu.memory_space<vmem>>, vector<16xf32>,
    tpu.vector_store %arg18[%swap3A_271], %parallel_loop3A_268#1 {strides = array<i32>} : memref<16xf32, #tpu.memory_space<vmem>>, vector<16xf32>,
    %swap3A_273 = arith.constant 0 : index
    %swap3A_274 = tpu.vector_load %arg19[%swap3A_273] {strides = array<i32>} : memref<16xf32, #tpu.memory_space<vmem>>, vector<16xf32>,
    tpu.vector_store %arg19[%swap3A_273], %parallel_loop3A_268#2 {strides = array<i32>} : memref<16xf32, #tpu.memory_space<vmem>>, vector<16xf32>,
    %add3A_275 = arith.constant 96 : i32
    %add3A_276 = arith.addi %arg1, %add3A_275 : i32
    %lt3A_277 = arith.constant 100 : i32
    %lt3A_278 = arith.cmpi slt, %add3A_276, %lt3A_277 : i32
    %convert_element_type3A_279 = arith.extui %lt3A_278 : i1 to i32
    %cond3A_280 = arith.constant 0 : i32
    %cond3A_281 = arith.cmpi ne, %convert_element_type3A_279, %cond3A_280 : i32
    scf.if %cond3A_281 {
      %mul3A_346 = arith.constant 10000 : i32
      %mul3A_347 = arith.muli %add3A_276, %mul3A_346 : i32
      %dma_wait3A_348 = tpu.memref_slice %arg2[%mul3A_347] : memref<1000000xf32, #tpu.memory_space<hbm>> -> memref<10000xf32, #tpu.memory_space<hbm>>
      %dma_wait3A_349 = tpu.memref_slice %arg2[%mul3A_347] : memref<1000000xf32, #tpu.memory_space<hbm>> -> memref<10000xf32, #tpu.memory_space<hbm>>
      tpu.wait_dma2 semaphore(%arg21 : memref<!tpu.dma_semaphore, #tpu.memory_space<semaphore_mem>>) src(%dma_wait3A_349 : memref<10000xf32, #tpu.memory_space<hbm>>) dst(%arg9 : memref<10000xf32, #tpu.memory_space<vmem>>)
      %mul3A_350 = arith.constant 10000 : i32
      %mul3A_351 = arith.muli %add3A_276, %mul3A_350 : i32
      %dma_wait3A_352 = tpu.memref_slice %arg3[%mul3A_351] : memref<1000000xf32, #tpu.memory_space<hbm>> -> memref<10000xf32, #tpu.memory_space<hbm>>
      %dma_wait3A_353 = tpu.memref_slice %arg3[%mul3A_351] : memref<1000000xf32, #tpu.memory_space<hbm>> -> memref<10000xf32, #tpu.memory_space<hbm>>
      tpu.wait_dma2 semaphore(%arg23 : memref<!tpu.dma_semaphore, #tpu.memory_space<semaphore_mem>>) src(%dma_wait3A_353 : memref<10000xf32, #tpu.memory_space<hbm>>) dst(%arg11 : memref<10000xf32, #tpu.memory_space<vmem>>)
      %mul3A_354 = arith.constant 10000 : i32
      %mul3A_355 = arith.muli %add3A_276, %mul3A_354 : i32
      %dma_wait3A_356 = tpu.memref_slice %arg4[%mul3A_355] : memref<1000000xi32, #tpu.memory_space<hbm>> -> memref<10000xi32, #tpu.memory_space<hbm>>
      %dma_wait3A_357 = tpu.memref_slice %arg4[%mul3A_355] : memref<1000000xi32, #tpu.memory_space<hbm>> -> memref<10000xi32, #tpu.memory_space<hbm>>
      tpu.wait_dma2 semaphore(%arg25 : memref<!tpu.dma_semaphore, #tpu.memory_space<semaphore_mem>>) src(%dma_wait3A_357 : memref<10000xi32, #tpu.memory_space<hbm>>) dst(%arg13 : memref<10000xi32, #tpu.memory_space<vmem>>)
    } else {
    }
    %convert_element_type3A_282 = arith.extui %lt3A_278 : i1 to i32
    %cond3A_283 = arith.constant 0 : i32
    %cond3A_284 = arith.cmpi ne, %convert_element_type3A_282, %cond3A_283 : i32
    scf.if %cond3A_284 {
      %get3A_346 = arith.constant 0 : index
      %get3A_347 = tpu.vector_load %arg17[%get3A_346] {strides = array<i32>} : memref<16xf32, #tpu.memory_space<vmem>>, vector<16xf32>,
      %get3A_348 = arith.constant 0 : index
      %get3A_349 = tpu.vector_load %arg18[%get3A_348] {strides = array<i32>} : memref<16xf32, #tpu.memory_space<vmem>>, vector<16xf32>,
      %get3A_350 = arith.constant 0 : index
      %get3A_351 = tpu.vector_load %arg19[%get3A_350] {strides = array<i32>} : memref<16xf32, #tpu.memory_space<vmem>>, vector<16xf32>,
      %parallel_loop3A_352 = arith.constant 0 : i32
      %parallel_loop3A_353 = arith.constant 625 : i32
      %parallel_loop3A_354 = arith.constant 1 : i32
      %parallel_loop3A_355:3 = scf.for %parallel_loop3A_362 = %parallel_loop3A_352 to %parallel_loop3A_353 step %parallel_loop3A_354 iter_args(%parallel_loop3A_363 = %get3A_347, %parallel_loop3A_364 = %get3A_349, %parallel_loop3A_365 = %get3A_351) -> (vector<16xf32>, vector<16xf32>, vector<16xf32>)  : i32 {
        %parallel_loop3A_366 = arith.constant 16 : i32
        %parallel_loop3A_367 = arith.muli %parallel_loop3A_362, %parallel_loop3A_366 : i32
        %parallel_loop3A_368 = arith.index_cast %parallel_loop3A_367 : i32 to index
        %parallel_loop3A_369 = tpu.vector_load %arg9[%parallel_loop3A_368] {strides = array<i32>} : memref<10000xf32, #tpu.memory_space<vmem>>, vector<16xf32>,
        %parallel_loop3A_370 = arith.constant 16 : i32
        %parallel_loop3A_371 = arith.muli %parallel_loop3A_362, %parallel_loop3A_370 : i32
        %parallel_loop3A_372 = arith.index_cast %parallel_loop3A_371 : i32 to index
        %parallel_loop3A_373 = tpu.vector_load %arg11[%parallel_loop3A_372] {strides = array<i32>} : memref<10000xf32, #tpu.memory_space<vmem>>, vector<16xf32>,
        %parallel_loop3A_374 = arith.constant 16 : i32
        %parallel_loop3A_375 = arith.muli %parallel_loop3A_362, %parallel_loop3A_374 : i32
        %parallel_loop3A_376 = arith.index_cast %parallel_loop3A_375 : i32 to index
        %parallel_loop3A_377 = tpu.vector_load %arg13[%parallel_loop3A_376] {strides = array<i32>} : memref<10000xi32, #tpu.memory_space<vmem>>, vector<16xi32>,
        %parallel_loop3A_378 = arith.sitofp %parallel_loop3A_377 : vector<16xi32> to vector<16xf32>
        %parallel_loop3A_379 = math.exp %parallel_loop3A_369 : vector<16xf32>
        %parallel_loop3A_380 = arith.constant 4.096000e+03 : f32
        %parallel_loop3A_381 = vector.broadcast %parallel_loop3A_380 : f32 to vector<16xf32>
        %parallel_loop3A_382 = arith.mulf %parallel_loop3A_373, %parallel_loop3A_381 : vector<16xf32>
        %parallel_loop3A_383 = arith.fptosi %parallel_loop3A_382 : vector<16xf32> to vector<16xi32>
        %parallel_loop3A_384 = arith.constant 4095 : i32
        %parallel_loop3A_385 = vector.broadcast %parallel_loop3A_384 : i32 to vector<16xi32>
        %parallel_loop3A_386 = arith.minsi %parallel_loop3A_383, %parallel_loop3A_385 : vector<16xi32>
        tpu.vector_store_idx %arg7[%parallel_loop3A_386], %parallel_loop3A_379 {add = true} : memref<8192xf32, #tpu.memory_space<vmem>>[vector<16xi32>], vector<16xf32>,
        %parallel_loop3A_387 = arith.constant 4096 : i32
        %parallel_loop3A_388 = vector.broadcast %parallel_loop3A_387 : i32 to vector<16xi32>
        %parallel_loop3A_389 = arith.addi %parallel_loop3A_386, %parallel_loop3A_388 : vector<16xi32>
        tpu.vector_store_idx %arg7[%parallel_loop3A_389], %parallel_loop3A_378 {add = true} : memref<8192xf32, #tpu.memory_space<vmem>>[vector<16xi32>], vector<16xf32>,
        %parallel_loop3A_390 = arith.maximumf %parallel_loop3A_363, %parallel_loop3A_369 : vector<16xf32>
        %parallel_loop3A_391 = arith.mulf %parallel_loop3A_378, %parallel_loop3A_369 : vector<16xf32>
        %parallel_loop3A_392 = arith.addf %parallel_loop3A_364, %parallel_loop3A_391 : vector<16xf32>
        %parallel_loop3A_393 = arith.addf %parallel_loop3A_365, %parallel_loop3A_378 : vector<16xf32>
        scf.yield %parallel_loop3A_390, %parallel_loop3A_392, %parallel_loop3A_393 : vector<16xf32>, vector<16xf32>, vector<16xf32>
      } {sc.loop_unroll_factor = 5 : i64, sc.parallel_access}
      %swap3A_356 = arith.constant 0 : index
      %swap3A_357 = tpu.vector_load %arg17[%swap3A_356] {strides = array<i32>} : memref<16xf32, #tpu.memory_space<vmem>>, vector<16xf32>,
      tpu.vector_store %arg17[%swap3A_356], %parallel_loop3A_355#0 {strides = array<i32>} : memref<16xf32, #tpu.memory_space<vmem>>, vector<16xf32>,
      %swap3A_358 = arith.constant 0 : index
      %swap3A_359 = tpu.vector_load %arg18[%swap3A_358] {strides = array<i32>} : memref<16xf32, #tpu.memory_space<vmem>>, vector<16xf32>,
      tpu.vector_store %arg18[%swap3A_358], %parallel_loop3A_355#1 {strides = array<i32>} : memref<16xf32, #tpu.memory_space<vmem>>, vector<16xf32>,
      %swap3A_360 = arith.constant 0 : index
      %swap3A_361 = tpu.vector_load %arg19[%swap3A_360] {strides = array<i32>} : memref<16xf32, #tpu.memory_space<vmem>>, vector<16xf32>,
      tpu.vector_store %arg19[%swap3A_360], %parallel_loop3A_355#2 {strides = array<i32>} : memref<16xf32, #tpu.memory_space<vmem>>, vector<16xf32>,
    } else {
    }
    %get3A_285 = arith.constant 0 : index
    %get3A_286 = tpu.vector_load %arg17[%get3A_285] {strides = array<i32>} : memref<16xf32, #tpu.memory_space<vmem>>, vector<16xf32>,
    %reduce_max3A = arith.constant true
    %reduce_max3A_287 = vector.broadcast %reduce_max3A : i1 to vector<16xi1>
    %reduce_max3A_288 = tpu.scan <max>, %get3A_286 masked %reduce_max3A_287 : vector<16xf32>, vector<16xi1> -> vector<16xf32>
    %reduce_max3A_289 = vector.extract %reduce_max3A_288[15] : f32 from vector<16xf32>
    %get3A_290 = arith.constant 0 : index
    %get3A_291 = tpu.vector_load %arg18[%get3A_290] {strides = array<i32>} : memref<16xf32, #tpu.memory_space<vmem>>, vector<16xf32>,
    %reduce_sum3A = arith.constant true
    %reduce_sum3A_292 = vector.broadcast %reduce_sum3A : i1 to vector<16xi1>
    %reduce_sum3A_293 = tpu.scan <sum>, %get3A_291 masked %reduce_sum3A_292 : vector<16xf32>, vector<16xi1> -> vector<16xf32>
    %reduce_sum3A_294 = vector.extract %reduce_sum3A_293[15] : f32 from vector<16xf32>
    %get3A_295 = arith.constant 0 : index
    %get3A_296 = tpu.vector_load %arg19[%get3A_295] {strides = array<i32>} : memref<16xf32, #tpu.memory_space<vmem>>, vector<16xf32>,
    %reduce_sum3A_297 = arith.constant true
    %reduce_sum3A_298 = vector.broadcast %reduce_sum3A_297 : i1 to vector<16xi1>
    %reduce_sum3A_299 = tpu.scan <sum>, %get3A_296 masked %reduce_sum3A_298 : vector<16xf32>, vector<16xi1> -> vector<16xf32>
    %reduce_sum3A_300 = vector.extract %reduce_sum3A_299[15] : f32 from vector<16xf32>
    %eq3A = arith.constant 0 : i32
    %eq3A_301 = vector.broadcast %eq3A : i32 to vector<16xi32>
    %eq3A_302 = arith.cmpi eq, %iota3A, %eq3A_301 : vector<16xi32>
    %eq3A_303 = arith.constant 1 : i32
    %eq3A_304 = vector.broadcast %eq3A_303 : i32 to vector<16xi32>
    %eq3A_305 = arith.cmpi eq, %iota3A, %eq3A_304 : vector<16xi32>
    %eq3A_306 = arith.constant 2 : i32
    %eq3A_307 = vector.broadcast %eq3A_306 : i32 to vector<16xi32>
    %eq3A_308 = arith.cmpi eq, %iota3A, %eq3A_307 : vector<16xi32>
    %jit3A = arith.constant 0.000000e+00 : f32
    %broadcast_in_dim3A_309 = vector.broadcast %reduce_sum3A_300 : f32 to vector<16xf32>
    %broadcast_in_dim3A_310 = vector.broadcast %jit3A : f32 to vector<16xf32>
    %select_n3A = arith.select %eq3A_308, %broadcast_in_dim3A_309, %broadcast_in_dim3A_310 : vector<16xi1>, vector<16xf32>
    %broadcast_in_dim3A_311 = vector.broadcast %reduce_sum3A_294 : f32 to vector<16xf32>
    %select_n3A_312 = arith.select %eq3A_305, %broadcast_in_dim3A_311, %select_n3A : vector<16xi1>, vector<16xf32>
    %broadcast_in_dim3A_313 = vector.broadcast %reduce_max3A_289 : f32 to vector<16xf32>
    %select_n3A_314 = arith.select %eq3A_302, %broadcast_in_dim3A_313, %select_n3A_312 : vector<16xi1>, vector<16xf32>
    %swap3A_315 = arith.constant 0 : index
    %swap3A_316 = tpu.vector_load %arg15[%swap3A_315] {strides = array<i32>} : memref<16xf32, #tpu.memory_space<vmem>>, vector<16xf32>,
    tpu.vector_store %arg15[%swap3A_315], %select_n3A_314 {strides = array<i32>} : memref<16xf32, #tpu.memory_space<vmem>>, vector<16xf32>,
    "tpu.region"() ({
      %run_scoped3A = tpu.sem_alloc : memref<!tpu.dma_semaphore, #tpu.memory_space<semaphore_mem>>
      %dma_start3A_346 = arith.constant 0 : i32
      %dma_start3A_347 = tpu.memref_slice %arg6[%arg1, %dma_start3A_346] : memref<16x16xf32, #tpu.memory_space<hbm>> -> memref<1x16xf32, #tpu.memory_space<hbm>>
      %dma_start3A_348 = tpu.memref_squeeze %dma_start3A_347 : memref<1x16xf32, #tpu.memory_space<hbm>> -> memref<16xf32, #tpu.memory_space<hbm>>
      %dma_start3A_349 = arith.constant 0 : i32
      %dma_start3A_350 = tpu.memref_slice %arg6[%arg1, %dma_start3A_349] : memref<16x16xf32, #tpu.memory_space<hbm>> -> memref<1x16xf32, #tpu.memory_space<hbm>>
      %dma_start3A_351 = tpu.memref_squeeze %dma_start3A_350 : memref<1x16xf32, #tpu.memory_space<hbm>> -> memref<16xf32, #tpu.memory_space<hbm>>
      tpu.enqueue_dma source(%arg15 : memref<16xf32, #tpu.memory_space<vmem>>) target(%dma_start3A_351 : memref<16xf32, #tpu.memory_space<hbm>>) target_semaphore(%run_scoped3A : memref<!tpu.dma_semaphore, #tpu.memory_space<semaphore_mem>>)
      %dma_wait3A_352 = arith.constant 0 : i32
      %dma_wait3A_353 = tpu.memref_slice %arg6[%arg1, %dma_wait3A_352] : memref<16x16xf32, #tpu.memory_space<hbm>> -> memref<1x16xf32, #tpu.memory_space<hbm>>
      %dma_wait3A_354 = tpu.memref_squeeze %dma_wait3A_353 : memref<1x16xf32, #tpu.memory_space<hbm>> -> memref<16xf32, #tpu.memory_space<hbm>>
      %dma_wait3A_355 = arith.constant 0 : i32
      %dma_wait3A_356 = tpu.memref_slice %arg6[%arg1, %dma_wait3A_355] : memref<16x16xf32, #tpu.memory_space<hbm>> -> memref<1x16xf32, #tpu.memory_space<hbm>>
      %dma_wait3A_357 = tpu.memref_squeeze %dma_wait3A_356 : memref<1x16xf32, #tpu.memory_space<hbm>> -> memref<16xf32, #tpu.memory_space<hbm>>
      tpu.wait_dma2 semaphore(%run_scoped3A : memref<!tpu.dma_semaphore, #tpu.memory_space<semaphore_mem>>) src(%arg15 : memref<16xf32, #tpu.memory_space<vmem>>) dst(%dma_wait3A_357 : memref<16xf32, #tpu.memory_space<hbm>>)
      tpu.yield
    }) : () -> ()
    "tpu.region"() ({
      %run_scoped3A = tpu.sem_alloc : memref<!tpu.dma_semaphore, #tpu.memory_space<semaphore_mem>>
      %dma_start3A_346 = arith.constant 0 : i32
      %dma_start3A_347 = tpu.memref_slice %arg20[%arg1, %dma_start3A_346] : memref<16x8192xf32, #tpu.memory_space<vmem_shared>> -> memref<1x8192xf32, #tpu.memory_space<vmem_shared>>
      %dma_start3A_348 = tpu.memref_squeeze %dma_start3A_347 : memref<1x8192xf32, #tpu.memory_space<vmem_shared>> -> memref<8192xf32, #tpu.memory_space<vmem_shared>>
      %dma_start3A_349 = arith.constant 0 : i32
      %dma_start3A_350 = tpu.memref_slice %arg20[%arg1, %dma_start3A_349] : memref<16x8192xf32, #tpu.memory_space<vmem_shared>> -> memref<1x8192xf32, #tpu.memory_space<vmem_shared>>
      %dma_start3A_351 = tpu.memref_squeeze %dma_start3A_350 : memref<1x8192xf32, #tpu.memory_space<vmem_shared>> -> memref<8192xf32, #tpu.memory_space<vmem_shared>>
      tpu.enqueue_dma source(%arg7 : memref<8192xf32, #tpu.memory_space<vmem>>) target(%dma_start3A_351 : memref<8192xf32, #tpu.memory_space<vmem_shared>>) target_semaphore(%run_scoped3A : memref<!tpu.dma_semaphore, #tpu.memory_space<semaphore_mem>>)
      %dma_wait3A_352 = arith.constant 0 : i32
      %dma_wait3A_353 = tpu.memref_slice %arg20[%arg1, %dma_wait3A_352] : memref<16x8192xf32, #tpu.memory_space<vmem_shared>> -> memref<1x8192xf32, #tpu.memory_space<vmem_shared>>
      %dma_wait3A_354 = tpu.memref_squeeze %dma_wait3A_353 : memref<1x8192xf32, #tpu.memory_space<vmem_shared>> -> memref<8192xf32, #tpu.memory_space<vmem_shared>>
      %dma_wait3A_355 = arith.constant 0 : i32
      %dma_wait3A_356 = tpu.memref_slice %arg20[%arg1, %dma_wait3A_355] : memref<16x8192xf32, #tpu.memory_space<vmem_shared>> -> memref<1x8192xf32, #tpu.memory_space<vmem_shared>>
      %dma_wait3A_357 = tpu.memref_squeeze %dma_wait3A_356 : memref<1x8192xf32, #tpu.memory_space<vmem_shared>> -> memref<8192xf32, #tpu.memory_space<vmem_shared>>
      tpu.wait_dma2 semaphore(%run_scoped3A : memref<!tpu.dma_semaphore, #tpu.memory_space<semaphore_mem>>) src(%arg7 : memref<8192xf32, #tpu.memory_space<vmem>>) dst(%dma_wait3A_357 : memref<8192xf32, #tpu.memory_space<vmem_shared>>)
      tpu.yield
    }) : () -> ()
    %barrier3A = arith.constant 0 : index
    tpu.barrier barrier_id(%barrier3A)
    %lt3A_317 = arith.constant 8 : i32
    "tpu.trace_stop"() : () -> ()
    "tpu.trace_start"() <{level = 10 : i32, message = "p2_merge"}> : () -> ()
    %lt3A_318 = arith.cmpi slt, %arg1, %lt3A_317 : i32
    %convert_element_type3A_319 = arith.extui %lt3A_318 : i1 to i32
    %cond3A_320 = arith.constant 0 : i32
    %cond3A_321 = arith.cmpi ne, %convert_element_type3A_319, %cond3A_320 : i32
    scf.if %cond3A_321 {
      %add3A_346 = arith.constant 8 : i32
      %add3A_347 = arith.addi %arg1, %add3A_346 : i32
      "tpu.region"() ({
        %run_scoped3A = tpu.sem_alloc : memref<!tpu.dma_semaphore, #tpu.memory_space<semaphore_mem>>
        %dma_start3A_351 = arith.constant 0 : i32
        %dma_start3A_352 = tpu.memref_slice %arg20[%add3A_347, %dma_start3A_351] : memref<16x8192xf32, #tpu.memory_space<vmem_shared>> -> memref<1x8192xf32, #tpu.memory_space<vmem_shared>>
        %dma_start3A_353 = tpu.memref_squeeze %dma_start3A_352 : memref<1x8192xf32, #tpu.memory_space<vmem_shared>> -> memref<8192xf32, #tpu.memory_space<vmem_shared>>
        %dma_start3A_354 = arith.constant 0 : i32
        %dma_start3A_355 = tpu.memref_slice %arg20[%add3A_347, %dma_start3A_354] : memref<16x8192xf32, #tpu.memory_space<vmem_shared>> -> memref<1x8192xf32, #tpu.memory_space<vmem_shared>>
        %dma_start3A_356 = tpu.memref_squeeze %dma_start3A_355 : memref<1x8192xf32, #tpu.memory_space<vmem_shared>> -> memref<8192xf32, #tpu.memory_space<vmem_shared>>
        tpu.enqueue_dma source(%dma_start3A_356 : memref<8192xf32, #tpu.memory_space<vmem_shared>>) target(%arg8 : memref<8192xf32, #tpu.memory_space<vmem>>) target_semaphore(%run_scoped3A : memref<!tpu.dma_semaphore, #tpu.memory_space<semaphore_mem>>)
        %dma_wait3A_357 = arith.constant 0 : i32
        %dma_wait3A_358 = tpu.memref_slice %arg20[%add3A_347, %dma_wait3A_357] : memref<16x8192xf32, #tpu.memory_space<vmem_shared>> -> memref<1x8192xf32, #tpu.memory_space<vmem_shared>>
        %dma_wait3A_359 = tpu.memref_squeeze %dma_wait3A_358 : memref<1x8192xf32, #tpu.memory_space<vmem_shared>> -> memref<8192xf32, #tpu.memory_space<vmem_shared>>
        %dma_wait3A_360 = arith.constant 0 : i32
        %dma_wait3A_361 = tpu.memref_slice %arg20[%add3A_347, %dma_wait3A_360] : memref<16x8192xf32, #tpu.memory_space<vmem_shared>> -> memref<1x8192xf32, #tpu.memory_space<vmem_shared>>
        %dma_wait3A_362 = tpu.memref_squeeze %dma_wait3A_361 : memref<1x8192xf32, #tpu.memory_space<vmem_shared>> -> memref<8192xf32, #tpu.memory_space<vmem_shared>>
        tpu.wait_dma2 semaphore(%run_scoped3A : memref<!tpu.dma_semaphore, #tpu.memory_space<semaphore_mem>>) src(%dma_wait3A_362 : memref<8192xf32, #tpu.memory_space<vmem_shared>>) dst(%arg8 : memref<8192xf32, #tpu.memory_space<vmem>>)
        tpu.yield
      }) : () -> ()
      %parallel_loop3A_348 = arith.constant 0 : i32
      %parallel_loop3A_349 = arith.constant 512 : i32
      %parallel_loop3A_350 = arith.constant 1 : i32
      scf.for %parallel_loop3A_351 = %parallel_loop3A_348 to %parallel_loop3A_349 step %parallel_loop3A_350  : i32 {
        %parallel_loop3A_352 = arith.constant 16 : i32
        %parallel_loop3A_353 = arith.muli %parallel_loop3A_351, %parallel_loop3A_352 : i32
        %parallel_loop3A_354 = arith.index_cast %parallel_loop3A_353 : i32 to index
        %parallel_loop3A_355 = tpu.vector_load %arg7[%parallel_loop3A_354] {strides = array<i32>} : memref<8192xf32, #tpu.memory_space<vmem>>, vector<16xf32>,
        %parallel_loop3A_356 = arith.constant 16 : i32
        %parallel_loop3A_357 = arith.muli %parallel_loop3A_351, %parallel_loop3A_356 : i32
        %parallel_loop3A_358 = arith.index_cast %parallel_loop3A_357 : i32 to index
        %parallel_loop3A_359 = tpu.vector_load %arg8[%parallel_loop3A_358] {strides = array<i32>} : memref<8192xf32, #tpu.memory_space<vmem>>, vector<16xf32>,
        %parallel_loop3A_360 = arith.addf %parallel_loop3A_355, %parallel_loop3A_359 : vector<16xf32>
        %parallel_loop3A_361 = arith.constant 16 : i32
        %parallel_loop3A_362 = arith.muli %parallel_loop3A_351, %parallel_loop3A_361 : i32
        %parallel_loop3A_363 = arith.index_cast %parallel_loop3A_362 : i32 to index
        %parallel_loop3A_364 = tpu.vector_load %arg7[%parallel_loop3A_363] {strides = array<i32>} : memref<8192xf32, #tpu.memory_space<vmem>>, vector<16xf32>,
        tpu.vector_store %arg7[%parallel_loop3A_363], %parallel_loop3A_360 {strides = array<i32>} : memref<8192xf32, #tpu.memory_space<vmem>>, vector<16xf32>,
      } {sc.loop_unroll_factor = 8 : i64, sc.parallel_access}
      "tpu.region"() ({
        %run_scoped3A = tpu.sem_alloc : memref<!tpu.dma_semaphore, #tpu.memory_space<semaphore_mem>>
        %dma_start3A_351 = arith.constant 0 : i32
        %dma_start3A_352 = tpu.memref_slice %arg20[%arg1, %dma_start3A_351] : memref<16x8192xf32, #tpu.memory_space<vmem_shared>> -> memref<1x8192xf32, #tpu.memory_space<vmem_shared>>
        %dma_start3A_353 = tpu.memref_squeeze %dma_start3A_352 : memref<1x8192xf32, #tpu.memory_space<vmem_shared>> -> memref<8192xf32, #tpu.memory_space<vmem_shared>>
        %dma_start3A_354 = arith.constant 0 : i32
        %dma_start3A_355 = tpu.memref_slice %arg20[%arg1, %dma_start3A_354] : memref<16x8192xf32, #tpu.memory_space<vmem_shared>> -> memref<1x8192xf32, #tpu.memory_space<vmem_shared>>
        %dma_start3A_356 = tpu.memref_squeeze %dma_start3A_355 : memref<1x8192xf32, #tpu.memory_space<vmem_shared>> -> memref<8192xf32, #tpu.memory_space<vmem_shared>>
        tpu.enqueue_dma source(%arg7 : memref<8192xf32, #tpu.memory_space<vmem>>) target(%dma_start3A_356 : memref<8192xf32, #tpu.memory_space<vmem_shared>>) target_semaphore(%run_scoped3A : memref<!tpu.dma_semaphore, #tpu.memory_space<semaphore_mem>>)
        %dma_wait3A_357 = arith.constant 0 : i32
        %dma_wait3A_358 = tpu.memref_slice %arg20[%arg1, %dma_wait3A_357] : memref<16x8192xf32, #tpu.memory_space<vmem_shared>> -> memref<1x8192xf32, #tpu.memory_space<vmem_shared>>
        %dma_wait3A_359 = tpu.memref_squeeze %dma_wait3A_358 : memref<1x8192xf32, #tpu.memory_space<vmem_shared>> -> memref<8192xf32, #tpu.memory_space<vmem_shared>>
        %dma_wait3A_360 = arith.constant 0 : i32
        %dma_wait3A_361 = tpu.memref_slice %arg20[%arg1, %dma_wait3A_360] : memref<16x8192xf32, #tpu.memory_space<vmem_shared>> -> memref<1x8192xf32, #tpu.memory_space<vmem_shared>>
        %dma_wait3A_362 = tpu.memref_squeeze %dma_wait3A_361 : memref<1x8192xf32, #tpu.memory_space<vmem_shared>> -> memref<8192xf32, #tpu.memory_space<vmem_shared>>
        tpu.wait_dma2 semaphore(%run_scoped3A : memref<!tpu.dma_semaphore, #tpu.memory_space<semaphore_mem>>) src(%arg7 : memref<8192xf32, #tpu.memory_space<vmem>>) dst(%dma_wait3A_362 : memref<8192xf32, #tpu.memory_space<vmem_shared>>)
        tpu.yield
      }) : () -> ()
    } else {
    }
    %barrier3A_322 = arith.constant 0 : index
    tpu.barrier barrier_id(%barrier3A_322)
    %lt3A_323 = arith.constant 4 : i32
    %lt3A_324 = arith.cmpi slt, %arg1, %lt3A_323 : i32
    %convert_element_type3A_325 = arith.extui %lt3A_324 : i1 to i32
    %cond3A_326 = arith.constant 0 : i32
    %cond3A_327 = arith.cmpi ne, %convert_element_type3A_325, %cond3A_326 : i32
    scf.if %cond3A_327 {
      %add3A_346 = arith.constant 4 : i32
      %add3A_347 = arith.addi %arg1, %add3A_346 : i32
      "tpu.region"() ({
        %run_scoped3A = tpu.sem_alloc : memref<!tpu.dma_semaphore, #tpu.memory_space<semaphore_mem>>
        %dma_start3A_351 = arith.constant 0 : i32
        %dma_start3A_352 = tpu.memref_slice %arg20[%add3A_347, %dma_start3A_351] : memref<16x8192xf32, #tpu.memory_space<vmem_shared>> -> memref<1x8192xf32, #tpu.memory_space<vmem_shared>>
        %dma_start3A_353 = tpu.memref_squeeze %dma_start3A_352 : memref<1x8192xf32, #tpu.memory_space<vmem_shared>> -> memref<8192xf32, #tpu.memory_space<vmem_shared>>
        %dma_start3A_354 = arith.constant 0 : i32
        %dma_start3A_355 = tpu.memref_slice %arg20[%add3A_347, %dma_start3A_354] : memref<16x8192xf32, #tpu.memory_space<vmem_shared>> -> memref<1x8192xf32, #tpu.memory_space<vmem_shared>>
        %dma_start3A_356 = tpu.memref_squeeze %dma_start3A_355 : memref<1x8192xf32, #tpu.memory_space<vmem_shared>> -> memref<8192xf32, #tpu.memory_space<vmem_shared>>
        tpu.enqueue_dma source(%dma_start3A_356 : memref<8192xf32, #tpu.memory_space<vmem_shared>>) target(%arg8 : memref<8192xf32, #tpu.memory_space<vmem>>) target_semaphore(%run_scoped3A : memref<!tpu.dma_semaphore, #tpu.memory_space<semaphore_mem>>)
        %dma_wait3A_357 = arith.constant 0 : i32
        %dma_wait3A_358 = tpu.memref_slice %arg20[%add3A_347, %dma_wait3A_357] : memref<16x8192xf32, #tpu.memory_space<vmem_shared>> -> memref<1x8192xf32, #tpu.memory_space<vmem_shared>>
        %dma_wait3A_359 = tpu.memref_squeeze %dma_wait3A_358 : memref<1x8192xf32, #tpu.memory_space<vmem_shared>> -> memref<8192xf32, #tpu.memory_space<vmem_shared>>
        %dma_wait3A_360 = arith.constant 0 : i32
        %dma_wait3A_361 = tpu.memref_slice %arg20[%add3A_347, %dma_wait3A_360] : memref<16x8192xf32, #tpu.memory_space<vmem_shared>> -> memref<1x8192xf32, #tpu.memory_space<vmem_shared>>
        %dma_wait3A_362 = tpu.memref_squeeze %dma_wait3A_361 : memref<1x8192xf32, #tpu.memory_space<vmem_shared>> -> memref<8192xf32, #tpu.memory_space<vmem_shared>>
        tpu.wait_dma2 semaphore(%run_scoped3A : memref<!tpu.dma_semaphore, #tpu.memory_space<semaphore_mem>>) src(%dma_wait3A_362 : memref<8192xf32, #tpu.memory_space<vmem_shared>>) dst(%arg8 : memref<8192xf32, #tpu.memory_space<vmem>>)
        tpu.yield
      }) : () -> ()
      %parallel_loop3A_348 = arith.constant 0 : i32
      %parallel_loop3A_349 = arith.constant 512 : i32
      %parallel_loop3A_350 = arith.constant 1 : i32
      scf.for %parallel_loop3A_351 = %parallel_loop3A_348 to %parallel_loop3A_349 step %parallel_loop3A_350  : i32 {
        %parallel_loop3A_352 = arith.constant 16 : i32
        %parallel_loop3A_353 = arith.muli %parallel_loop3A_351, %parallel_loop3A_352 : i32
        %parallel_loop3A_354 = arith.index_cast %parallel_loop3A_353 : i32 to index
        %parallel_loop3A_355 = tpu.vector_load %arg7[%parallel_loop3A_354] {strides = array<i32>} : memref<8192xf32, #tpu.memory_space<vmem>>, vector<16xf32>,
        %parallel_loop3A_356 = arith.constant 16 : i32
        %parallel_loop3A_357 = arith.muli %parallel_loop3A_351, %parallel_loop3A_356 : i32
        %parallel_loop3A_358 = arith.index_cast %parallel_loop3A_357 : i32 to index
        %parallel_loop3A_359 = tpu.vector_load %arg8[%parallel_loop3A_358] {strides = array<i32>} : memref<8192xf32, #tpu.memory_space<vmem>>, vector<16xf32>,
        %parallel_loop3A_360 = arith.addf %parallel_loop3A_355, %parallel_loop3A_359 : vector<16xf32>
        %parallel_loop3A_361 = arith.constant 16 : i32
        %parallel_loop3A_362 = arith.muli %parallel_loop3A_351, %parallel_loop3A_361 : i32
        %parallel_loop3A_363 = arith.index_cast %parallel_loop3A_362 : i32 to index
        %parallel_loop3A_364 = tpu.vector_load %arg7[%parallel_loop3A_363] {strides = array<i32>} : memref<8192xf32, #tpu.memory_space<vmem>>, vector<16xf32>,
        tpu.vector_store %arg7[%parallel_loop3A_363], %parallel_loop3A_360 {strides = array<i32>} : memref<8192xf32, #tpu.memory_space<vmem>>, vector<16xf32>,
      } {sc.loop_unroll_factor = 8 : i64, sc.parallel_access}
      "tpu.region"() ({
        %run_scoped3A = tpu.sem_alloc : memref<!tpu.dma_semaphore, #tpu.memory_space<semaphore_mem>>
        %dma_start3A_351 = arith.constant 0 : i32
        %dma_start3A_352 = tpu.memref_slice %arg20[%arg1, %dma_start3A_351] : memref<16x8192xf32, #tpu.memory_space<vmem_shared>> -> memref<1x8192xf32, #tpu.memory_space<vmem_shared>>
        %dma_start3A_353 = tpu.memref_squeeze %dma_start3A_352 : memref<1x8192xf32, #tpu.memory_space<vmem_shared>> -> memref<8192xf32, #tpu.memory_space<vmem_shared>>
        %dma_start3A_354 = arith.constant 0 : i32
        %dma_start3A_355 = tpu.memref_slice %arg20[%arg1, %dma_start3A_354] : memref<16x8192xf32, #tpu.memory_space<vmem_shared>> -> memref<1x8192xf32, #tpu.memory_space<vmem_shared>>
        %dma_start3A_356 = tpu.memref_squeeze %dma_start3A_355 : memref<1x8192xf32, #tpu.memory_space<vmem_shared>> -> memref<8192xf32, #tpu.memory_space<vmem_shared>>
        tpu.enqueue_dma source(%arg7 : memref<8192xf32, #tpu.memory_space<vmem>>) target(%dma_start3A_356 : memref<8192xf32, #tpu.memory_space<vmem_shared>>) target_semaphore(%run_scoped3A : memref<!tpu.dma_semaphore, #tpu.memory_space<semaphore_mem>>)
        %dma_wait3A_357 = arith.constant 0 : i32
        %dma_wait3A_358 = tpu.memref_slice %arg20[%arg1, %dma_wait3A_357] : memref<16x8192xf32, #tpu.memory_space<vmem_shared>> -> memref<1x8192xf32, #tpu.memory_space<vmem_shared>>
        %dma_wait3A_359 = tpu.memref_squeeze %dma_wait3A_358 : memref<1x8192xf32, #tpu.memory_space<vmem_shared>> -> memref<8192xf32, #tpu.memory_space<vmem_shared>>
        %dma_wait3A_360 = arith.constant 0 : i32
        %dma_wait3A_361 = tpu.memref_slice %arg20[%arg1, %dma_wait3A_360] : memref<16x8192xf32, #tpu.memory_space<vmem_shared>> -> memref<1x8192xf32, #tpu.memory_space<vmem_shared>>
        %dma_wait3A_362 = tpu.memref_squeeze %dma_wait3A_361 : memref<1x8192xf32, #tpu.memory_space<vmem_shared>> -> memref<8192xf32, #tpu.memory_space<vmem_shared>>
        tpu.wait_dma2 semaphore(%run_scoped3A : memref<!tpu.dma_semaphore, #tpu.memory_space<semaphore_mem>>) src(%arg7 : memref<8192xf32, #tpu.memory_space<vmem>>) dst(%dma_wait3A_362 : memref<8192xf32, #tpu.memory_space<vmem_shared>>)
        tpu.yield
      }) : () -> ()
    } else {
    }
    %barrier3A_328 = arith.constant 0 : index
    tpu.barrier barrier_id(%barrier3A_328)
    %lt3A_329 = arith.constant 2 : i32
    %lt3A_330 = arith.cmpi slt, %arg1, %lt3A_329 : i32
    %convert_element_type3A_331 = arith.extui %lt3A_330 : i1 to i32
    %cond3A_332 = arith.constant 0 : i32
    %cond3A_333 = arith.cmpi ne, %convert_element_type3A_331, %cond3A_332 : i32
    scf.if %cond3A_333 {
      %add3A_346 = arith.constant 2 : i32
      %add3A_347 = arith.addi %arg1, %add3A_346 : i32
      "tpu.region"() ({
        %run_scoped3A = tpu.sem_alloc : memref<!tpu.dma_semaphore, #tpu.memory_space<semaphore_mem>>
        %dma_start3A_351 = arith.constant 0 : i32
        %dma_start3A_352 = tpu.memref_slice %arg20[%add3A_347, %dma_start3A_351] : memref<16x8192xf32, #tpu.memory_space<vmem_shared>> -> memref<1x8192xf32, #tpu.memory_space<vmem_shared>>
        %dma_start3A_353 = tpu.memref_squeeze %dma_start3A_352 : memref<1x8192xf32, #tpu.memory_space<vmem_shared>> -> memref<8192xf32, #tpu.memory_space<vmem_shared>>
        %dma_start3A_354 = arith.constant 0 : i32
        %dma_start3A_355 = tpu.memref_slice %arg20[%add3A_347, %dma_start3A_354] : memref<16x8192xf32, #tpu.memory_space<vmem_shared>> -> memref<1x8192xf32, #tpu.memory_space<vmem_shared>>
        %dma_start3A_356 = tpu.memref_squeeze %dma_start3A_355 : memref<1x8192xf32, #tpu.memory_space<vmem_shared>> -> memref<8192xf32, #tpu.memory_space<vmem_shared>>
        tpu.enqueue_dma source(%dma_start3A_356 : memref<8192xf32, #tpu.memory_space<vmem_shared>>) target(%arg8 : memref<8192xf32, #tpu.memory_space<vmem>>) target_semaphore(%run_scoped3A : memref<!tpu.dma_semaphore, #tpu.memory_space<semaphore_mem>>)
        %dma_wait3A_357 = arith.constant 0 : i32
        %dma_wait3A_358 = tpu.memref_slice %arg20[%add3A_347, %dma_wait3A_357] : memref<16x8192xf32, #tpu.memory_space<vmem_shared>> -> memref<1x8192xf32, #tpu.memory_space<vmem_shared>>
        %dma_wait3A_359 = tpu.memref_squeeze %dma_wait3A_358 : memref<1x8192xf32, #tpu.memory_space<vmem_shared>> -> memref<8192xf32, #tpu.memory_space<vmem_shared>>
        %dma_wait3A_360 = arith.constant 0 : i32
        %dma_wait3A_361 = tpu.memref_slice %arg20[%add3A_347, %dma_wait3A_360] : memref<16x8192xf32, #tpu.memory_space<vmem_shared>> -> memref<1x8192xf32, #tpu.memory_space<vmem_shared>>
        %dma_wait3A_362 = tpu.memref_squeeze %dma_wait3A_361 : memref<1x8192xf32, #tpu.memory_space<vmem_shared>> -> memref<8192xf32, #tpu.memory_space<vmem_shared>>
        tpu.wait_dma2 semaphore(%run_scoped3A : memref<!tpu.dma_semaphore, #tpu.memory_space<semaphore_mem>>) src(%dma_wait3A_362 : memref<8192xf32, #tpu.memory_space<vmem_shared>>) dst(%arg8 : memref<8192xf32, #tpu.memory_space<vmem>>)
        tpu.yield
      }) : () -> ()
      %parallel_loop3A_348 = arith.constant 0 : i32
      %parallel_loop3A_349 = arith.constant 512 : i32
      %parallel_loop3A_350 = arith.constant 1 : i32
      scf.for %parallel_loop3A_351 = %parallel_loop3A_348 to %parallel_loop3A_349 step %parallel_loop3A_350  : i32 {
        %parallel_loop3A_352 = arith.constant 16 : i32
        %parallel_loop3A_353 = arith.muli %parallel_loop3A_351, %parallel_loop3A_352 : i32
        %parallel_loop3A_354 = arith.index_cast %parallel_loop3A_353 : i32 to index
        %parallel_loop3A_355 = tpu.vector_load %arg7[%parallel_loop3A_354] {strides = array<i32>} : memref<8192xf32, #tpu.memory_space<vmem>>, vector<16xf32>,
        %parallel_loop3A_356 = arith.constant 16 : i32
        %parallel_loop3A_357 = arith.muli %parallel_loop3A_351, %parallel_loop3A_356 : i32
        %parallel_loop3A_358 = arith.index_cast %parallel_loop3A_357 : i32 to index
        %parallel_loop3A_359 = tpu.vector_load %arg8[%parallel_loop3A_358] {strides = array<i32>} : memref<8192xf32, #tpu.memory_space<vmem>>, vector<16xf32>,
        %parallel_loop3A_360 = arith.addf %parallel_loop3A_355, %parallel_loop3A_359 : vector<16xf32>
        %parallel_loop3A_361 = arith.constant 16 : i32
        %parallel_loop3A_362 = arith.muli %parallel_loop3A_351, %parallel_loop3A_361 : i32
        %parallel_loop3A_363 = arith.index_cast %parallel_loop3A_362 : i32 to index
        %parallel_loop3A_364 = tpu.vector_load %arg7[%parallel_loop3A_363] {strides = array<i32>} : memref<8192xf32, #tpu.memory_space<vmem>>, vector<16xf32>,
        tpu.vector_store %arg7[%parallel_loop3A_363], %parallel_loop3A_360 {strides = array<i32>} : memref<8192xf32, #tpu.memory_space<vmem>>, vector<16xf32>,
      } {sc.loop_unroll_factor = 8 : i64, sc.parallel_access}
      "tpu.region"() ({
        %run_scoped3A = tpu.sem_alloc : memref<!tpu.dma_semaphore, #tpu.memory_space<semaphore_mem>>
        %dma_start3A_351 = arith.constant 0 : i32
        %dma_start3A_352 = tpu.memref_slice %arg20[%arg1, %dma_start3A_351] : memref<16x8192xf32, #tpu.memory_space<vmem_shared>> -> memref<1x8192xf32, #tpu.memory_space<vmem_shared>>
        %dma_start3A_353 = tpu.memref_squeeze %dma_start3A_352 : memref<1x8192xf32, #tpu.memory_space<vmem_shared>> -> memref<8192xf32, #tpu.memory_space<vmem_shared>>
        %dma_start3A_354 = arith.constant 0 : i32
        %dma_start3A_355 = tpu.memref_slice %arg20[%arg1, %dma_start3A_354] : memref<16x8192xf32, #tpu.memory_space<vmem_shared>> -> memref<1x8192xf32, #tpu.memory_space<vmem_shared>>
        %dma_start3A_356 = tpu.memref_squeeze %dma_start3A_355 : memref<1x8192xf32, #tpu.memory_space<vmem_shared>> -> memref<8192xf32, #tpu.memory_space<vmem_shared>>
        tpu.enqueue_dma source(%arg7 : memref<8192xf32, #tpu.memory_space<vmem>>) target(%dma_start3A_356 : memref<8192xf32, #tpu.memory_space<vmem_shared>>) target_semaphore(%run_scoped3A : memref<!tpu.dma_semaphore, #tpu.memory_space<semaphore_mem>>)
        %dma_wait3A_357 = arith.constant 0 : i32
        %dma_wait3A_358 = tpu.memref_slice %arg20[%arg1, %dma_wait3A_357] : memref<16x8192xf32, #tpu.memory_space<vmem_shared>> -> memref<1x8192xf32, #tpu.memory_space<vmem_shared>>
        %dma_wait3A_359 = tpu.memref_squeeze %dma_wait3A_358 : memref<1x8192xf32, #tpu.memory_space<vmem_shared>> -> memref<8192xf32, #tpu.memory_space<vmem_shared>>
        %dma_wait3A_360 = arith.constant 0 : i32
        %dma_wait3A_361 = tpu.memref_slice %arg20[%arg1, %dma_wait3A_360] : memref<16x8192xf32, #tpu.memory_space<vmem_shared>> -> memref<1x8192xf32, #tpu.memory_space<vmem_shared>>
        %dma_wait3A_362 = tpu.memref_squeeze %dma_wait3A_361 : memref<1x8192xf32, #tpu.memory_space<vmem_shared>> -> memref<8192xf32, #tpu.memory_space<vmem_shared>>
        tpu.wait_dma2 semaphore(%run_scoped3A : memref<!tpu.dma_semaphore, #tpu.memory_space<semaphore_mem>>) src(%arg7 : memref<8192xf32, #tpu.memory_space<vmem>>) dst(%dma_wait3A_362 : memref<8192xf32, #tpu.memory_space<vmem_shared>>)
        tpu.yield
      }) : () -> ()
    } else {
    }
    %barrier3A_334 = arith.constant 0 : index
    tpu.barrier barrier_id(%barrier3A_334)
    %lt3A_335 = arith.constant 1 : i32
    %lt3A_336 = arith.cmpi slt, %arg1, %lt3A_335 : i32
    %convert_element_type3A_337 = arith.extui %lt3A_336 : i1 to i32
    %cond3A_338 = arith.constant 0 : i32
    %cond3A_339 = arith.cmpi ne, %convert_element_type3A_337, %cond3A_338 : i32
    scf.if %cond3A_339 {
      %add3A_346 = arith.constant 1 : i32
      %add3A_347 = arith.addi %arg1, %add3A_346 : i32
      "tpu.region"() ({
        %run_scoped3A = tpu.sem_alloc : memref<!tpu.dma_semaphore, #tpu.memory_space<semaphore_mem>>
        %dma_start3A_351 = arith.constant 0 : i32
        %dma_start3A_352 = tpu.memref_slice %arg20[%add3A_347, %dma_start3A_351] : memref<16x8192xf32, #tpu.memory_space<vmem_shared>> -> memref<1x8192xf32, #tpu.memory_space<vmem_shared>>
        %dma_start3A_353 = tpu.memref_squeeze %dma_start3A_352 : memref<1x8192xf32, #tpu.memory_space<vmem_shared>> -> memref<8192xf32, #tpu.memory_space<vmem_shared>>
        %dma_start3A_354 = arith.constant 0 : i32
        %dma_start3A_355 = tpu.memref_slice %arg20[%add3A_347, %dma_start3A_354] : memref<16x8192xf32, #tpu.memory_space<vmem_shared>> -> memref<1x8192xf32, #tpu.memory_space<vmem_shared>>
        %dma_start3A_356 = tpu.memref_squeeze %dma_start3A_355 : memref<1x8192xf32, #tpu.memory_space<vmem_shared>> -> memref<8192xf32, #tpu.memory_space<vmem_shared>>
        tpu.enqueue_dma source(%dma_start3A_356 : memref<8192xf32, #tpu.memory_space<vmem_shared>>) target(%arg8 : memref<8192xf32, #tpu.memory_space<vmem>>) target_semaphore(%run_scoped3A : memref<!tpu.dma_semaphore, #tpu.memory_space<semaphore_mem>>)
        %dma_wait3A_357 = arith.constant 0 : i32
        %dma_wait3A_358 = tpu.memref_slice %arg20[%add3A_347, %dma_wait3A_357] : memref<16x8192xf32, #tpu.memory_space<vmem_shared>> -> memref<1x8192xf32, #tpu.memory_space<vmem_shared>>
        %dma_wait3A_359 = tpu.memref_squeeze %dma_wait3A_358 : memref<1x8192xf32, #tpu.memory_space<vmem_shared>> -> memref<8192xf32, #tpu.memory_space<vmem_shared>>
        %dma_wait3A_360 = arith.constant 0 : i32
        %dma_wait3A_361 = tpu.memref_slice %arg20[%add3A_347, %dma_wait3A_360] : memref<16x8192xf32, #tpu.memory_space<vmem_shared>> -> memref<1x8192xf32, #tpu.memory_space<vmem_shared>>
        %dma_wait3A_362 = tpu.memref_squeeze %dma_wait3A_361 : memref<1x8192xf32, #tpu.memory_space<vmem_shared>> -> memref<8192xf32, #tpu.memory_space<vmem_shared>>
        tpu.wait_dma2 semaphore(%run_scoped3A : memref<!tpu.dma_semaphore, #tpu.memory_space<semaphore_mem>>) src(%dma_wait3A_362 : memref<8192xf32, #tpu.memory_space<vmem_shared>>) dst(%arg8 : memref<8192xf32, #tpu.memory_space<vmem>>)
        tpu.yield
      }) : () -> ()
      %parallel_loop3A_348 = arith.constant 0 : i32
      %parallel_loop3A_349 = arith.constant 512 : i32
      %parallel_loop3A_350 = arith.constant 1 : i32
      scf.for %parallel_loop3A_351 = %parallel_loop3A_348 to %parallel_loop3A_349 step %parallel_loop3A_350  : i32 {
        %parallel_loop3A_352 = arith.constant 16 : i32
        %parallel_loop3A_353 = arith.muli %parallel_loop3A_351, %parallel_loop3A_352 : i32
        %parallel_loop3A_354 = arith.index_cast %parallel_loop3A_353 : i32 to index
        %parallel_loop3A_355 = tpu.vector_load %arg7[%parallel_loop3A_354] {strides = array<i32>} : memref<8192xf32, #tpu.memory_space<vmem>>, vector<16xf32>,
        %parallel_loop3A_356 = arith.constant 16 : i32
        %parallel_loop3A_357 = arith.muli %parallel_loop3A_351, %parallel_loop3A_356 : i32
        %parallel_loop3A_358 = arith.index_cast %parallel_loop3A_357 : i32 to index
        %parallel_loop3A_359 = tpu.vector_load %arg8[%parallel_loop3A_358] {strides = array<i32>} : memref<8192xf32, #tpu.memory_space<vmem>>, vector<16xf32>,
        %parallel_loop3A_360 = arith.addf %parallel_loop3A_355, %parallel_loop3A_359 : vector<16xf32>
        %parallel_loop3A_361 = arith.constant 16 : i32
        %parallel_loop3A_362 = arith.muli %parallel_loop3A_351, %parallel_loop3A_361 : i32
        %parallel_loop3A_363 = arith.index_cast %parallel_loop3A_362 : i32 to index
        %parallel_loop3A_364 = tpu.vector_load %arg7[%parallel_loop3A_363] {strides = array<i32>} : memref<8192xf32, #tpu.memory_space<vmem>>, vector<16xf32>,
        tpu.vector_store %arg7[%parallel_loop3A_363], %parallel_loop3A_360 {strides = array<i32>} : memref<8192xf32, #tpu.memory_space<vmem>>, vector<16xf32>,
      } {sc.loop_unroll_factor = 8 : i64, sc.parallel_access}
    } else {
    }
    %barrier3A_340 = arith.constant 0 : index
    tpu.barrier barrier_id(%barrier3A_340)
    %eq3A_341 = arith.constant 0 : i32
    "tpu.trace_stop"() : () -> ()
    "tpu.trace_start"() <{level = 10 : i32, message = "p3_final"}> : () -> ()
    %eq3A_342 = arith.cmpi eq, %arg1, %eq3A_341 : i32
    %convert_element_type3A_343 = arith.extui %eq3A_342 : i1 to i32
    %cond3A_344 = arith.constant 0 : i32
    %cond3A_345 = arith.cmpi ne, %convert_element_type3A_343, %cond3A_344 : i32
    scf.if %cond3A_345 {
      "tpu.region"() ({
        %run_scoped3A = tpu.sem_alloc : memref<!tpu.dma_semaphore, #tpu.memory_space<semaphore_mem>>
        tpu.enqueue_dma source(%arg6 : memref<16x16xf32, #tpu.memory_space<hbm>>) target(%arg16 : memref<16x16xf32, #tpu.memory_space<vmem>>) target_semaphore(%run_scoped3A : memref<!tpu.dma_semaphore, #tpu.memory_space<semaphore_mem>>)
        tpu.wait_dma2 semaphore(%run_scoped3A : memref<!tpu.dma_semaphore, #tpu.memory_space<semaphore_mem>>) src(%arg6 : memref<16x16xf32, #tpu.memory_space<hbm>>) dst(%arg16 : memref<16x16xf32, #tpu.memory_space<vmem>>)
        tpu.yield
      }) : () -> ()
      %mul3A_346 = arith.constant 0 : i32
      %mul3A_347 = vector.broadcast %mul3A_346 : i32 to vector<16xi32>
      %mul3A_348 = arith.muli %iota3A, %mul3A_347 : vector<16xi32>
      %gather3A = tpu.vector_load_idx %arg16[%iota3A, %mul3A_348] : memref<16x16xf32, #tpu.memory_space<vmem>>[vector<16xi32>, vector<16xi32>], vector<16xf32>,
      %mul3A_349 = arith.constant 0 : i32
      %mul3A_350 = vector.broadcast %mul3A_349 : i32 to vector<16xi32>
      %mul3A_351 = arith.muli %iota3A, %mul3A_350 : vector<16xi32>
      %add3A_352 = arith.constant 1 : i32
      %add3A_353 = vector.broadcast %add3A_352 : i32 to vector<16xi32>
      %add3A_354 = arith.addi %mul3A_351, %add3A_353 : vector<16xi32>
      %gather3A_355 = tpu.vector_load_idx %arg16[%iota3A, %add3A_354] : memref<16x16xf32, #tpu.memory_space<vmem>>[vector<16xi32>, vector<16xi32>], vector<16xf32>,
      %mul3A_356 = arith.constant 0 : i32
      %mul3A_357 = vector.broadcast %mul3A_356 : i32 to vector<16xi32>
      %mul3A_358 = arith.muli %iota3A, %mul3A_357 : vector<16xi32>
      %add3A_359 = arith.constant 2 : i32
      %add3A_360 = vector.broadcast %add3A_359 : i32 to vector<16xi32>
      %add3A_361 = arith.addi %mul3A_358, %add3A_360 : vector<16xi32>
      %gather3A_362 = tpu.vector_load_idx %arg16[%iota3A, %add3A_361] : memref<16x16xf32, #tpu.memory_space<vmem>>[vector<16xi32>, vector<16xi32>], vector<16xf32>,
      %reduce_max3A_363 = arith.constant true
      %reduce_max3A_364 = vector.broadcast %reduce_max3A_363 : i1 to vector<16xi1>
      %reduce_max3A_365 = tpu.scan <max>, %gather3A masked %reduce_max3A_364 : vector<16xf32>, vector<16xi1> -> vector<16xf32>
      %reduce_max3A_366 = vector.extract %reduce_max3A_365[15] : f32 from vector<16xf32>
      %reduce_sum3A_367 = arith.constant true
      %reduce_sum3A_368 = vector.broadcast %reduce_sum3A_367 : i1 to vector<16xi1>
      %reduce_sum3A_369 = tpu.scan <sum>, %gather3A_355 masked %reduce_sum3A_368 : vector<16xf32>, vector<16xi1> -> vector<16xf32>
      %reduce_sum3A_370 = vector.extract %reduce_sum3A_369[15] : f32 from vector<16xf32>
      %reduce_sum3A_371 = arith.constant true
      %reduce_sum3A_372 = vector.broadcast %reduce_sum3A_371 : i1 to vector<16xi1>
      %reduce_sum3A_373 = tpu.scan <sum>, %gather3A_362 masked %reduce_sum3A_372 : vector<16xf32>, vector<16xi1> -> vector<16xf32>
      %reduce_sum3A_374 = vector.extract %reduce_sum3A_373[15] : f32 from vector<16xf32>
      %broadcast_in_dim3A_375 = vector.broadcast %reduce_max3A_366 : f32 to vector<16xf32>
      %exp3A = math.exp %broadcast_in_dim3A_375 : vector<16xf32>
      %mul3A_376 = arith.constant 1.000000e-07 : f32
      %mul3A_377 = vector.broadcast %mul3A_376 : f32 to vector<16xf32>
      %mul3A_378 = arith.mulf %mul3A_377, %exp3A : vector<16xf32>
      %scan3A = arith.constant 0.000000e+00 : f32
      %scan3A_379 = arith.constant 0 : i32
      %scan3A_380 = arith.constant 256 : i32
      %scan3A_381 = arith.addi %scan3A_379, %scan3A_380 : i32
      %scan3A_382 = arith.constant 8 : i32
      %scan3A_383 = scf.for %scan3A_403 = %scan3A_379 to %scan3A_381 step %scan3A_382 iter_args(%scan3A_404 = %scan3A) -> (f32)  : i32 {
        %mul3A_405 = arith.constant 16 : i32
        %mul3A_406 = arith.muli %scan3A_403, %mul3A_405 : i32
        %get3A_407 = arith.index_cast %mul3A_406 : i32 to index
        %get3A_408 = tpu.vector_load %arg7[%get3A_407] {strides = array<i32>} : memref<8192xf32, #tpu.memory_space<vmem>>, vector<16xf32>,
        %reduce_sum3A_409 = arith.constant true
        %reduce_sum3A_410 = vector.broadcast %reduce_sum3A_409 : i1 to vector<16xi1>
        %reduce_sum3A_411 = tpu.scan <sum>, %get3A_408 masked %reduce_sum3A_410 : vector<16xf32>, vector<16xi1> -> vector<16xf32>
        %reduce_sum3A_412 = vector.extract %reduce_sum3A_411[15] : f32 from vector<16xf32>
        %add3A_413 = arith.addf %scan3A_404, %reduce_sum3A_412 : f32
        %scan3A_414 = arith.constant 1 : i32
        %scan3A_415 = arith.addi %scan3A_403, %scan3A_414 : i32
        %mul3A_416 = arith.constant 16 : i32
        %mul3A_417 = arith.muli %scan3A_415, %mul3A_416 : i32
        %get3A_418 = arith.index_cast %mul3A_417 : i32 to index
        %get3A_419 = tpu.vector_load %arg7[%get3A_418] {strides = array<i32>} : memref<8192xf32, #tpu.memory_space<vmem>>, vector<16xf32>,
        %reduce_sum3A_420 = arith.constant true
        %reduce_sum3A_421 = vector.broadcast %reduce_sum3A_420 : i1 to vector<16xi1>
        %reduce_sum3A_422 = tpu.scan <sum>, %get3A_419 masked %reduce_sum3A_421 : vector<16xf32>, vector<16xi1> -> vector<16xf32>
        %reduce_sum3A_423 = vector.extract %reduce_sum3A_422[15] : f32 from vector<16xf32>
        %add3A_424 = arith.addf %add3A_413, %reduce_sum3A_423 : f32
        %scan3A_425 = arith.constant 2 : i32
        %scan3A_426 = arith.addi %scan3A_403, %scan3A_425 : i32
        %mul3A_427 = arith.constant 16 : i32
        %mul3A_428 = arith.muli %scan3A_426, %mul3A_427 : i32
        %get3A_429 = arith.index_cast %mul3A_428 : i32 to index
        %get3A_430 = tpu.vector_load %arg7[%get3A_429] {strides = array<i32>} : memref<8192xf32, #tpu.memory_space<vmem>>, vector<16xf32>,
        %reduce_sum3A_431 = arith.constant true
        %reduce_sum3A_432 = vector.broadcast %reduce_sum3A_431 : i1 to vector<16xi1>
        %reduce_sum3A_433 = tpu.scan <sum>, %get3A_430 masked %reduce_sum3A_432 : vector<16xf32>, vector<16xi1> -> vector<16xf32>
        %reduce_sum3A_434 = vector.extract %reduce_sum3A_433[15] : f32 from vector<16xf32>
        %add3A_435 = arith.addf %add3A_424, %reduce_sum3A_434 : f32
        %scan3A_436 = arith.constant 3 : i32
        %scan3A_437 = arith.addi %scan3A_403, %scan3A_436 : i32
        %mul3A_438 = arith.constant 16 : i32
        %mul3A_439 = arith.muli %scan3A_437, %mul3A_438 : i32
        %get3A_440 = arith.index_cast %mul3A_439 : i32 to index
        %get3A_441 = tpu.vector_load %arg7[%get3A_440] {strides = array<i32>} : memref<8192xf32, #tpu.memory_space<vmem>>, vector<16xf32>,
        %reduce_sum3A_442 = arith.constant true
        %reduce_sum3A_443 = vector.broadcast %reduce_sum3A_442 : i1 to vector<16xi1>
        %reduce_sum3A_444 = tpu.scan <sum>, %get3A_441 masked %reduce_sum3A_443 : vector<16xf32>, vector<16xi1> -> vector<16xf32>
        %reduce_sum3A_445 = vector.extract %reduce_sum3A_444[15] : f32 from vector<16xf32>
        %add3A_446 = arith.addf %add3A_435, %reduce_sum3A_445 : f32
        %scan3A_447 = arith.constant 4 : i32
        %scan3A_448 = arith.addi %scan3A_403, %scan3A_447 : i32
        %mul3A_449 = arith.constant 16 : i32
        %mul3A_450 = arith.muli %scan3A_448, %mul3A_449 : i32
        %get3A_451 = arith.index_cast %mul3A_450 : i32 to index
        %get3A_452 = tpu.vector_load %arg7[%get3A_451] {strides = array<i32>} : memref<8192xf32, #tpu.memory_space<vmem>>, vector<16xf32>,
        %reduce_sum3A_453 = arith.constant true
        %reduce_sum3A_454 = vector.broadcast %reduce_sum3A_453 : i1 to vector<16xi1>
        %reduce_sum3A_455 = tpu.scan <sum>, %get3A_452 masked %reduce_sum3A_454 : vector<16xf32>, vector<16xi1> -> vector<16xf32>
        %reduce_sum3A_456 = vector.extract %reduce_sum3A_455[15] : f32 from vector<16xf32>
        %add3A_457 = arith.addf %add3A_446, %reduce_sum3A_456 : f32
        %scan3A_458 = arith.constant 5 : i32
        %scan3A_459 = arith.addi %scan3A_403, %scan3A_458 : i32
        %mul3A_460 = arith.constant 16 : i32
        %mul3A_461 = arith.muli %scan3A_459, %mul3A_460 : i32
        %get3A_462 = arith.index_cast %mul3A_461 : i32 to index
        %get3A_463 = tpu.vector_load %arg7[%get3A_462] {strides = array<i32>} : memref<8192xf32, #tpu.memory_space<vmem>>, vector<16xf32>,
        %reduce_sum3A_464 = arith.constant true
        %reduce_sum3A_465 = vector.broadcast %reduce_sum3A_464 : i1 to vector<16xi1>
        %reduce_sum3A_466 = tpu.scan <sum>, %get3A_463 masked %reduce_sum3A_465 : vector<16xf32>, vector<16xi1> -> vector<16xf32>
        %reduce_sum3A_467 = vector.extract %reduce_sum3A_466[15] : f32 from vector<16xf32>
        %add3A_468 = arith.addf %add3A_457, %reduce_sum3A_467 : f32
        %scan3A_469 = arith.constant 6 : i32
        %scan3A_470 = arith.addi %scan3A_403, %scan3A_469 : i32
        %mul3A_471 = arith.constant 16 : i32
        %mul3A_472 = arith.muli %scan3A_470, %mul3A_471 : i32
        %get3A_473 = arith.index_cast %mul3A_472 : i32 to index
        %get3A_474 = tpu.vector_load %arg7[%get3A_473] {strides = array<i32>} : memref<8192xf32, #tpu.memory_space<vmem>>, vector<16xf32>,
        %reduce_sum3A_475 = arith.constant true
        %reduce_sum3A_476 = vector.broadcast %reduce_sum3A_475 : i1 to vector<16xi1>
        %reduce_sum3A_477 = tpu.scan <sum>, %get3A_474 masked %reduce_sum3A_476 : vector<16xf32>, vector<16xi1> -> vector<16xf32>
        %reduce_sum3A_478 = vector.extract %reduce_sum3A_477[15] : f32 from vector<16xf32>
        %add3A_479 = arith.addf %add3A_468, %reduce_sum3A_478 : f32
        %scan3A_480 = arith.constant 7 : i32
        %scan3A_481 = arith.addi %scan3A_403, %scan3A_480 : i32
        %mul3A_482 = arith.constant 16 : i32
        %mul3A_483 = arith.muli %scan3A_481, %mul3A_482 : i32
        %get3A_484 = arith.index_cast %mul3A_483 : i32 to index
        %get3A_485 = tpu.vector_load %arg7[%get3A_484] {strides = array<i32>} : memref<8192xf32, #tpu.memory_space<vmem>>, vector<16xf32>,
        %reduce_sum3A_486 = arith.constant true
        %reduce_sum3A_487 = vector.broadcast %reduce_sum3A_486 : i1 to vector<16xi1>
        %reduce_sum3A_488 = tpu.scan <sum>, %get3A_485 masked %reduce_sum3A_487 : vector<16xf32>, vector<16xi1> -> vector<16xf32>
        %reduce_sum3A_489 = vector.extract %reduce_sum3A_488[15] : f32 from vector<16xf32>
        %add3A_490 = arith.addf %add3A_479, %reduce_sum3A_489 : f32
        scf.yield %add3A_490 : f32
      }
      %scan3A_384 = arith.constant 256 : i32
      %broadcast_in_dim3A_385 = arith.constant 0.000000e+00 : f32
      %broadcast_in_dim3A_386 = vector.broadcast %broadcast_in_dim3A_385 : f32 to vector<16xf32>
      %scan3A_387 = arith.constant 0.000000e+00 : f32
      %scan3A_388 = arith.constant 0 : i32
      %scan3A_389 = arith.constant 256 : i32
      %scan3A_390 = arith.addi %scan3A_388, %scan3A_389 : i32
      %scan3A_391 = arith.constant 1 : i32
      %scan3A_392:2 = scf.for %scan3A_403 = %scan3A_388 to %scan3A_390 step %scan3A_391 iter_args(%scan3A_404 = %scan3A_387, %scan3A_405 = %broadcast_in_dim3A_386) -> (f32, vector<16xf32>)  : i32 {
        %mul3A_406 = arith.constant 16 : i32
        %mul3A_407 = arith.muli %scan3A_403, %mul3A_406 : i32
        %get3A_408 = arith.index_cast %mul3A_407 : i32 to index
        %get3A_409 = tpu.vector_load %arg7[%get3A_408] {strides = array<i32>} : memref<8192xf32, #tpu.memory_space<vmem>>, vector<16xf32>,
        %broadcast_in_dim3A_410 = arith.constant true
        %broadcast_in_dim3A_411 = vector.broadcast %broadcast_in_dim3A_410 : i1 to vector<16xi1>
        %masked_cumsum3A = tpu.scan <sum>, %get3A_409 masked %broadcast_in_dim3A_411 : vector<16xf32>, vector<16xi1> -> vector<16xf32>
        %sub3A_412 = arith.subf %scan3A_383, %scan3A_404 : f32
        %sub3A_413 = vector.broadcast %sub3A_412 : f32 to vector<16xf32>
        %sub3A_414 = arith.subf %sub3A_413, %masked_cumsum3A : vector<16xf32>
        %add3A_415 = arith.addf %sub3A_414, %get3A_409 : vector<16xf32>
        %mul3A_416 = arith.constant 16 : i32
        %mul3A_417 = arith.muli %scan3A_403, %mul3A_416 : i32
        %add3A_418 = arith.constant 4096 : i32
        %add3A_419 = arith.addi %add3A_418, %mul3A_417 : i32
        %get3A_420 = arith.index_cast %add3A_419 : i32 to index
        %get3A_421 = tpu.vector_load %arg7[%get3A_420] {strides = array<i32>} : memref<8192xf32, #tpu.memory_space<vmem>>, vector<16xf32>,
        %reduce_sum3A_422 = arith.constant true
        %reduce_sum3A_423 = vector.broadcast %reduce_sum3A_422 : i1 to vector<16xi1>
        %reduce_sum3A_424 = tpu.scan <sum>, %get3A_409 masked %reduce_sum3A_423 : vector<16xf32>, vector<16xi1> -> vector<16xf32>
        %reduce_sum3A_425 = vector.extract %reduce_sum3A_424[15] : f32 from vector<16xf32>
        %add3A_426 = arith.addf %scan3A_404, %reduce_sum3A_425 : f32
        %add3A_427 = arith.addf %add3A_415, %mul3A_378 : vector<16xf32>
        %bitcast3A = vector.bitcast %add3A_427 : vector<16xf32> to vector<16xi32>
        %shift_right_logical3A = arith.constant 23 : i32
        %shift_right_logical3A_428 = vector.broadcast %shift_right_logical3A : i32 to vector<16xi32>
        %shift_right_logical3A_429 = arith.shrui %bitcast3A, %shift_right_logical3A_428 : vector<16xi32>
        %sub3A_430 = arith.constant 127 : i32
        %sub3A_431 = vector.broadcast %sub3A_430 : i32 to vector<16xi32>
        %sub3A_432 = arith.subi %shift_right_logical3A_429, %sub3A_431 : vector<16xi32>
        %and3A = arith.constant 8388607 : i32
        %and3A_433 = vector.broadcast %and3A : i32 to vector<16xi32>
        %and3A_434 = arith.andi %bitcast3A, %and3A_433 : vector<16xi32>
        %or3A = arith.constant 1065353216 : i32
        %or3A_435 = vector.broadcast %or3A : i32 to vector<16xi32>
        %or3A_436 = arith.ori %and3A_434, %or3A_435 : vector<16xi32>
        %bitcast3A_437 = vector.bitcast %or3A_436 : vector<16xi32> to vector<16xf32>
        %sub3A_438 = arith.constant 1.000000e+00 : f32
        %sub3A_439 = vector.broadcast %sub3A_438 : f32 to vector<16xf32>
        %sub3A_440 = arith.subf %bitcast3A_437, %sub3A_439 : vector<16xf32>
        %add3A_441 = arith.constant 1.000000e+00 : f32
        %add3A_442 = vector.broadcast %add3A_441 : f32 to vector<16xf32>
        %add3A_443 = arith.addf %bitcast3A_437, %add3A_442 : vector<16xf32>
        %div3A_444 = arith.divf %sub3A_440, %add3A_443 : vector<16xf32>
        %mul3A_445 = arith.mulf %div3A_444, %div3A_444 : vector<16xf32>
        %mul3A_446 = arith.constant 0.111111112 : f32
        %mul3A_447 = vector.broadcast %mul3A_446 : f32 to vector<16xf32>
        %mul3A_448 = arith.mulf %mul3A_447, %mul3A_445 : vector<16xf32>
        %add3A_449 = arith.constant 0.142857149 : f32
        %add3A_450 = vector.broadcast %add3A_449 : f32 to vector<16xf32>
        %add3A_451 = arith.addf %mul3A_448, %add3A_450 : vector<16xf32>
        %mul3A_452 = arith.mulf %add3A_451, %mul3A_445 : vector<16xf32>
        %add3A_453 = arith.constant 2.000000e-01 : f32
        %add3A_454 = vector.broadcast %add3A_453 : f32 to vector<16xf32>
        %add3A_455 = arith.addf %mul3A_452, %add3A_454 : vector<16xf32>
        %mul3A_456 = arith.mulf %add3A_455, %mul3A_445 : vector<16xf32>
        %add3A_457 = arith.constant 0.333333343 : f32
        %add3A_458 = vector.broadcast %add3A_457 : f32 to vector<16xf32>
        %add3A_459 = arith.addf %mul3A_456, %add3A_458 : vector<16xf32>
        %mul3A_460 = arith.mulf %add3A_459, %mul3A_445 : vector<16xf32>
        %add3A_461 = arith.constant 1.000000e+00 : f32
        %add3A_462 = vector.broadcast %add3A_461 : f32 to vector<16xf32>
        %add3A_463 = arith.addf %mul3A_460, %add3A_462 : vector<16xf32>
        %convert_element_type3A_464 = arith.sitofp %sub3A_432 : vector<16xi32> to vector<16xf32>
        %mul3A_465 = arith.constant 0.693147182 : f32
        %mul3A_466 = vector.broadcast %mul3A_465 : f32 to vector<16xf32>
        %mul3A_467 = arith.mulf %convert_element_type3A_464, %mul3A_466 : vector<16xf32>
        %mul3A_468 = arith.constant 2.000000e+00 : f32
        %mul3A_469 = vector.broadcast %mul3A_468 : f32 to vector<16xf32>
        %mul3A_470 = arith.mulf %mul3A_469, %div3A_444 : vector<16xf32>
        %mul3A_471 = arith.mulf %mul3A_470, %add3A_463 : vector<16xf32>
        %add3A_472 = arith.addf %mul3A_467, %mul3A_471 : vector<16xf32>
        %mul3A_473 = arith.mulf %get3A_421, %add3A_472 : vector<16xf32>
        %add3A_474 = arith.addf %scan3A_405, %mul3A_473 : vector<16xf32>
        scf.yield %add3A_426, %add3A_474 : f32, vector<16xf32>
      }
      %scan3A_393 = arith.constant 256 : i32
      %reduce_sum3A_394 = arith.constant true
      %reduce_sum3A_395 = vector.broadcast %reduce_sum3A_394 : i1 to vector<16xi1>
      %reduce_sum3A_396 = tpu.scan <sum>, %scan3A_392#1 masked %reduce_sum3A_395 : vector<16xf32>, vector<16xi1> -> vector<16xf32>
      %reduce_sum3A_397 = vector.extract %reduce_sum3A_396[15] : f32 from vector<16xf32>
      %broadcast_in_dim3A_398 = vector.broadcast %reduce_sum3A_397 : f32 to vector<16xf32>
      %broadcast_in_dim3A_399 = vector.broadcast %reduce_sum3A_370 : f32 to vector<16xf32>
      %sub3A = arith.subf %broadcast_in_dim3A_398, %broadcast_in_dim3A_399 : vector<16xf32>
      %broadcast_in_dim3A_400 = vector.broadcast %reduce_sum3A_374 : f32 to vector<16xf32>
      %div3A = arith.divf %sub3A, %broadcast_in_dim3A_400 : vector<16xf32>
      %swap3A_401 = arith.constant 0 : index
      %swap3A_402 = tpu.vector_load %arg15[%swap3A_401] {strides = array<i32>} : memref<16xf32, #tpu.memory_space<vmem>>, vector<16xf32>,
      tpu.vector_store %arg15[%swap3A_401], %div3A {strides = array<i32>} : memref<16xf32, #tpu.memory_space<vmem>>, vector<16xf32>,
      "tpu.region"() ({
        %run_scoped3A = tpu.sem_alloc : memref<!tpu.dma_semaphore, #tpu.memory_space<semaphore_mem>>
        tpu.enqueue_dma source(%arg15 : memref<16xf32, #tpu.memory_space<vmem>>) target(%arg5 : memref<16xf32, #tpu.memory_space<hbm>>) target_semaphore(%run_scoped3A : memref<!tpu.dma_semaphore, #tpu.memory_space<semaphore_mem>>)
        tpu.wait_dma2 semaphore(%run_scoped3A : memref<!tpu.dma_semaphore, #tpu.memory_space<semaphore_mem>>) src(%arg15 : memref<16xf32, #tpu.memory_space<vmem>>) dst(%arg5 : memref<16xf32, #tpu.memory_space<hbm>>)
        tpu.yield
      }) : () -> ()
    } else {
    }
    "tpu.trace_stop"() : () -> ()
    return
  }
}

</mosaic_0001>

<sc_bundles>
// kernel: kernel.3.cloned.1.call-start
scs
__scs_entry_jumppad:
0x0: {  	(pc) =	sbr.rel $0x88, $3  }
0x1: {  	(tag) =	ssettag $0x0;
	lr =	simm.s32 $0x1  }
0x2: {  	[smem:$0x3F9E] =	sst lr;
	_ =	strace $0xD0000000  }
0x3: {  	_ = 	snop  }
0x4: {  	_ = 	snop  }
0x5: {  	_ = 	snop  }
0x6: {  	_ = 	snop  }
0x7: {  	_ = 	snop  }
__scs_overlays_trampoline_lowered:
0x8: {  	[smem:$0x3FAD] =	sst s0  }
0x9: {  	[smem:$0x3FAE] =	sst s1  }
0xa: {  	[smem:$0x3FAF] =	sst s2  }
0xb: {  	[smem:$0x3FB0] =	sst s3  }
0xc: {  	[smem:$0x3FB1] =	sst s4  }
0xd: {  	[smem:$0x3FB2] =	sst s5  }
0xe: {  	[smem:$0x3FB3] =	sst s6  }
0xf: {  	[smem:$0x3FB4] =	sst s7  }
0x10: {  	[smem:$0x3FB5] =	sst s8  }
0x11: {  	[smem:$0x3FB6] =	sst s9;
	s0 =	simm.s32 @!p0 $0x0  }
0x12: {  	s1 =	sld [smem:$0x3F9C];
	s0 =	simm.s32 @p0 $0x1  }
0x13: {  	[smem:$0x3FB7] =	sst s0;
	s0 =	simm.s32 @!p1 $0x0  }
0x14: {  	s2 =	sld [smem:$0x3F9B];
	s0 =	simm.s32 @p1 $0x1  }
0x15: {  	[smem:$0x3FB8] =	sst s0;
	s0 =	simm.s32 @!p2 $0x0  }
0x16: {  	s3 =	sld [smem:$0x3FDB];
	s0 =	simm.s32 @p2 $0x1  }
0x17: {  	s4 =	simm.s32 $0x1BF5;
	[smem:$0x3FBA] =	sst s0  }
0x18: {  	s0 =	sld [smem:$0x3F9D];
	_ =	swait.ge [sflag:s4], $0x0  }
0x19: {  	s7 =	sld [smem:$0x3F9E]  }
0x1a: {  	s8 =	sadd.s32 $0xFFFFE003, lr  }
0x1b: {  	s9 =	sadd.s32 $0xFFFFFEF7, lr;
	s5 =	simm.s32 $0xFFFFFFFF;
	p2 =	slt.u32 s8, $0xFFFFF086  }
0x1c: {  	p1 =	slt.u32 s9, $0xF7A;
	s5 =	simm.s32 @!p2 $0x0  }
0x1d: {  	s5 =	simm.s32 @p1 $0x1;
	p0 =	seq.s32 s7, s2  }
0x1e: {  	s7 =	smul.u32 @!p0 $0xF7A, s2;
	p2 =	seq.s32 @!p0 s5, $0x0  }
0x1f: {  	s9 =	smul.u32 $0xF7A, s1;
	s8 =	simm.s32 @!p0 $0x1BF5;
	p2 =	por !p2, p0  }
0x20: {  	[sflag:s8] =	ssyncset.s32 @!p0 $0xFFFFF086;
	s6 =	sadd.s32 @!p0 s3, s7;
	s7 =	simm.s32 @!p0 $0x108  }
0x21: {  	s3 =	sadd.s32 s3, s9;
	s6 =	sadd.s32 @!p0 $0x88, s6;
	s7 =	simm.s32 @p2 $0x1082  }
0x22: {  	[simem:s7], [sflag:s8] =	dma.local @!p0 [hbm:s6], $0xF7A  }
0x23: {  	s9 =	sor.u32 $0xD0000000, s2;
	s6 =	simm.s32 $0x108;
	_ =	swait.ge @!p0 [sflag:s8], $0x0  }
0x24: {  	s3 =	sadd.s32 $0x88, s3;
	s6 =	simm.s32 @!p1 $0x1082;
	[sflag:s4] =	ssyncset.s32 $0xFFFFF086  }
0x25: {  	[simem:s6], [sflag:s4] =	dma.local [hbm:s3], $0xF7A  }
0x26: {  	[smem:$0x3F9E] =	sst s1;
	(tag) =	ssettag s2;
	_ =	strace s9  }
0x27: {  	s1 =	sld [smem:$0x3FAE]  }
0x28: {  	s2 =	sld [smem:$0x3FAF]  }
0x29: {  	s4 =	sld [smem:$0x3FB1]  }
0x2a: {  	p0 =	seq.s32 s5, $0x0;
	s5 =	sld [smem:$0x3FB2]  }
0x2b: {  	s6 =	sld [smem:$0x3FB3]  }
0x2c: {  	s7 =	sld [smem:$0x3FB4]  }
0x2d: {  	s3 =	simm.s32 $0x108;
	s8 =	sld [smem:$0x3FB5]  }
0x2e: {  	s3 =	simm.s32 @!p0 $0x1082;
	s9 =	sld [smem:$0x3FB6]  }
0x2f: {  	lr =	sadd.s32 s0, s3;
	s0 =	sld [smem:$0x3FAD]  }
0x30: {  	s3 =	sld [smem:$0x3FB0]  }
0x31: {  	[smem:$0x3FB9] =	sst s10  }
0x32: {  	s10 =	sld [smem:$0x3FB7];
	_ =	sdelay $0x3  }
0x33: {  	p0 =	seq.s32 s10, $0x1;
	s10 =	sld [smem:$0x3FB9];
	_ =	sdelay $0x3  }
0x34: {  	[smem:$0x3FB9] =	sst s10  }
0x35: {  	s10 =	sld [smem:$0x3FB8];
	_ =	sdelay $0x3  }
0x36: {  	p1 =	seq.s32 s10, $0x1;
	s10 =	sld [smem:$0x3FB9];
	_ =	sdelay $0x3  }
0x37: {  	[smem:$0x3FB9] =	sst s10  }
0x38: {  	s10 =	sld [smem:$0x3FBA]  }
0x39: {  	_ = 	snop;
	(pc) =	sbr.ind lr, $3  }
0x3a: {  	_ = 	snop  }
0x3b: {  	_ = 	snop  }
0x3c: {  	p2 =	seq.s32 s10, $0x1;
	s10 =	sld [smem:$0x3FB9]  }
0x3d: {  	_ =	shalt  }
0x3e: {  	_ =	shalt  }
0x3f: {  	_ =	shalt  }
0x40: {  	_ =	shalt  }
0x41: {  	_ =	shalt  }
0x42: {  	_ =	shalt  }
0x43: {  	_ =	shalt  }
0x44: {  	_ =	shalt  }
0x45: {  	_ =	shalt  }
0x46: {  	_ =	shalt  }
0x47: {  	_ =	shalt  }
0x48: {  	_ =	shalt  }
0x49: {  	_ =	shalt  }
0x4a: {  	_ =	shalt  }
0x4b: {  	_ =	shalt  }
0x4c: {  	_ =	shalt  }
0x4d: {  	_ =	shalt  }
0x4e: {  	_ =	shalt  }
0x4f: {  	_ =	shalt  }
0x50: {  	_ =	shalt  }
0x51: {  	_ =	shalt  }
0x52: {  	_ =	shalt  }
0x53: {  	_ =	shalt  }
0x54: {  	_ =	shalt  }
0x55: {  	_ =	shalt  }
0x56: {  	_ =	shalt  }
0x57: {  	_ =	shalt  }
0x58: {  	_ =	shalt  }
0x59: {  	_ =	shalt  }
0x5a: {  	_ =	shalt  }
0x5b: {  	_ =	shalt  }
0x5c: {  	_ =	shalt  }
0x5d: {  	_ =	shalt  }
0x5e: {  	_ =	shalt  }
0x5f: {  	_ =	shalt  }
0x60: {  	_ =	shalt  }
0x61: {  	_ =	shalt  }
0x62: {  	_ =	shalt  }
0x63: {  	_ =	shalt  }
0x64: {  	_ =	shalt  }
0x65: {  	_ =	shalt  }
0x66: {  	_ =	shalt  }
0x67: {  	_ =	shalt  }
0x68: {  	_ =	shalt  }
0x69: {  	_ =	shalt  }
0x6a: {  	_ =	shalt  }
0x6b: {  	_ =	shalt  }
0x6c: {  	_ =	shalt  }
0x6d: {  	_ =	shalt  }
0x6e: {  	_ =	shalt  }
0x6f: {  	_ =	shalt  }
0x70: {  	_ =	shalt  }
0x71: {  	_ =	shalt  }
0x72: {  	_ =	shalt  }
0x73: {  	_ =	shalt  }
0x74: {  	_ =	shalt  }
0x75: {  	_ =	shalt  }
0x76: {  	_ =	shalt  }
0x77: {  	_ =	shalt  }
0x78: {  	_ =	shalt  }
0x79: {  	_ =	shalt  }
0x7a: {  	_ =	shalt  }
0x7b: {  	_ =	shalt  }
0x7c: {  	_ =	shalt  }
0x7d: {  	_ =	shalt  }
0x7e: {  	_ =	shalt  }
0x7f: {  	_ =	shalt  }
0x80: {  	_ =	shalt  }
0x81: {  	_ =	shalt  }
0x82: {  	_ =	shalt  }
0x83: {  	_ =	shalt  }
0x84: {  	_ =	shalt  }
0x85: {  	_ =	shalt  }
0x86: {  	_ =	shalt  }
0x87: {  	_ =	shalt  }
.Lfunc_end0:
.L_simem_size_0:
called_computation_lowered:
.L_overlay_start_0:
0x88: {  	s0 =	sld [smem:$0x3FD9]  }
0x89: {  	s1 =	sld [smem:$0x3FFE];
	_ =	sdelay $0x3  }
0x8a: {  	s0 =	sadd.s32 s1, s0  }
0x8b: {  	[smem:$0x3FC5] =	sst s0  }
0x8c: {  	_ = 	snop  }
0x8d: {  	s0 =	sld [smem:$0x3FC9]  }
0x8e: {  	s16 =	sld [smem:$0x3FC8]  }
0x8f: {  	s2 =	sld [smem:$0x3FC7]  }
0x90: {  	s3 =	sld [smem:$0x3FD0];
	(tm) =	ssettm $0x1  }
0x91: {  	s4 =	sld [smem:$0x3FFB];
	_ =	sdelay $0x3  }
0x92: {  	_ =	strace s4  }
0x93: {  	s4 =	sld [smem:$0x3FFC];
	_ =	sdelay $0x3  }
0x94: {  	_ =	strace s4  }
0x95: {  	s4 =	sld [smem:$0x3FFD];
	_ =	sdelay $0x3  }
0x96: {  	_ =	strace s4  }
0x97: {  	_ =	strace $0x8FFFFFFF  }
0x98: {  	s17 =	sld [smem:$0x3FDB];
	_ =	sdelay $0x1  }
0x99: {  	s5 =	simm.s32 $_scs_section_size  }
0x9a: {  	s6 =	simm.s32 $_size__tile_overlayer_lowered;
	s7 =	simm.s32 $_tile_overlayer_lowered  }
0x9b: {  	s20 =	simm.s32 $0x1BFF;
	s19 =	sshll.u32 s7, $0x1;
	s4 =	sadd.s32 s5, s17  }
0x9c: {  	s8 =	simm.s32 $0x0;
	s18 =	sshll.u32 s6, $0x1;
	s6 =	sadd.s32 s19, s4  }
0x9d: {  	[timem:s8], [sflag:s20] =	dma.local [hbm:s6], s18  }
0x9e: {  	_ =	swait.ge [sflag:s20], s18  }
0x9f: {  	s5 =	ssub.s32 $0x0, s18;
	[sflag:s20] =	ssyncset.done $0x0  }
0xa0: {  	[sflag:s20] =	ssyncadd.s32 s5;
	_ =	sdelay $0x1  }
0xa1: {  	s21 =	simm.s32 $0x1B8B  }
0xa2: {  	_ =	swait.ge [sflag:s21], $0x1  }
0xa3: {  	[sflag:s21] =	ssyncset.done $0x0  }
0xa4: {  	s23 =	simm.s32 $0x1B8E;
	s22 =	sld [smem:$0x3FFE];
	[sflag:s21] =	ssyncadd.s32 $0xFFFFFFFF  }
0xa5: {  	s24 =	simm.s32 $execute0_lowered;
	[smem:$0x3FD2] =	sst s23  }
0xa6: {  	s6 =	sshll.u32 s24, $0x1;
	_ =	strace $0x80000046;
	[dreg:$0x1] =	wrdreg $0xFFFFFFFF  }
0xa7: {  	s25 =	simm.s32 $_size_execute0_lowered;
	s4 =	sadd.s32 s4, s6;
	[dreg:$0x0] =	wrdreg $0x0  }
0xa8: {  	s6 =	sshll.u32 s25, $0x1;
	[dreg:$0x2] =	wrdreg s4  }
0xa9: {  	[dreg:$0x3] =	wrdreg s6  }
0xaa: {  	[dreg:$0x4] =	wrdreg $0xC0  }
0xab: {  	_ =	task [dreg:s8], $0x5FFFF  }
0xac: {  	[dreg:$0x1] =	wrdreg $0xFFFFFFFF  }
0xad: {  	[dreg:$0x0] =	wrdreg $0x60  }
0xae: {  	[dreg:$0x2] =	wrdreg s0  }
0xaf: {  	[dreg:$0x3] =	wrdreg s16  }
0xb0: {  	[dreg:$0x4] =	wrdreg s2  }
0xb1: {  	[dreg:$0x5] =	wrdreg s3  }
0xb2: {  	[dreg:$0x6] =	wrdreg s22  }
0xb3: {  	[dreg:$0x7] =	wrdreg $0x137000  }
0xb4: {  	[dreg:$0x8] =	wrdreg $0x9  }
0xb5: {  	_ =	task.clear_ibuf [dreg:s8], $0x9FFFF;
	_ =	strace $0x90000046  }
0xb6: {  	s26 =	simm.s32 $0x9;
	_ =	strace $0x8000004C  }
0xb7: {  	_ =	swait.ge [sflag:s26], $0x1  }
0xb8: {  	[sflag:s26] =	ssyncadd.s32 $0xFFFFFFFF  }
0xb9: {  	_ =	strace $0x9000004C  }
0xba: {  	_ =	sfence  }
0xbb: {  	s28 =	sld [smem:$0x0];
	_ =	sdelay $0x1  }
0xbc: {  	s29 =	srdreg.scid  }
0xbd: {  	s30 =	sshll.u32 s29, $0xD;
	s31 =	sshrl.u32 s29, $0x2  }
0xbe: {  	s1 =	sand.u32 $0x1, s29;
	s2 =	sand.u32 $0x4000, s30;
	s0 =	sadd.s32 s31, s28  }
0xbf: {  	s1 =	sor.u32 s2, s1;
	s0 =	sshll.u32 s0, $0x11  }
0xc0: {  	s0 =	sor.u32 s0, s1  }
0xc1: {  	s0 =	sadd.s32 $0x8F2B, s0  }
0xc2: {  	[sflag:s0] =	ssyncadd.remote.s32 $0x1  }
0xc3: {  	_ =	sfence.sel $0xFFFF  }
0xc4: {  	[dreg:$0x0] =	wrdreg $0xFFFFFFFF;
	(pc) =	sbr.abs _section_cstart, $3  }
0xc5: {  	[dreg:$0x1] =	wrdreg $0xFFFFFFFF  }
0xc6: {  	_ =	task.clear_ibuf [dreg:s8], $0x2FFFF;
	_ =	strace $0x9FFFFFFF  }
0xc7: {  	(tm) =	ssettm $0x7FFFFFFF  }
tec
execute0_lowered:
.L_overlay_start_1:
0x0: {  	(tag) =	ssettag $0x1  }
0x1: {  	s7 =	rddreg [dreg:$0x0]  }
0x2: {  	s6 =	rddreg [dreg:$0x1]  }
0x3: {  	s5 =	rddreg [dreg:$0x2]  }
0x4: {  	s2 =	rddreg [dreg:$0x3]  }
0x5: {  	s1 =	rddreg [dreg:$0x4]  }
0x6: {  	s4 =	rddreg [dreg:$0x5];
	s3 =	simm.s32 $0x0  }
0x7: {  	[smem:$0x7FF] =	sst s3  }
0x8: {  	s0 =	rddreg [dreg:$0x6];
	s8 =	simm.s32 $0x40;
	v0 =	vimm.f32 $0.0e+00;
	_ =	strace $0x80000047  }
0x9: {  	_ =	strace $0x80000048;
	[tilespmem:s8+$0xFFFFFFC0] =	vst v0  }
0xa: {  	[tilespmem:s8+$0x30] =	vst v0  }
0xb: {  	[tilespmem:s8+$0x20] =	vst v0  }
0xc: {  	[tilespmem:s8+$0x10] =	vst v0  }
0xd: {  	[tilespmem:s8+$0x0] =	vst v0  }
0xe: {  	[tilespmem:s8+$0xFFFFFFF0] =	vst v0  }
0xf: {  	s9 =	simm.s32 $0x0;
	s3 =	sadd.s32 $0x800, s1;
	s1 =	stileid.u32;
	[tilespmem:s8+$0xFFFFFFE0] =	vst v0  }
.LBB2_1:
0x10: {  	s9 =	sadd.s32 $0x8, s9;
	[tilespmem:s8+$0xFFFFFFD0] =	vst v0;
	s8 =	sadd.s32 $0x80, s8  }
0x11: {  	[tilespmem:s8+$0xFFFFFFC0] =	vst v0;
	p0 =	slt.u32 s9, $0x1F8  }
0x12: {  	[tilespmem:s8+$0x30] =	vst v0  }
.Ltmp0:
0x13: {  	[tilespmem:s8+$0x20] =	vst v0;
	(pc) =	sbr.rel @p0 .LBB2_1-.Ltmp0, $4  }
0x14: {  	[tilespmem:s8+$0x10] =	vst v0  }
0x15: {  	[tilespmem:s8+$0x0] =	vst v0  }
0x16: {  	[tilespmem:s8+$0xFFFFFFF0] =	vst v0  }
0x17: {  	[tilespmem:s8+$0xFFFFFFE0] =	vst v0  }
0x18: {  	[tilespmem:s8+$0xFFFFFFD0] =	vst v0;
	v0 =	vimm.f32 $-3.402823470e+38  }
0x19: {  	[tilespmem:$0x13580] =	vst v0;
	v0 =	vimm.f32 $0.0e+00  }
0x1a: {  	[tilespmem:$0x13600] =	vst v0  }
0x1b: {  	s18 =	smul.u32 $0x4E2, s1;
	[tilespmem:$0x13680] =	vst v0  }
0x1c: {  	s10 =	simm.s32 $0x0;
	_ =	strace $0x90000048  }
0x1d: {  	s11 =	simm.s32 $0x4000;
	s9 =	sadd.s32 s7, s18;
	_ =	strace $0x80000049  }
0x1e: {  	[tilespmem:s11], [sflag:$0x1] =	stream.linear.gather [hbm4b:s9+s10], $0x2710, $0x200038;
	[tilespmem:$0x15700] =	vst v63  }
0x1f: {  	s20 =	simm.s32 $0x8F00;
	s19 =	sadd.s32 s6, s18  }
0x20: {  	[tilespmem:s20], [sflag:$0x3] =	stream.linear.gather [hbm4b:s19+s10], $0x2710, $0x200038;
	[tilespmem:$0x15700] =	vst v63  }
0x21: {  	s21 =	simm.s32 $0xDE00;
	s22 =	simm.s32 $0x1;
	s8 =	sadd.s32 s5, s18  }
0x22: {  	[tilespmem:s21], [sflag:$0x5] =	stream.linear.gather [hbm4b:s8+s10], $0x2710, $0x200038;
	[tilespmem:$0x15700] =	vst v63  }
0x23: {  	_ =	swait.ge [sflag:s22], $0x2710  }
0x24: {  	[sflag:s22] =	ssyncset.done $0x0  }
0x25: {  	s23 =	simm.s32 $0x3;
	[sflag:s22] =	ssyncadd.s32 $0xFFFFD8F0  }
0x26: {  	_ =	swait.ge [sflag:s23], $0x2710  }
0x27: {  	s8 =	smul.u32 $0x2710, s1;
	[sflag:s23] =	ssyncset.done $0x0  }
0x28: {  	s24 =	simm.s32 $0x5;
	[sflag:s23] =	ssyncadd.s32 $0xFFFFD8F0  }
0x29: {  	s9 =	sshrl.u32 s8, $0x3;
	_ =	swait.ge [sflag:s24], $0x2710  }
0x2a: {  	s12 =	sadd.s32 $0x4E20, s9;
	[sflag:s24] =	ssyncset.done $0x0  }
0x2b: {  	s25 =	simm.s32 $0x6780;
	s13 =	sadd.s32 s7, s12;
	[sflag:s24] =	ssyncadd.s32 $0xFFFFD8F0  }
0x2c: {  	[tilespmem:s25], [sflag:$0x2] =	stream.linear.gather [hbm4b:s13+s10], $0x2710, $0x200038;
	[tilespmem:$0x15700] =	vst v63  }
0x2d: {  	s28 =	simm.s32 $0xB680;
	s26 =	sadd.s32 s6, s12  }
0x2e: {  	[tilespmem:s28], [sflag:$0x4] =	stream.linear.gather [hbm4b:s26+s10], $0x2710, $0x200038;
	[tilespmem:$0x15700] =	vst v63  }
0x2f: {  	s30 =	simm.s32 $0x10580;
	s29 =	sadd.s32 s5, s12  }
0x30: {  	[tilespmem:s30], [sflag:$0x6] =	stream.linear.gather [hbm4b:s29+s10], $0x2710, $0x200038;
	[tilespmem:$0x15700] =	vst v63  }
0x31: {  	v5 =	vld [tilespmem:$0x13580]  }
0x32: {  	v2 =	vld [tilespmem:$0x13600]  }
0x33: {  	s11 =	simm.s32 $0xDE20;
	v4 =	vld [tilespmem:$0x13680]  }
0x34: {  	v0 =	vld [tilespmem:s11+$0xFFFFFFE0]  }
0x35: {  	s12 =	simm.s32 $0x4020;
	v3 =	vld [tilespmem:s11+$0xFFFFFFF0]  }
0x36: {  	v7 =	vld [tilespmem:s12+$0xFFFFFFE0]  }
0x37: {  	v8 =	vld [tilespmem:s11+$0x0]  }
0x38: {  	v9 =	vld [tilespmem:s12+$0xFFFFFFF0]  }
0x39: {  	v13 =	vld [tilespmem:s12+$0x10]  }
0x3a: {  	v15 =	vld [tilespmem:s12+$0x20]  }
0x3b: {  	v10 =	vld [tilespmem:s11+$0x10]  }
0x3c: {  	v11 =	vld [tilespmem:s12+$0x0];
	v1 =	vcvt.s32.f32 v0;
	v3 =	vcvt.s32.f32 v3  }
0x3d: {  	v14 =	vmul.f32 $1.442695020e+00, v7;
	v0 =	vcvt.s32.f32 v8  }
0x3e: {  	v6 =	vld [tilespmem:s11+$0x20];
	v16 =	vmul.f32 $1.442695020e+00, v9;
	v5 =	vmax.f32 v5, v7;
	v12 =	vmul.f32 v1, v7  }
0x3f: {  	s31 =	simm.s32 $0x8F20;
	v63 =	vmul.f32 $1.442695020e+00, v13;
	v21 =	vmul.f32 $1.442695020e+00, v15;
	v5 =	vmax.f32 v5, v9  }
0x40: {  	v18 =	vld [tilespmem:s31+$0xFFFFFFF0];
	v4 =	vadd.f32 v1, v4;
	v8 =	vadd.f32 v12, v2;
	v12 =	vmul.f32 v3, v9  }
0x41: {  	v20 =	vld [tilespmem:s31+$0x20];
	v17 =	vmul.f32 v0, v11;
	v5 =	vmax.f32 v5, v11;
	v2 =	vcvt.s32.f32 v10  }
0x42: {  	(erf) = vpow2.f32 v14;
	v10 =	vld [tilespmem:s31+$0xFFFFFFE0];
	v8 =	vadd.f32 v12, v8;
	v12 =	vadd.f32 v3, v4  }
0x43: {  	v5 =	vmax.f32 v5, v13;
	v19 =	vmul.f32 v2, v13;
	v4 =	vcvt.s32.f32 v6;
	v6 =	vld [tilespmem:s31+$0x0]  }
0x44: {  	v7 =	vadd.f32 v17, v8;
	v8 =	vadd.f32 v0, v12;
	v12 =	vmul.f32 $1.442695020e+00, v11;
	v11 =	vld [tilespmem:s31+$0x10]  }
0x45: {  	(erf) = vpow2.f32 v16;
	v9 =	vmul.f32 $4.096000000e+03, v18;
	v5 =	vmax.f32 v5, v15  }
0x46: {  	v62 =	vmul.f32 v4, v15;
	v7 =	vadd.f32 v19, v7;
	(erf) = vpow2.f32 v12  }
0x47: {  	v14 =	vadd.f32 v2, v8;
	v8 =	vmul.f32 $4.096000000e+03, v10;
	(erf) = vpow2.f32 v63  }
0x48: {  	v10 =	vmul.f32 $4.096000000e+03, v6;
	v6 =	vadd.f32 v62, v7;
	(erf) = vpow2.f32 v21  }
0x49: {  	s14 =	simm.s32 $0x8F70;
	s13 =	simm.s32 $0x0;
	v7 =	vadd.f32 v4, v14;
	v12 =	vmul.f32 $4.096000000e+03, v11;
	v11 =	vmul.f32 $4.096000000e+03, v20  }
.LBB2_3:
0x4a: {  	v13 =	vld [tilespmem:s14+$0xFFFFFFE0];
	v8 =	vtrunc.f32 v8;
	v9 =	vtrunc.f32 v9;
	s11 =	sadd.s32 $0x50, s11  }
0x4b: {  	v10 =	vtrunc.f32 v10;
	v12 =	vtrunc.f32 v12;
	v14 =	vld [tilespmem:s11+$0x20]  }
0x4c: {  	s13 =	sadd.s32 $0x5, s13;
	v8 =	vcvt.f32.s32 v8;
	v11 =	vtrunc.f32 v11;
	v15 =	vld [tilespmem:s11+$0xFFFFFFE0]  }
0x4d: {  	s12 =	sadd.s32 $0x50, s12;
	p0 =	slt.u32 s13, $0x26C;
	v9 =	vcvt.f32.s32 v9;
	v10 =	vcvt.f32.s32 v10;
	v16 =	vld [tilespmem:s11+$0xFFFFFFF0]  }
0x4e: {  	v12 =	vcvt.f32.s32 v12;
	v11 =	vcvt.f32.s32 v11;
	vm0 =	vlt.s32 v8, $0xFFF;
	v17 =	vld [tilespmem:s12+$0xFFFFFFE0];
	v18 =	vpop (erf)  }
0x4f: {  	v8 =	vnsel vm0, $0xFFF, v8;
	vm0 =	vlt.s32 v9, $0xFFF;
	v19 =	vld [tilespmem:s11+$0x0];
	v20 =	vpop (erf)  }
0x50: {  	vm1 =	vlt.s32 v10, $0xFFF;
	vm2 =	vlt.s32 v12, $0xFFF;
	vm3 =	vlt.s32 v11, $0xFFF;
	v21 =	vld [tilespmem:s12+$0xFFFFFFF0];
	v22 =	vpop (erf)  }
0x51: {  	v24 =	vadd.s32 $0x1000, v8;
	v9 =	vnsel vm0, $0xFFF, v9;
	v15 =	vcvt.s32.f32 v15;
	v23 =	vld [tilespmem:s11+$0x10];
	v25 =	vpop (erf)  }
0x52: {  	v10 =	vnsel vm1, $0xFFF, v10;
	v12 =	vnsel vm2, $0xFFF, v12;
	v11 =	vnsel vm3, $0xFFF, v11;
	v26 =	vld [tilespmem:s12+$0x0];
	v27 =	vpop (erf)  }
0x53: {  	v30 =	vadd.s32 $0x1000, v9;
	v16 =	vcvt.s32.f32 v16;
	v28 =	vmul.f32 v15, v17;
	v29 =	vld [tilespmem:s12+$0x10]  }
0x54: {  	v31 =	vmul.f32 $1.442695020e+00, v17;
	v19 =	vcvt.s32.f32 v19;
	[tilespmem:v8+s10+$0x0] =	vst.idx.add.f32.msk $0xffff, v18;
	v18 =	vadd.s32 $0x1000, v10  }
0x55: {  	v7 =	vadd.f32 v15, v7;
	v6 =	vadd.f32 v28, v6;
	v8 =	vmul.f32 v16, v21;
	v28 =	vld [tilespmem:s12+$0x20]  }
0x56: {  	v32 =	vmul.f32 $1.442695020e+00, v21;
	v23 =	vcvt.s32.f32 v23;
	[tilespmem:v24+s10+$0x0] =	vst.idx.add.f32.msk $0xffff, v1;
	v24 =	vadd.s32 $0x1000, v12;
	v1 =	vmovc v15  }
0x57: {  	v7 =	vadd.f32 v16, v7;
	v15 =	vld [tilespmem:s14+$0xFFFFFFF0];
	v6 =	vadd.f32 v8, v6;
	v8 =	vmul.f32 v19, v26  }
0x58: {  	v14 =	vcvt.s32.f32 v14;
	v33 =	vmul.f32 v23, v29;
	[tilespmem:v9+s10+$0x0] =	vst.idx.add.f32.msk $0xffff, v20;
	v20 =	vadd.s32 $0x1000, v11  }
0x59: {  	v5 =	vmax.f32 v5, v17;
	v7 =	vadd.f32 v19, v7;
	v17 =	vld [tilespmem:s14+$0x0];
	v6 =	vadd.f32 v8, v6  }
0x5a: {  	v5 =	vmax.f32 v5, v21;
	v21 =	vmul.f32 $1.442695020e+00, v26;
	v8 =	vmul.f32 v14, v28;
	[tilespmem:v30+s10+$0x0] =	vst.idx.add.f32.msk $0xffff, v3  }
0x5b: {  	v5 =	vmax.f32 v5, v26;
	v7 =	vadd.f32 v23, v7;
	v3 =	vmovc v16;
	v26 =	vld [tilespmem:s14+$0x10];
	v6 =	vadd.f32 v33, v6  }
0x5c: {  	v5 =	vmax.f32 v5, v29;
	v16 =	vmul.f32 $1.442695020e+00, v29;
	v29 =	vmul.f32 $1.442695020e+00, v28;
	[tilespmem:v10+s10+$0x0] =	vst.idx.add.f32.msk $0xffff, v22  }
0x5d: {  	v5 =	vmax.f32 v5, v28;
	v7 =	vadd.f32 v14, v7;
	v22 =	vld [tilespmem:s14+$0x20];
	v6 =	vadd.f32 v8, v6  }
.Ltmp1:
0x5e: {  	v8 =	vmul.f32 $4.096000000e+03, v13;
	(erf) = vpow2.f32 v31;
	[tilespmem:v18+s10+$0x0] =	vst.idx.add.f32.msk $0xffff, v0;
	v0 =	vmov v19;
	(pc) =	sbr.rel @p0 .LBB2_3-.Ltmp1, $4  }
0x5f: {  	v9 =	vmul.f32 $4.096000000e+03, v15;
	(erf) = vpow2.f32 v32;
	[tilespmem:v12+s10+$0x0] =	vst.idx.add.f32.msk $0xffff, v25  }
0x60: {  	v10 =	vmul.f32 $4.096000000e+03, v17;
	(erf) = vpow2.f32 v21;
	[tilespmem:v24+s10+$0x0] =	vst.idx.add.f32.msk $0xffff, v2;
	v2 =	vmov v23  }
0x61: {  	v12 =	vmul.f32 $4.096000000e+03, v26;
	(erf) = vpow2.f32 v16;
	[tilespmem:v11+s10+$0x0] =	vst.idx.add.f32.msk $0xffff, v27  }
0x62: {  	s14 =	sadd.s32 $0x50, s14;
	v11 =	vmul.f32 $4.096000000e+03, v22;
	(erf) = vpow2.f32 v29;
	[tilespmem:v20+s10+$0x0] =	vst.idx.add.f32.msk $0xffff, v4;
	v4 =	vmov v14  }
0x63: {  	v8 =	vtrunc.f32 v8  }
0x64: {  	v8 =	vcvt.f32.s32 v8  }
0x65: {  	v9 =	vtrunc.f32 v9  }
0x66: {  	v9 =	vcvt.f32.s32 v9;
	vm0 =	vlt.s32 v8, $0xFFF  }
0x67: {  	v10 =	vtrunc.f32 v10;
	v12 =	vtrunc.f32 v12;
	v8 =	vnsel vm0, $0xFFF, v8  }
0x68: {  	v10 =	vcvt.f32.s32 v10;
	vm12 =	vlt.s32 v9, $0xFFF;
	v13 =	vadd.s32 $0x1000, v8  }
0x69: {  	v12 =	vcvt.f32.s32 v12;
	v9 =	vnsel vm12, $0xFFF, v9  }
0x6a: {  	vm13 =	vlt.s32 v10, $0xFFF;
	v14 =	vadd.s32 $0x1000, v9  }
0x6b: {  	v11 =	vtrunc.f32 v11;
	vm14 =	vlt.s32 v12, $0xFFF;
	v15 =	vpop (erf);
	v10 =	vnsel vm13, $0xFFF, v10  }
0x6c: {  	v11 =	vcvt.f32.s32 v11;
	v12 =	vnsel vm14, $0xFFF, v12;
	[tilespmem:v8+s10+$0x0] =	vst.idx.add.f32.msk $0xffff, v15  }
0x6d: {  	v8 =	vadd.s32 $0x1000, v10;
	v15 =	vpop (erf);
	[tilespmem:v13+s10+$0x0] =	vst.idx.add.f32.msk $0xffff, v1  }
0x6e: {  	vm15 =	vlt.s32 v11, $0xFFF;
	v1 =	vadd.s32 $0x1000, v12;
	[tilespmem:v9+s10+$0x0] =	vst.idx.add.f32.msk $0xffff, v15  }
0x6f: {  	v11 =	vnsel vm15, $0xFFF, v11;
	v9 =	vpop (erf);
	[tilespmem:v14+s10+$0x0] =	vst.idx.add.f32.msk $0xffff, v3  }
0x70: {  	v3 =	vadd.s32 $0x1000, v11;
	[tilespmem:v10+s10+$0x0] =	vst.idx.add.f32.msk $0xffff, v9;
	v9 =	vpop (erf)  }
0x71: {  	[tilespmem:v12+s10+$0x0] =	vst.idx.add.f32.msk $0xffff, v9  }
0x72: {  	[tilespmem:v8+s10+$0x0] =	vst.idx.add.f32.msk $0xffff, v0  }
0x73: {  	v0 =	vpop (erf);
	[tilespmem:v1+s10+$0x0] =	vst.idx.add.f32.msk $0xffff, v2  }
0x74: {  	[tilespmem:v11+s10+$0x0] =	vst.idx.add.f32.msk $0xffff, v0  }
0x75: {  	[tilespmem:v3+s10+$0x0] =	vst.idx.add.f32.msk $0xffff, v4  }
0x76: {  	[tilespmem:$0x13580] =	vst v5  }
0x77: {  	[tilespmem:$0x13600] =	vst v6  }
0x78: {  	s24 =	simm.s32 $0x2;
	[tilespmem:$0x13680] =	vst v7  }
0x79: {  	_ =	swait.ge [sflag:s24], $0x2710  }
0x7a: {  	[sflag:s24] =	ssyncset.done $0x0  }
0x7b: {  	s25 =	simm.s32 $0x4;
	[sflag:s24] =	ssyncadd.s32 $0xFFFFD8F0  }
0x7c: {  	_ =	swait.ge [sflag:s25], $0x2710  }
0x7d: {  	[sflag:s25] =	ssyncset.done $0x0  }
0x7e: {  	s26 =	simm.s32 $0x6;
	[sflag:s25] =	ssyncadd.s32 $0xFFFFD8F0  }
0x7f: {  	_ =	swait.ge [sflag:s26], $0x2710  }
0x80: {  	s11 =	sadd.s32 $0x9C40, s9;
	s13 =	simm.s32 $0x4000;
	[sflag:s26] =	ssyncset.done $0x0  }
0x81: {  	s12 =	sadd.s32 s7, s11;
	s10 =	simm.s32 $0x0;
	[sflag:s26] =	ssyncadd.s32 $0xFFFFD8F0  }
0x82: {  	[tilespmem:s13], [sflag:$0x1] =	stream.linear.gather [hbm4b:s12+s10], $0x2710, $0x200038;
	[tilespmem:$0x15700] =	vst v63  }
0x83: {  	s29 =	simm.s32 $0x8F00;
	s28 =	sadd.s32 s6, s11  }
0x84: {  	[tilespmem:s29], [sflag:$0x3] =	stream.linear.gather [hbm4b:s28+s10], $0x2710, $0x200038;
	[tilespmem:$0x15700] =	vst v63  }
0x85: {  	s30 =	simm.s32 $0xDE00;
	s11 =	sadd.s32 s5, s11  }
0x86: {  	[tilespmem:s30], [sflag:$0x5] =	stream.linear.gather [hbm4b:s11+s10], $0x2710, $0x200038;
	[tilespmem:$0x15700] =	vst v63  }
0x87: {  	v5 =	vld [tilespmem:$0x13580]  }
0x88: {  	v2 =	vld [tilespmem:$0x13600]  }
0x89: {  	s11 =	simm.s32 $0x105A0;
	v4 =	vld [tilespmem:$0x13680]  }
0x8a: {  	v0 =	vld [tilespmem:s11+$0xFFFFFFE0]  }
0x8b: {  	s12 =	simm.s32 $0x67A0;
	v3 =	vld [tilespmem:s11+$0xFFFFFFF0]  }
0x8c: {  	v7 =	vld [tilespmem:s12+$0xFFFFFFE0]  }
0x8d: {  	v8 =	vld [tilespmem:s11+$0x0]  }
0x8e: {  	v9 =	vld [tilespmem:s12+$0xFFFFFFF0]  }
0x8f: {  	v13 =	vld [tilespmem:s12+$0x10]  }
0x90: {  	v15 =	vld [tilespmem:s12+$0x20]  }
0x91: {  	v10 =	vld [tilespmem:s11+$0x10]  }
0x92: {  	v11 =	vld [tilespmem:s12+$0x0];
	v1 =	vcvt.s32.f32 v0;
	v3 =	vcvt.s32.f32 v3  }
0x93: {  	v14 =	vmul.f32 $1.442695020e+00, v7;
	v0 =	vcvt.s32.f32 v8  }
0x94: {  	v6 =	vld [tilespmem:s11+$0x20];
	v16 =	vmul.f32 $1.442695020e+00, v9;
	v5 =	vmax.f32 v5, v7;
	v12 =	vmul.f32 v1, v7  }
0x95: {  	s31 =	simm.s32 $0xB6A0;
	v63 =	vmul.f32 $1.442695020e+00, v13;
	v21 =	vmul.f32 $1.442695020e+00, v15;
	v5 =	vmax.f32 v5, v9  }
0x96: {  	v18 =	vld [tilespmem:s31+$0xFFFFFFF0];
	v4 =	vadd.f32 v1, v4;
	v8 =	vadd.f32 v12, v2;
	v12 =	vmul.f32 v3, v9  }
0x97: {  	v20 =	vld [tilespmem:s31+$0x20];
	v17 =	vmul.f32 v0, v11;
	v5 =	vmax.f32 v5, v11;
	v2 =	vcvt.s32.f32 v10  }
0x98: {  	(erf) = vpow2.f32 v14;
	v10 =	vld [tilespmem:s31+$0xFFFFFFE0];
	v8 =	vadd.f32 v12, v8;
	v12 =	vadd.f32 v3, v4  }
0x99: {  	v5 =	vmax.f32 v5, v13;
	v19 =	vmul.f32 v2, v13;
	v4 =	vcvt.s32.f32 v6;
	v6 =	vld [tilespmem:s31+$0x0]  }
0x9a: {  	v7 =	vadd.f32 v17, v8;
	v8 =	vadd.f32 v0, v12;
	v12 =	vmul.f32 $1.442695020e+00, v11;
	v11 =	vld [tilespmem:s31+$0x10]  }
0x9b: {  	(erf) = vpow2.f32 v16;
	v9 =	vmul.f32 $4.096000000e+03, v18;
	v5 =	vmax.f32 v5, v15  }
0x9c: {  	v62 =	vmul.f32 v4, v15;
	v7 =	vadd.f32 v19, v7;
	(erf) = vpow2.f32 v12  }
0x9d: {  	v14 =	vadd.f32 v2, v8;
	v8 =	vmul.f32 $4.096000000e+03, v10;
	(erf) = vpow2.f32 v63  }
0x9e: {  	v10 =	vmul.f32 $4.096000000e+03, v6;
	v6 =	vadd.f32 v62, v7;
	(erf) = vpow2.f32 v21  }
0x9f: {  	s14 =	simm.s32 $0xB6F0;
	s13 =	simm.s32 $0x0;
	v7 =	vadd.f32 v4, v14;
	v12 =	vmul.f32 $4.096000000e+03, v11;
	v11 =	vmul.f32 $4.096000000e+03, v20  }
.LBB2_5:
0xa0: {  	v13 =	vld [tilespmem:s14+$0xFFFFFFE0];
	v8 =	vtrunc.f32 v8;
	v9 =	vtrunc.f32 v9;
	s11 =	sadd.s32 $0x50, s11  }
0xa1: {  	v10 =	vtrunc.f32 v10;
	v12 =	vtrunc.f32 v12;
	v14 =	vld [tilespmem:s11+$0x20]  }
0xa2: {  	s13 =	sadd.s32 $0x5, s13;
	v8 =	vcvt.f32.s32 v8;
	v11 =	vtrunc.f32 v11;
	v15 =	vld [tilespmem:s11+$0xFFFFFFE0]  }
0xa3: {  	s12 =	sadd.s32 $0x50, s12;
	p0 =	slt.u32 s13, $0x26C;
	v9 =	vcvt.f32.s32 v9;
	v10 =	vcvt.f32.s32 v10;
	v16 =	vld [tilespmem:s11+$0xFFFFFFF0]  }
0xa4: {  	v12 =	vcvt.f32.s32 v12;
	v11 =	vcvt.f32.s32 v11;
	vm0 =	vlt.s32 v8, $0xFFF;
	v17 =	vld [tilespmem:s12+$0xFFFFFFE0];
	v18 =	vpop (erf)  }
0xa5: {  	v8 =	vnsel vm0, $0xFFF, v8;
	vm0 =	vlt.s32 v9, $0xFFF;
	v19 =	vld [tilespmem:s11+$0x0];
	v20 =	vpop (erf)  }
0xa6: {  	vm1 =	vlt.s32 v10, $0xFFF;
	vm2 =	vlt.s32 v12, $0xFFF;
	vm3 =	vlt.s32 v11, $0xFFF;
	v21 =	vld [tilespmem:s12+$0xFFFFFFF0];
	v22 =	vpop (erf)  }
0xa7: {  	v24 =	vadd.s32 $0x1000, v8;
	v9 =	vnsel vm0, $0xFFF, v9;
	v15 =	vcvt.s32.f32 v15;
	v23 =	vld [tilespmem:s11+$0x10];
	v25 =	vpop (erf)  }
0xa8: {  	v10 =	vnsel vm1, $0xFFF, v10;
	v12 =	vnsel vm2, $0xFFF, v12;
	v11 =	vnsel vm3, $0xFFF, v11;
	v26 =	vld [tilespmem:s12+$0x0];
	v27 =	vpop (erf)  }
0xa9: {  	v30 =	vadd.s32 $0x1000, v9;
	v16 =	vcvt.s32.f32 v16;
	v28 =	vmul.f32 v15, v17;
	v29 =	vld [tilespmem:s12+$0x10]  }
0xaa: {  	v31 =	vmul.f32 $1.442695020e+00, v17;
	v19 =	vcvt.s32.f32 v19;
	[tilespmem:v8+s10+$0x0] =	vst.idx.add.f32.msk $0xffff, v18;
	v18 =	vadd.s32 $0x1000, v10  }
0xab: {  	v7 =	vadd.f32 v15, v7;
	v6 =	vadd.f32 v28, v6;
	v8 =	vmul.f32 v16, v21;
	v28 =	vld [tilespmem:s12+$0x20]  }
0xac: {  	v32 =	vmul.f32 $1.442695020e+00, v21;
	v23 =	vcvt.s32.f32 v23;
	[tilespmem:v24+s10+$0x0] =	vst.idx.add.f32.msk $0xffff, v1;
	v24 =	vadd.s32 $0x1000, v12;
	v1 =	vmovc v15  }
0xad: {  	v7 =	vadd.f32 v16, v7;
	v15 =	vld [tilespmem:s14+$0xFFFFFFF0];
	v6 =	vadd.f32 v8, v6;
	v8 =	vmul.f32 v19, v26  }
0xae: {  	v14 =	vcvt.s32.f32 v14;
	v33 =	vmul.f32 v23, v29;
	[tilespmem:v9+s10+$0x0] =	vst.idx.add.f32.msk $0xffff, v20;
	v20 =	vadd.s32 $0x1000, v11  }
0xaf: {  	v5 =	vmax.f32 v5, v17;
	v7 =	vadd.f32 v19, v7;
	v17 =	vld [tilespmem:s14+$0x0];
	v6 =	vadd.f32 v8, v6  }
0xb0: {  	v5 =	vmax.f32 v5, v21;
	v21 =	vmul.f32 $1.442695020e+00, v26;
	v8 =	vmul.f32 v14, v28;
	[tilespmem:v30+s10+$0x0] =	vst.idx.add.f32.msk $0xffff, v3  }
0xb1: {  	v5 =	vmax.f32 v5, v26;
	v7 =	vadd.f32 v23, v7;
	v3 =	vmovc v16;
	v26 =	vld [tilespmem:s14+$0x10];
	v6 =	vadd.f32 v33, v6  }
0xb2: {  	v5 =	vmax.f32 v5, v29;
	v16 =	vmul.f32 $1.442695020e+00, v29;
	v29 =	vmul.f32 $1.442695020e+00, v28;
	[tilespmem:v10+s10+$0x0] =	vst.idx.add.f32.msk $0xffff, v22  }
0xb3: {  	v5 =	vmax.f32 v5, v28;
	v7 =	vadd.f32 v14, v7;
	v22 =	vld [tilespmem:s14+$0x20];
	v6 =	vadd.f32 v8, v6  }
.Ltmp2:
0xb4: {  	v8 =	vmul.f32 $4.096000000e+03, v13;
	(erf) = vpow2.f32 v31;
	[tilespmem:v18+s10+$0x0] =	vst.idx.add.f32.msk $0xffff, v0;
	v0 =	vmov v19;
	(pc) =	sbr.rel @p0 .LBB2_5-.Ltmp2, $4  }
0xb5: {  	v9 =	vmul.f32 $4.096000000e+03, v15;
	(erf) = vpow2.f32 v32;
	[tilespmem:v12+s10+$0x0] =	vst.idx.add.f32.msk $0xffff, v25  }
0xb6: {  	v10 =	vmul.f32 $4.096000000e+03, v17;
	(erf) = vpow2.f32 v21;
	[tilespmem:v24+s10+$0x0] =	vst.idx.add.f32.msk $0xffff, v2;
	v2 =	vmov v23  }
0xb7: {  	v12 =	vmul.f32 $4.096000000e+03, v26;
	(erf) = vpow2.f32 v16;
	[tilespmem:v11+s10+$0x0] =	vst.idx.add.f32.msk $0xffff, v27  }
0xb8: {  	s14 =	sadd.s32 $0x50, s14;
	v11 =	vmul.f32 $4.096000000e+03, v22;
	(erf) = vpow2.f32 v29;
	[tilespmem:v20+s10+$0x0] =	vst.idx.add.f32.msk $0xffff, v4;
	v4 =	vmov v14  }
0xb9: {  	v8 =	vtrunc.f32 v8  }
0xba: {  	v8 =	vcvt.f32.s32 v8  }
0xbb: {  	v9 =	vtrunc.f32 v9  }
0xbc: {  	v9 =	vcvt.f32.s32 v9;
	vm0 =	vlt.s32 v8, $0xFFF  }
0xbd: {  	v10 =	vtrunc.f32 v10;
	v12 =	vtrunc.f32 v12;
	v8 =	vnsel vm0, $0xFFF, v8  }
0xbe: {  	v10 =	vcvt.f32.s32 v10;
	vm12 =	vlt.s32 v9, $0xFFF;
	v13 =	vadd.s32 $0x1000, v8  }
0xbf: {  	v12 =	vcvt.f32.s32 v12;
	v9 =	vnsel vm12, $0xFFF, v9  }
0xc0: {  	vm13 =	vlt.s32 v10, $0xFFF;
	v14 =	vadd.s32 $0x1000, v9  }
0xc1: {  	v11 =	vtrunc.f32 v11;
	vm14 =	vlt.s32 v12, $0xFFF;
	v15 =	vpop (erf);
	v10 =	vnsel vm13, $0xFFF, v10  }
0xc2: {  	v11 =	vcvt.f32.s32 v11;
	v12 =	vnsel vm14, $0xFFF, v12;
	[tilespmem:v8+s10+$0x0] =	vst.idx.add.f32.msk $0xffff, v15  }
0xc3: {  	v8 =	vadd.s32 $0x1000, v10;
	v15 =	vpop (erf);
	[tilespmem:v13+s10+$0x0] =	vst.idx.add.f32.msk $0xffff, v1  }
0xc4: {  	vm15 =	vlt.s32 v11, $0xFFF;
	v1 =	vadd.s32 $0x1000, v12;
	[tilespmem:v9+s10+$0x0] =	vst.idx.add.f32.msk $0xffff, v15  }
0xc5: {  	v11 =	vnsel vm15, $0xFFF, v11;
	v9 =	vpop (erf);
	[tilespmem:v14+s10+$0x0] =	vst.idx.add.f32.msk $0xffff, v3  }
0xc6: {  	v3 =	vadd.s32 $0x1000, v11;
	[tilespmem:v10+s10+$0x0] =	vst.idx.add.f32.msk $0xffff, v9;
	v9 =	vpop (erf)  }
0xc7: {  	[tilespmem:v12+s10+$0x0] =	vst.idx.add.f32.msk $0xffff, v9  }
0xc8: {  	[tilespmem:v8+s10+$0x0] =	vst.idx.add.f32.msk $0xffff, v0  }
0xc9: {  	v0 =	vpop (erf);
	[tilespmem:v1+s10+$0x0] =	vst.idx.add.f32.msk $0xffff, v2  }
0xca: {  	[tilespmem:v11+s10+$0x0] =	vst.idx.add.f32.msk $0xffff, v0  }
0xcb: {  	[tilespmem:v3+s10+$0x0] =	vst.idx.add.f32.msk $0xffff, v4  }
0xcc: {  	[tilespmem:$0x13580] =	vst v5  }
0xcd: {  	[tilespmem:$0x13600] =	vst v6  }
0xce: {  	s24 =	simm.s32 $0x1;
	[tilespmem:$0x13680] =	vst v7  }
0xcf: {  	_ =	swait.ge [sflag:s24], $0x2710  }
0xd0: {  	[sflag:s24] =	ssyncset.done $0x0  }
0xd1: {  	s25 =	simm.s32 $0x3;
	[sflag:s24] =	ssyncadd.s32 $0xFFFFD8F0  }
0xd2: {  	_ =	swait.ge [sflag:s25], $0x2710  }
0xd3: {  	[sflag:s25] =	ssyncset.done $0x0  }
0xd4: {  	s26 =	simm.s32 $0x5;
	[sflag:s25] =	ssyncadd.s32 $0xFFFFD8F0  }
0xd5: {  	_ =	swait.ge [sflag:s26], $0x2710  }
0xd6: {  	s11 =	sadd.s32 $0xEA60, s9;
	s13 =	simm.s32 $0x6780;
	[sflag:s26] =	ssyncset.done $0x0  }
0xd7: {  	s12 =	sadd.s32 s7, s11;
	s10 =	simm.s32 $0x0;
	[sflag:s26] =	ssyncadd.s32 $0xFFFFD8F0  }
0xd8: {  	[tilespmem:s13], [sflag:$0x2] =	stream.linear.gather [hbm4b:s12+s10], $0x2710, $0x200038;
	[tilespmem:$0x15700] =	vst v63  }
0xd9: {  	s29 =	simm.s32 $0xB680;
	s28 =	sadd.s32 s6, s11  }
0xda: {  	[tilespmem:s29], [sflag:$0x4] =	stream.linear.gather [hbm4b:s28+s10], $0x2710, $0x200038;
	[tilespmem:$0x15700] =	vst v63  }
0xdb: {  	s30 =	simm.s32 $0x10580;
	s11 =	sadd.s32 s5, s11  }
0xdc: {  	[tilespmem:s30], [sflag:$0x6] =	stream.linear.gather [hbm4b:s11+s10], $0x2710, $0x200038;
	[tilespmem:$0x15700] =	vst v63  }
0xdd: {  	v5 =	vld [tilespmem:$0x13580]  }
0xde: {  	v2 =	vld [tilespmem:$0x13600]  }
0xdf: {  	s11 =	simm.s32 $0xDE20;
	v4 =	vld [tilespmem:$0x13680]  }
0xe0: {  	v0 =	vld [tilespmem:s11+$0xFFFFFFE0]  }
0xe1: {  	s12 =	simm.s32 $0x4020;
	v3 =	vld [tilespmem:s11+$0xFFFFFFF0]  }
0xe2: {  	v7 =	vld [tilespmem:s12+$0xFFFFFFE0]  }
0xe3: {  	v8 =	vld [tilespmem:s11+$0x0]  }
0xe4: {  	v9 =	vld [tilespmem:s12+$0xFFFFFFF0]  }
0xe5: {  	v13 =	vld [tilespmem:s12+$0x10]  }
0xe6: {  	v15 =	vld [tilespmem:s12+$0x20]  }
0xe7: {  	v10 =	vld [tilespmem:s11+$0x10]  }
0xe8: {  	v11 =	vld [tilespmem:s12+$0x0];
	v1 =	vcvt.s32.f32 v0;
	v3 =	vcvt.s32.f32 v3  }
0xe9: {  	v14 =	vmul.f32 $1.442695020e+00, v7;
	v0 =	vcvt.s32.f32 v8  }
0xea: {  	v6 =	vld [tilespmem:s11+$0x20];
	v16 =	vmul.f32 $1.442695020e+00, v9;
	v5 =	vmax.f32 v5, v7;
	v12 =	vmul.f32 v1, v7  }
0xeb: {  	s31 =	simm.s32 $0x8F20;
	v63 =	vmul.f32 $1.442695020e+00, v13;
	v21 =	vmul.f32 $1.442695020e+00, v15;
	v5 =	vmax.f32 v5, v9  }
0xec: {  	v18 =	vld [tilespmem:s31+$0xFFFFFFF0];
	v4 =	vadd.f32 v1, v4;
	v8 =	vadd.f32 v12, v2;
	v12 =	vmul.f32 v3, v9  }
0xed: {  	v20 =	vld [tilespmem:s31+$0x20];
	v17 =	vmul.f32 v0, v11;
	v5 =	vmax.f32 v5, v11;
	v2 =	vcvt.s32.f32 v10  }
0xee: {  	(erf) = vpow2.f32 v14;
	v10 =	vld [tilespmem:s31+$0xFFFFFFE0];
	v8 =	vadd.f32 v12, v8;
	v12 =	vadd.f32 v3, v4  }
0xef: {  	v5 =	vmax.f32 v5, v13;
	v19 =	vmul.f32 v2, v13;
	v4 =	vcvt.s32.f32 v6;
	v6 =	vld [tilespmem:s31+$0x0]  }
0xf0: {  	v7 =	vadd.f32 v17, v8;
	v8 =	vadd.f32 v0, v12;
	v12 =	vmul.f32 $1.442695020e+00, v11;
	v11 =	vld [tilespmem:s31+$0x10]  }
0xf1: {  	(erf) = vpow2.f32 v16;
	v9 =	vmul.f32 $4.096000000e+03, v18;
	v5 =	vmax.f32 v5, v15  }
0xf2: {  	v62 =	vmul.f32 v4, v15;
	v7 =	vadd.f32 v19, v7;
	(erf) = vpow2.f32 v12  }
0xf3: {  	v14 =	vadd.f32 v2, v8;
	v8 =	vmul.f32 $4.096000000e+03, v10;
	(erf) = vpow2.f32 v63  }
0xf4: {  	v10 =	vmul.f32 $4.096000000e+03, v6;
	v6 =	vadd.f32 v62, v7;
	(erf) = vpow2.f32 v21  }
0xf5: {  	s14 =	simm.s32 $0x8F70;
	s13 =	simm.s32 $0x0;
	v7 =	vadd.f32 v4, v14;
	v12 =	vmul.f32 $4.096000000e+03, v11;
	v11 =	vmul.f32 $4.096000000e+03, v20  }
.LBB2_7:
0xf6: {  	v13 =	vld [tilespmem:s14+$0xFFFFFFE0];
	v8 =	vtrunc.f32 v8;
	v9 =	vtrunc.f32 v9;
	s11 =	sadd.s32 $0x50, s11  }
0xf7: {  	v10 =	vtrunc.f32 v10;
	v12 =	vtrunc.f32 v12;
	v14 =	vld [tilespmem:s11+$0x20]  }
0xf8: {  	s13 =	sadd.s32 $0x5, s13;
	v8 =	vcvt.f32.s32 v8;
	v11 =	vtrunc.f32 v11;
	v15 =	vld [tilespmem:s11+$0xFFFFFFE0]  }
0xf9: {  	s12 =	sadd.s32 $0x50, s12;
	p0 =	slt.u32 s13, $0x26C;
	v9 =	vcvt.f32.s32 v9;
	v10 =	vcvt.f32.s32 v10;
	v16 =	vld [tilespmem:s11+$0xFFFFFFF0]  }
0xfa: {  	v12 =	vcvt.f32.s32 v12;
	v11 =	vcvt.f32.s32 v11;
	vm0 =	vlt.s32 v8, $0xFFF;
	v17 =	vld [tilespmem:s12+$0xFFFFFFE0];
	v18 =	vpop (erf)  }
0xfb: {  	v8 =	vnsel vm0, $0xFFF, v8;
	vm0 =	vlt.s32 v9, $0xFFF;
	v19 =	vld [tilespmem:s11+$0x0];
	v20 =	vpop (erf)  }
0xfc: {  	vm1 =	vlt.s32 v10, $0xFFF;
	vm2 =	vlt.s32 v12, $0xFFF;
	vm3 =	vlt.s32 v11, $0xFFF;
	v21 =	vld [tilespmem:s12+$0xFFFFFFF0];
	v22 =	vpop (erf)  }
0xfd: {  	v24 =	vadd.s32 $0x1000, v8;
	v9 =	vnsel vm0, $0xFFF, v9;
	v15 =	vcvt.s32.f32 v15;
	v23 =	vld [tilespmem:s11+$0x10];
	v25 =	vpop (erf)  }
0xfe: {  	v10 =	vnsel vm1, $0xFFF, v10;
	v12 =	vnsel vm2, $0xFFF, v12;
	v11 =	vnsel vm3, $0xFFF, v11;
	v26 =	vld [tilespmem:s12+$0x0];
	v27 =	vpop (erf)  }
0xff: {  	v30 =	vadd.s32 $0x1000, v9;
	v16 =	vcvt.s32.f32 v16;
	v28 =	vmul.f32 v15, v17;
	v29 =	vld [tilespmem:s12+$0x10]  }
0x100: {  	v31 =	vmul.f32 $1.442695020e+00, v17;
	v19 =	vcvt.s32.f32 v19;
	[tilespmem:v8+s10+$0x0] =	vst.idx.add.f32.msk $0xffff, v18;
	v18 =	vadd.s32 $0x1000, v10  }
0x101: {  	v7 =	vadd.f32 v15, v7;
	v6 =	vadd.f32 v28, v6;
	v8 =	vmul.f32 v16, v21;
	v28 =	vld [tilespmem:s12+$0x20]  }
0x102: {  	v32 =	vmul.f32 $1.442695020e+00, v21;
	v23 =	vcvt.s32.f32 v23;
	[tilespmem:v24+s10+$0x0] =	vst.idx.add.f32.msk $0xffff, v1;
	v24 =	vadd.s32 $0x1000, v12;
	v1 =	vmovc v15  }
0x103: {  	v7 =	vadd.f32 v16, v7;
	v15 =	vld [tilespmem:s14+$0xFFFFFFF0];
	v6 =	vadd.f32 v8, v6;
	v8 =	vmul.f32 v19, v26  }
0x104: {  	v14 =	vcvt.s32.f32 v14;
	v33 =	vmul.f32 v23, v29;
	[tilespmem:v9+s10+$0x0] =	vst.idx.add.f32.msk $0xffff, v20;
	v20 =	vadd.s32 $0x1000, v11  }
0x105: {  	v5 =	vmax.f32 v5, v17;
	v7 =	vadd.f32 v19, v7;
	v17 =	vld [tilespmem:s14+$0x0];
	v6 =	vadd.f32 v8, v6  }
0x106: {  	v5 =	vmax.f32 v5, v21;
	v21 =	vmul.f32 $1.442695020e+00, v26;
	v8 =	vmul.f32 v14, v28;
	[tilespmem:v30+s10+$0x0] =	vst.idx.add.f32.msk $0xffff, v3  }
0x107: {  	v5 =	vmax.f32 v5, v26;
	v7 =	vadd.f32 v23, v7;
	v3 =	vmovc v16;
	v26 =	vld [tilespmem:s14+$0x10];
	v6 =	vadd.f32 v33, v6  }
0x108: {  	v5 =	vmax.f32 v5, v29;
	v16 =	vmul.f32 $1.442695020e+00, v29;
	v29 =	vmul.f32 $1.442695020e+00, v28;
	[tilespmem:v10+s10+$0x0] =	vst.idx.add.f32.msk $0xffff, v22  }
0x109: {  	v5 =	vmax.f32 v5, v28;
	v7 =	vadd.f32 v14, v7;
	v22 =	vld [tilespmem:s14+$0x20];
	v6 =	vadd.f32 v8, v6  }
.Ltmp3:
0x10a: {  	v8 =	vmul.f32 $4.096000000e+03, v13;
	(erf) = vpow2.f32 v31;
	[tilespmem:v18+s10+$0x0] =	vst.idx.add.f32.msk $0xffff, v0;
	v0 =	vmov v19;
	(pc) =	sbr.rel @p0 .LBB2_7-.Ltmp3, $4  }
0x10b: {  	v9 =	vmul.f32 $4.096000000e+03, v15;
	(erf) = vpow2.f32 v32;
	[tilespmem:v12+s10+$0x0] =	vst.idx.add.f32.msk $0xffff, v25  }
0x10c: {  	v10 =	vmul.f32 $4.096000000e+03, v17;
	(erf) = vpow2.f32 v21;
	[tilespmem:v24+s10+$0x0] =	vst.idx.add.f32.msk $0xffff, v2;
	v2 =	vmov v23  }
0x10d: {  	v12 =	vmul.f32 $4.096000000e+03, v26;
	(erf) = vpow2.f32 v16;
	[tilespmem:v11+s10+$0x0] =	vst.idx.add.f32.msk $0xffff, v27  }
0x10e: {  	s14 =	sadd.s32 $0x50, s14;
	v11 =	vmul.f32 $4.096000000e+03, v22;
	(erf) = vpow2.f32 v29;
	[tilespmem:v20+s10+$0x0] =	vst.idx.add.f32.msk $0xffff, v4;
	v4 =	vmov v14  }
0x10f: {  	v8 =	vtrunc.f32 v8  }
0x110: {  	v8 =	vcvt.f32.s32 v8  }
0x111: {  	v9 =	vtrunc.f32 v9  }
0x112: {  	v9 =	vcvt.f32.s32 v9;
	vm0 =	vlt.s32 v8, $0xFFF  }
0x113: {  	v10 =	vtrunc.f32 v10;
	v12 =	vtrunc.f32 v12;
	v8 =	vnsel vm0, $0xFFF, v8  }
0x114: {  	v10 =	vcvt.f32.s32 v10;
	vm12 =	vlt.s32 v9, $0xFFF;
	v13 =	vadd.s32 $0x1000, v8  }
0x115: {  	v12 =	vcvt.f32.s32 v12;
	v9 =	vnsel vm12, $0xFFF, v9  }
0x116: {  	vm13 =	vlt.s32 v10, $0xFFF;
	v14 =	vadd.s32 $0x1000, v9  }
0x117: {  	v11 =	vtrunc.f32 v11;
	vm14 =	vlt.s32 v12, $0xFFF;
	v15 =	vpop (erf);
	v10 =	vnsel vm13, $0xFFF, v10  }
0x118: {  	v11 =	vcvt.f32.s32 v11;
	v12 =	vnsel vm14, $0xFFF, v12;
	[tilespmem:v8+s10+$0x0] =	vst.idx.add.f32.msk $0xffff, v15  }
0x119: {  	v8 =	vadd.s32 $0x1000, v10;
	v15 =	vpop (erf);
	[tilespmem:v13+s10+$0x0] =	vst.idx.add.f32.msk $0xffff, v1  }
0x11a: {  	vm15 =	vlt.s32 v11, $0xFFF;
	v1 =	vadd.s32 $0x1000, v12;
	[tilespmem:v9+s10+$0x0] =	vst.idx.add.f32.msk $0xffff, v15  }
0x11b: {  	v11 =	vnsel vm15, $0xFFF, v11;
	v9 =	vpop (erf);
	[tilespmem:v14+s10+$0x0] =	vst.idx.add.f32.msk $0xffff, v3  }
0x11c: {  	v3 =	vadd.s32 $0x1000, v11;
	[tilespmem:v10+s10+$0x0] =	vst.idx.add.f32.msk $0xffff, v9;
	v9 =	vpop (erf)  }
0x11d: {  	[tilespmem:v12+s10+$0x0] =	vst.idx.add.f32.msk $0xffff, v9  }
0x11e: {  	[tilespmem:v8+s10+$0x0] =	vst.idx.add.f32.msk $0xffff, v0  }
0x11f: {  	v0 =	vpop (erf);
	[tilespmem:v1+s10+$0x0] =	vst.idx.add.f32.msk $0xffff, v2  }
0x120: {  	[tilespmem:v11+s10+$0x0] =	vst.idx.add.f32.msk $0xffff, v0  }
0x121: {  	[tilespmem:v3+s10+$0x0] =	vst.idx.add.f32.msk $0xffff, v4  }
0x122: {  	[tilespmem:$0x13580] =	vst v5  }
0x123: {  	[tilespmem:$0x13600] =	vst v6  }
0x124: {  	s24 =	simm.s32 $0x2;
	[tilespmem:$0x13680] =	vst v7  }
0x125: {  	_ =	swait.ge [sflag:s24], $0x2710  }
0x126: {  	[sflag:s24] =	ssyncset.done $0x0  }
0x127: {  	s25 =	simm.s32 $0x4;
	[sflag:s24] =	ssyncadd.s32 $0xFFFFD8F0  }
0x128: {  	_ =	swait.ge [sflag:s25], $0x2710  }
0x129: {  	[sflag:s25] =	ssyncset.done $0x0  }
0x12a: {  	s26 =	simm.s32 $0x6;
	[sflag:s25] =	ssyncadd.s32 $0xFFFFD8F0  }
0x12b: {  	_ =	swait.ge [sflag:s26], $0x2710  }
0x12c: {  	s11 =	sadd.s32 $0x13880, s9;
	s13 =	simm.s32 $0x4000;
	[sflag:s26] =	ssyncset.done $0x0  }
0x12d: {  	s12 =	sadd.s32 s7, s11;
	s10 =	simm.s32 $0x0;
	[sflag:s26] =	ssyncadd.s32 $0xFFFFD8F0  }
0x12e: {  	[tilespmem:s13], [sflag:$0x1] =	stream.linear.gather [hbm4b:s12+s10], $0x2710, $0x200038;
	[tilespmem:$0x15700] =	vst v63  }
0x12f: {  	s29 =	simm.s32 $0x8F00;
	s28 =	sadd.s32 s6, s11  }
0x130: {  	[tilespmem:s29], [sflag:$0x3] =	stream.linear.gather [hbm4b:s28+s10], $0x2710, $0x200038;
	[tilespmem:$0x15700] =	vst v63  }
0x131: {  	s30 =	simm.s32 $0xDE00;
	s11 =	sadd.s32 s5, s11  }
0x132: {  	[tilespmem:s30], [sflag:$0x5] =	stream.linear.gather [hbm4b:s11+s10], $0x2710, $0x200038;
	[tilespmem:$0x15700] =	vst v63  }
0x133: {  	v5 =	vld [tilespmem:$0x13580]  }
0x134: {  	v2 =	vld [tilespmem:$0x13600]  }
0x135: {  	s11 =	simm.s32 $0x105A0;
	v4 =	vld [tilespmem:$0x13680]  }
0x136: {  	v0 =	vld [tilespmem:s11+$0xFFFFFFE0]  }
0x137: {  	s12 =	simm.s32 $0x67A0;
	v3 =	vld [tilespmem:s11+$0xFFFFFFF0]  }
0x138: {  	v7 =	vld [tilespmem:s12+$0xFFFFFFE0]  }
0x139: {  	v8 =	vld [tilespmem:s11+$0x0]  }
0x13a: {  	v9 =	vld [tilespmem:s12+$0xFFFFFFF0]  }
0x13b: {  	v13 =	vld [tilespmem:s12+$0x10]  }
0x13c: {  	v15 =	vld [tilespmem:s12+$0x20]  }
0x13d: {  	v10 =	vld [tilespmem:s11+$0x10]  }
0x13e: {  	v11 =	vld [tilespmem:s12+$0x0];
	v1 =	vcvt.s32.f32 v0;
	v3 =	vcvt.s32.f32 v3  }
0x13f: {  	v14 =	vmul.f32 $1.442695020e+00, v7;
	v0 =	vcvt.s32.f32 v8  }
0x140: {  	v6 =	vld [tilespmem:s11+$0x20];
	v16 =	vmul.f32 $1.442695020e+00, v9;
	v5 =	vmax.f32 v5, v7;
	v12 =	vmul.f32 v1, v7  }
0x141: {  	s31 =	simm.s32 $0xB6A0;
	v63 =	vmul.f32 $1.442695020e+00, v13;
	v21 =	vmul.f32 $1.442695020e+00, v15;
	v5 =	vmax.f32 v5, v9  }
0x142: {  	v18 =	vld [tilespmem:s31+$0xFFFFFFF0];
	v4 =	vadd.f32 v1, v4;
	v8 =	vadd.f32 v12, v2;
	v12 =	vmul.f32 v3, v9  }
0x143: {  	v20 =	vld [tilespmem:s31+$0x20];
	v17 =	vmul.f32 v0, v11;
	v5 =	vmax.f32 v5, v11;
	v2 =	vcvt.s32.f32 v10  }
0x144: {  	(erf) = vpow2.f32 v14;
	v10 =	vld [tilespmem:s31+$0xFFFFFFE0];
	v8 =	vadd.f32 v12, v8;
	v12 =	vadd.f32 v3, v4  }
0x145: {  	v5 =	vmax.f32 v5, v13;
	v19 =	vmul.f32 v2, v13;
	v4 =	vcvt.s32.f32 v6;
	v6 =	vld [tilespmem:s31+$0x0]  }
0x146: {  	v7 =	vadd.f32 v17, v8;
	v8 =	vadd.f32 v0, v12;
	v12 =	vmul.f32 $1.442695020e+00, v11;
	v11 =	vld [tilespmem:s31+$0x10]  }
0x147: {  	(erf) = vpow2.f32 v16;
	v9 =	vmul.f32 $4.096000000e+03, v18;
	v5 =	vmax.f32 v5, v15  }
0x148: {  	v62 =	vmul.f32 v4, v15;
	v7 =	vadd.f32 v19, v7;
	(erf) = vpow2.f32 v12  }
0x149: {  	v14 =	vadd.f32 v2, v8;
	v8 =	vmul.f32 $4.096000000e+03, v10;
	(erf) = vpow2.f32 v63  }
0x14a: {  	v10 =	vmul.f32 $4.096000000e+03, v6;
	v6 =	vadd.f32 v62, v7;
	(erf) = vpow2.f32 v21  }
0x14b: {  	s14 =	simm.s32 $0xB6F0;
	s13 =	simm.s32 $0x0;
	v7 =	vadd.f32 v4, v14;
	v12 =	vmul.f32 $4.096000000e+03, v11;
	v11 =	vmul.f32 $4.096000000e+03, v20  }
.LBB2_9:
0x14c: {  	v13 =	vld [tilespmem:s14+$0xFFFFFFE0];
	v8 =	vtrunc.f32 v8;
	v9 =	vtrunc.f32 v9;
	s11 =	sadd.s32 $0x50, s11  }
0x14d: {  	v10 =	vtrunc.f32 v10;
	v12 =	vtrunc.f32 v12;
	v14 =	vld [tilespmem:s11+$0x20]  }
0x14e: {  	s13 =	sadd.s32 $0x5, s13;
	v8 =	vcvt.f32.s32 v8;
	v11 =	vtrunc.f32 v11;
	v15 =	vld [tilespmem:s11+$0xFFFFFFE0]  }
0x14f: {  	s12 =	sadd.s32 $0x50, s12;
	p0 =	slt.u32 s13, $0x26C;
	v9 =	vcvt.f32.s32 v9;
	v10 =	vcvt.f32.s32 v10;
	v16 =	vld [tilespmem:s11+$0xFFFFFFF0]  }
0x150: {  	v12 =	vcvt.f32.s32 v12;
	v11 =	vcvt.f32.s32 v11;
	vm0 =	vlt.s32 v8, $0xFFF;
	v17 =	vld [tilespmem:s12+$0xFFFFFFE0];
	v18 =	vpop (erf)  }
0x151: {  	v8 =	vnsel vm0, $0xFFF, v8;
	vm0 =	vlt.s32 v9, $0xFFF;
	v19 =	vld [tilespmem:s11+$0x0];
	v20 =	vpop (erf)  }
0x152: {  	vm1 =	vlt.s32 v10, $0xFFF;
	vm2 =	vlt.s32 v12, $0xFFF;
	vm3 =	vlt.s32 v11, $0xFFF;
	v21 =	vld [tilespmem:s12+$0xFFFFFFF0];
	v22 =	vpop (erf)  }
0x153: {  	v24 =	vadd.s32 $0x1000, v8;
	v9 =	vnsel vm0, $0xFFF, v9;
	v15 =	vcvt.s32.f32 v15;
	v23 =	vld [tilespmem:s11+$0x10];
	v25 =	vpop (erf)  }
0x154: {  	v10 =	vnsel vm1, $0xFFF, v10;
	v12 =	vnsel vm2, $0xFFF, v12;
	v11 =	vnsel vm3, $0xFFF, v11;
	v26 =	vld [tilespmem:s12+$0x0];
	v27 =	vpop (erf)  }
0x155: {  	v30 =	vadd.s32 $0x1000, v9;
	v16 =	vcvt.s32.f32 v16;
	v28 =	vmul.f32 v15, v17;
	v29 =	vld [tilespmem:s12+$0x10]  }
0x156: {  	v31 =	vmul.f32 $1.442695020e+00, v17;
	v19 =	vcvt.s32.f32 v19;
	[tilespmem:v8+s10+$0x0] =	vst.idx.add.f32.msk $0xffff, v18;
	v18 =	vadd.s32 $0x1000, v10  }
0x157: {  	v7 =	vadd.f32 v15, v7;
	v6 =	vadd.f32 v28, v6;
	v8 =	vmul.f32 v16, v21;
	v28 =	vld [tilespmem:s12+$0x20]  }
0x158: {  	v32 =	vmul.f32 $1.442695020e+00, v21;
	v23 =	vcvt.s32.f32 v23;
	[tilespmem:v24+s10+$0x0] =	vst.idx.add.f32.msk $0xffff, v1;
	v24 =	vadd.s32 $0x1000, v12;
	v1 =	vmovc v15  }
0x159: {  	v7 =	vadd.f32 v16, v7;
	v15 =	vld [tilespmem:s14+$0xFFFFFFF0];
	v6 =	vadd.f32 v8, v6;
	v8 =	vmul.f32 v19, v26  }
0x15a: {  	v14 =	vcvt.s32.f32 v14;
	v33 =	vmul.f32 v23, v29;
	[tilespmem:v9+s10+$0x0] =	vst.idx.add.f32.msk $0xffff, v20;
	v20 =	vadd.s32 $0x1000, v11  }
0x15b: {  	v5 =	vmax.f32 v5, v17;
	v7 =	vadd.f32 v19, v7;
	v17 =	vld [tilespmem:s14+$0x0];
	v6 =	vadd.f32 v8, v6  }
0x15c: {  	v5 =	vmax.f32 v5, v21;
	v21 =	vmul.f32 $1.442695020e+00, v26;
	v8 =	vmul.f32 v14, v28;
	[tilespmem:v30+s10+$0x0] =	vst.idx.add.f32.msk $0xffff, v3  }
0x15d: {  	v5 =	vmax.f32 v5, v26;
	v7 =	vadd.f32 v23, v7;
	v3 =	vmovc v16;
	v26 =	vld [tilespmem:s14+$0x10];
	v6 =	vadd.f32 v33, v6  }
0x15e: {  	v5 =	vmax.f32 v5, v29;
	v16 =	vmul.f32 $1.442695020e+00, v29;
	v29 =	vmul.f32 $1.442695020e+00, v28;
	[tilespmem:v10+s10+$0x0] =	vst.idx.add.f32.msk $0xffff, v22  }
0x15f: {  	v5 =	vmax.f32 v5, v28;
	v7 =	vadd.f32 v14, v7;
	v22 =	vld [tilespmem:s14+$0x20];
	v6 =	vadd.f32 v8, v6  }
.Ltmp4:
0x160: {  	v8 =	vmul.f32 $4.096000000e+03, v13;
	(erf) = vpow2.f32 v31;
	[tilespmem:v18+s10+$0x0] =	vst.idx.add.f32.msk $0xffff, v0;
	v0 =	vmov v19;
	(pc) =	sbr.rel @p0 .LBB2_9-.Ltmp4, $4  }
0x161: {  	v9 =	vmul.f32 $4.096000000e+03, v15;
	(erf) = vpow2.f32 v32;
	[tilespmem:v12+s10+$0x0] =	vst.idx.add.f32.msk $0xffff, v25  }
0x162: {  	v10 =	vmul.f32 $4.096000000e+03, v17;
	(erf) = vpow2.f32 v21;
	[tilespmem:v24+s10+$0x0] =	vst.idx.add.f32.msk $0xffff, v2;
	v2 =	vmov v23  }
0x163: {  	v12 =	vmul.f32 $4.096000000e+03, v26;
	(erf) = vpow2.f32 v16;
	[tilespmem:v11+s10+$0x0] =	vst.idx.add.f32.msk $0xffff, v27  }
0x164: {  	s14 =	sadd.s32 $0x50, s14;
	v11 =	vmul.f32 $4.096000000e+03, v22;
	(erf) = vpow2.f32 v29;
	[tilespmem:v20+s10+$0x0] =	vst.idx.add.f32.msk $0xffff, v4;
	v4 =	vmov v14  }
0x165: {  	v8 =	vtrunc.f32 v8  }
0x166: {  	v8 =	vcvt.f32.s32 v8  }
0x167: {  	v9 =	vtrunc.f32 v9  }
0x168: {  	v9 =	vcvt.f32.s32 v9;
	vm0 =	vlt.s32 v8, $0xFFF  }
0x169: {  	v10 =	vtrunc.f32 v10;
	v12 =	vtrunc.f32 v12;
	v8 =	vnsel vm0, $0xFFF, v8  }
0x16a: {  	v10 =	vcvt.f32.s32 v10;
	vm12 =	vlt.s32 v9, $0xFFF;
	v13 =	vadd.s32 $0x1000, v8  }
0x16b: {  	v12 =	vcvt.f32.s32 v12;
	v9 =	vnsel vm12, $0xFFF, v9  }
0x16c: {  	vm13 =	vlt.s32 v10, $0xFFF;
	v14 =	vadd.s32 $0x1000, v9  }
0x16d: {  	v11 =	vtrunc.f32 v11;
	vm14 =	vlt.s32 v12, $0xFFF;
	v15 =	vpop (erf);
	v10 =	vnsel vm13, $0xFFF, v10  }
0x16e: {  	v11 =	vcvt.f32.s32 v11;
	v12 =	vnsel vm14, $0xFFF, v12;
	[tilespmem:v8+s10+$0x0] =	vst.idx.add.f32.msk $0xffff, v15  }
0x16f: {  	v8 =	vadd.s32 $0x1000, v10;
	v15 =	vpop (erf);
	[tilespmem:v13+s10+$0x0] =	vst.idx.add.f32.msk $0xffff, v1  }
0x170: {  	vm15 =	vlt.s32 v11, $0xFFF;
	v1 =	vadd.s32 $0x1000, v12;
	[tilespmem:v9+s10+$0x0] =	vst.idx.add.f32.msk $0xffff, v15  }
0x171: {  	v11 =	vnsel vm15, $0xFFF, v11;
	v9 =	vpop (erf);
	[tilespmem:v14+s10+$0x0] =	vst.idx.add.f32.msk $0xffff, v3  }
0x172: {  	v3 =	vadd.s32 $0x1000, v11;
	[tilespmem:v10+s10+$0x0] =	vst.idx.add.f32.msk $0xffff, v9;
	v9 =	vpop (erf)  }
0x173: {  	[tilespmem:v12+s10+$0x0] =	vst.idx.add.f32.msk $0xffff, v9  }
0x174: {  	[tilespmem:v8+s10+$0x0] =	vst.idx.add.f32.msk $0xffff, v0  }
0x175: {  	v0 =	vpop (erf);
	[tilespmem:v1+s10+$0x0] =	vst.idx.add.f32.msk $0xffff, v2  }
0x176: {  	[tilespmem:v11+s10+$0x0] =	vst.idx.add.f32.msk $0xffff, v0  }
0x177: {  	[tilespmem:v3+s10+$0x0] =	vst.idx.add.f32.msk $0xffff, v4  }
0x178: {  	[tilespmem:$0x13580] =	vst v5  }
0x179: {  	[tilespmem:$0x13600] =	vst v6  }
0x17a: {  	s22 =	simm.s32 $0x1;
	[tilespmem:$0x13680] =	vst v7  }
0x17b: {  	_ =	swait.ge [sflag:s22], $0x2710  }
0x17c: {  	[sflag:s22] =	ssyncset.done $0x0  }
0x17d: {  	s23 =	simm.s32 $0x3;
	[sflag:s22] =	ssyncadd.s32 $0xFFFFD8F0  }
0x17e: {  	_ =	swait.ge [sflag:s23], $0x2710  }
0x17f: {  	[sflag:s23] =	ssyncset.done $0x0  }
0x180: {  	s24 =	simm.s32 $0x5;
	[sflag:s23] =	ssyncadd.s32 $0xFFFFD8F0  }
0x181: {  	_ =	swait.ge [sflag:s24], $0x2710  }
0x182: {  	s11 =	sadd.s32 $0x186A0, s9;
	s9 =	simm.s32 $0x0;
	[sflag:s24] =	ssyncset.done $0x0  }
0x183: {  	s25 =	simm.s32 $0x6780;
	s12 =	sadd.s32 s7, s11;
	[sflag:s24] =	ssyncadd.s32 $0xFFFFD8F0  }
0x184: {  	[tilespmem:s25], [sflag:$0x2] =	stream.linear.gather [hbm4b:s12+s9], $0x2710, $0x200038;
	[tilespmem:$0x15700] =	vst v63  }
0x185: {  	s28 =	simm.s32 $0xB680;
	s26 =	sadd.s32 s6, s11  }
0x186: {  	[tilespmem:s28], [sflag:$0x4] =	stream.linear.gather [hbm4b:s26+s9], $0x2710, $0x200038;
	[tilespmem:$0x15700] =	vst v63  }
0x187: {  	s30 =	simm.s32 $0x10580;
	s29 =	sadd.s32 s5, s11  }
0x188: {  	[tilespmem:s30], [sflag:$0x6] =	stream.linear.gather [hbm4b:s29+s9], $0x2710, $0x200038;
	[tilespmem:$0x15700] =	vst v63  }
0x189: {  	v5 =	vld [tilespmem:$0x13580]  }
0x18a: {  	v2 =	vld [tilespmem:$0x13600]  }
0x18b: {  	s10 =	simm.s32 $0xDE20;
	v4 =	vld [tilespmem:$0x13680]  }
0x18c: {  	v0 =	vld [tilespmem:s10+$0xFFFFFFE0]  }
0x18d: {  	s11 =	simm.s32 $0x4020;
	v3 =	vld [tilespmem:s10+$0xFFFFFFF0]  }
0x18e: {  	v7 =	vld [tilespmem:s11+$0xFFFFFFE0]  }
0x18f: {  	v8 =	vld [tilespmem:s10+$0x0]  }
0x190: {  	v9 =	vld [tilespmem:s11+$0xFFFFFFF0]  }
0x191: {  	v13 =	vld [tilespmem:s11+$0x10]  }
0x192: {  	v15 =	vld [tilespmem:s11+$0x20]  }
0x193: {  	v11 =	vld [tilespmem:s11+$0x0]  }
0x194: {  	v10 =	vld [tilespmem:s10+$0x10];
	v1 =	vcvt.s32.f32 v0;
	v3 =	vcvt.s32.f32 v3  }
0x195: {  	v14 =	vmul.f32 $1.442695020e+00, v7;
	v0 =	vcvt.s32.f32 v8  }
0x196: {  	v6 =	vld [tilespmem:s10+$0x20];
	v16 =	vmul.f32 $1.442695020e+00, v9;
	v5 =	vmax.f32 v5, v7;
	v12 =	vmul.f32 v1, v7  }
0x197: {  	s31 =	simm.s32 $0x8F20;
	v20 =	vmul.f32 $1.442695020e+00, v13;
	v22 =	vmul.f32 $1.442695020e+00, v15;
	v4 =	vadd.f32 v1, v4  }
0x198: {  	v18 =	vld [tilespmem:s31+$0xFFFFFFF0];
	v17 =	vmul.f32 v0, v11;
	v8 =	vadd.f32 v12, v2;
	v12 =	vmul.f32 v3, v9  }
0x199: {  	v21 =	vld [tilespmem:s31+$0x20];
	v5 =	vmax.f32 v5, v9;
	(erf) = vpow2.f32 v14;
	v2 =	vcvt.s32.f32 v10  }
0x19a: {  	(erf) = vpow2.f32 v16;
	v10 =	vld [tilespmem:s31+$0xFFFFFFE0];
	v8 =	vadd.f32 v12, v8;
	v12 =	vadd.f32 v3, v4  }
0x19b: {  	v7 =	vld [tilespmem:s31+$0x0];
	v5 =	vmax.f32 v5, v11;
	v19 =	vmul.f32 v2, v13;
	v4 =	vcvt.s32.f32 v6  }
0x19c: {  	v6 =	vadd.f32 v17, v8;
	v8 =	vadd.f32 v0, v12;
	v12 =	vmul.f32 $1.442695020e+00, v11;
	v11 =	vld [tilespmem:s31+$0x10]  }
0x19d: {  	v5 =	vmax.f32 v5, v13;
	v9 =	vmul.f32 $4.096000000e+03, v18;
	v63 =	vmul.f32 v4, v15  }
0x19e: {  	v19 =	vadd.f32 v19, v6;
	v14 =	vadd.f32 v2, v8;
	(erf) = vpow2.f32 v12  }
0x19f: {  	v8 =	vmul.f32 $4.096000000e+03, v10;
	v6 =	vmax.f32 v5, v15;
	(erf) = vpow2.f32 v20  }
0x1a0: {  	v10 =	vmul.f32 $4.096000000e+03, v7;
	v7 =	vadd.f32 v63, v19;
	(erf) = vpow2.f32 v22  }
0x1a1: {  	s13 =	simm.s32 $0x8F70;
	s12 =	simm.s32 $0x0;
	v5 =	vadd.f32 v4, v14;
	v12 =	vmul.f32 $4.096000000e+03, v11;
	v11 =	vmul.f32 $4.096000000e+03, v21  }
.LBB2_11:
0x1a2: {  	v13 =	vld [tilespmem:s13+$0xFFFFFFE0];
	v8 =	vtrunc.f32 v8;
	v9 =	vtrunc.f32 v9;
	s10 =	sadd.s32 $0x50, s10  }
0x1a3: {  	v10 =	vtrunc.f32 v10;
	v12 =	vtrunc.f32 v12;
	v14 =	vld [tilespmem:s10+$0x20]  }
0x1a4: {  	s12 =	sadd.s32 $0x5, s12;
	v8 =	vcvt.f32.s32 v8;
	v11 =	vtrunc.f32 v11;
	v15 =	vld [tilespmem:s10+$0xFFFFFFE0]  }
0x1a5: {  	s11 =	sadd.s32 $0x50, s11;
	p0 =	slt.u32 s12, $0x26C;
	v9 =	vcvt.f32.s32 v9;
	v10 =	vcvt.f32.s32 v10;
	v16 =	vld [tilespmem:s10+$0xFFFFFFF0]  }
0x1a6: {  	v12 =	vcvt.f32.s32 v12;
	v11 =	vcvt.f32.s32 v11;
	vm0 =	vlt.s32 v8, $0xFFF;
	v17 =	vld [tilespmem:s11+$0xFFFFFFE0];
	v18 =	vpop (erf)  }
0x1a7: {  	v8 =	vnsel vm0, $0xFFF, v8;
	vm0 =	vlt.s32 v9, $0xFFF;
	v19 =	vld [tilespmem:s10+$0x0];
	v20 =	vpop (erf)  }
0x1a8: {  	vm1 =	vlt.s32 v10, $0xFFF;
	vm2 =	vlt.s32 v12, $0xFFF;
	vm3 =	vlt.s32 v11, $0xFFF;
	v21 =	vld [tilespmem:s11+$0xFFFFFFF0];
	v22 =	vpop (erf)  }
0x1a9: {  	v24 =	vadd.s32 $0x1000, v8;
	v9 =	vnsel vm0, $0xFFF, v9;
	v15 =	vcvt.s32.f32 v15;
	v23 =	vld [tilespmem:s10+$0x10];
	v25 =	vpop (erf)  }
0x1aa: {  	v10 =	vnsel vm1, $0xFFF, v10;
	v12 =	vnsel vm2, $0xFFF, v12;
	v11 =	vnsel vm3, $0xFFF, v11;
	v26 =	vld [tilespmem:s11+$0x0];
	v27 =	vpop (erf)  }
0x1ab: {  	v30 =	vadd.s32 $0x1000, v9;
	v16 =	vcvt.s32.f32 v16;
	v28 =	vmul.f32 v15, v17;
	v29 =	vld [tilespmem:s11+$0x10]  }
0x1ac: {  	v31 =	vmul.f32 $1.442695020e+00, v17;
	v19 =	vcvt.s32.f32 v19;
	[tilespmem:v8+s9+$0x0] =	vst.idx.add.f32.msk $0xffff, v18;
	v18 =	vadd.s32 $0x1000, v10  }
0x1ad: {  	v5 =	vadd.f32 v15, v5;
	v7 =	vadd.f32 v28, v7;
	v8 =	vmul.f32 v16, v21;
	v28 =	vld [tilespmem:s11+$0x20]  }
0x1ae: {  	v32 =	vmul.f32 $1.442695020e+00, v21;
	v23 =	vcvt.s32.f32 v23;
	[tilespmem:v24+s9+$0x0] =	vst.idx.add.f32.msk $0xffff, v1;
	v24 =	vadd.s32 $0x1000, v12;
	v1 =	vmovc v15  }
0x1af: {  	v5 =	vadd.f32 v16, v5;
	v15 =	vld [tilespmem:s13+$0xFFFFFFF0];
	v7 =	vadd.f32 v8, v7;
	v8 =	vmul.f32 v19, v26  }
0x1b0: {  	v14 =	vcvt.s32.f32 v14;
	v33 =	vmul.f32 v23, v29;
	[tilespmem:v9+s9+$0x0] =	vst.idx.add.f32.msk $0xffff, v20;
	v20 =	vadd.s32 $0x1000, v11  }
0x1b1: {  	v6 =	vmax.f32 v6, v17;
	v5 =	vadd.f32 v19, v5;
	v17 =	vld [tilespmem:s13+$0x0];
	v7 =	vadd.f32 v8, v7  }
0x1b2: {  	v6 =	vmax.f32 v6, v21;
	v21 =	vmul.f32 $1.442695020e+00, v26;
	v8 =	vmul.f32 v14, v28;
	[tilespmem:v30+s9+$0x0] =	vst.idx.add.f32.msk $0xffff, v3  }
0x1b3: {  	v6 =	vmax.f32 v6, v26;
	v5 =	vadd.f32 v23, v5;
	v3 =	vmovc v16;
	v26 =	vld [tilespmem:s13+$0x10];
	v7 =	vadd.f32 v33, v7  }
0x1b4: {  	v6 =	vmax.f32 v6, v29;
	v16 =	vmul.f32 $1.442695020e+00, v29;
	v29 =	vmul.f32 $1.442695020e+00, v28;
	[tilespmem:v10+s9+$0x0] =	vst.idx.add.f32.msk $0xffff, v22  }
0x1b5: {  	v6 =	vmax.f32 v6, v28;
	v5 =	vadd.f32 v14, v5;
	v22 =	vld [tilespmem:s13+$0x20];
	v7 =	vadd.f32 v8, v7  }
.Ltmp5:
0x1b6: {  	v8 =	vmul.f32 $4.096000000e+03, v13;
	(erf) = vpow2.f32 v31;
	[tilespmem:v18+s9+$0x0] =	vst.idx.add.f32.msk $0xffff, v0;
	v0 =	vmov v19;
	(pc) =	sbr.rel @p0 .LBB2_11-.Ltmp5, $4  }
0x1b7: {  	v9 =	vmul.f32 $4.096000000e+03, v15;
	(erf) = vpow2.f32 v32;
	[tilespmem:v12+s9+$0x0] =	vst.idx.add.f32.msk $0xffff, v25  }
0x1b8: {  	v10 =	vmul.f32 $4.096000000e+03, v17;
	(erf) = vpow2.f32 v21;
	[tilespmem:v24+s9+$0x0] =	vst.idx.add.f32.msk $0xffff, v2;
	v2 =	vmov v23  }
0x1b9: {  	v12 =	vmul.f32 $4.096000000e+03, v26;
	(erf) = vpow2.f32 v16;
	[tilespmem:v11+s9+$0x0] =	vst.idx.add.f32.msk $0xffff, v27  }
0x1ba: {  	s13 =	sadd.s32 $0x50, s13;
	v11 =	vmul.f32 $4.096000000e+03, v22;
	(erf) = vpow2.f32 v29;
	[tilespmem:v20+s9+$0x0] =	vst.idx.add.f32.msk $0xffff, v4;
	v4 =	vmov v14  }
0x1bb: {  	v8 =	vtrunc.f32 v8  }
0x1bc: {  	v8 =	vcvt.f32.s32 v8  }
0x1bd: {  	v9 =	vtrunc.f32 v9  }
0x1be: {  	v9 =	vcvt.f32.s32 v9;
	vm0 =	vlt.s32 v8, $0xFFF  }
0x1bf: {  	v10 =	vtrunc.f32 v10;
	v12 =	vtrunc.f32 v12;
	v8 =	vnsel vm0, $0xFFF, v8  }
0x1c0: {  	v10 =	vcvt.f32.s32 v10;
	vm12 =	vlt.s32 v9, $0xFFF;
	v13 =	vadd.s32 $0x1000, v8  }
0x1c1: {  	v12 =	vcvt.f32.s32 v12;
	v9 =	vnsel vm12, $0xFFF, v9  }
0x1c2: {  	vm13 =	vlt.s32 v10, $0xFFF;
	v14 =	vadd.s32 $0x1000, v9  }
0x1c3: {  	v11 =	vtrunc.f32 v11;
	vm14 =	vlt.s32 v12, $0xFFF;
	v15 =	vpop (erf);
	v10 =	vnsel vm13, $0xFFF, v10  }
0x1c4: {  	v11 =	vcvt.f32.s32 v11;
	v12 =	vnsel vm14, $0xFFF, v12;
	[tilespmem:v8+s9+$0x0] =	vst.idx.add.f32.msk $0xffff, v15  }
0x1c5: {  	v8 =	vadd.s32 $0x1000, v10;
	v15 =	vpop (erf);
	[tilespmem:v13+s9+$0x0] =	vst.idx.add.f32.msk $0xffff, v1  }
0x1c6: {  	vm15 =	vlt.s32 v11, $0xFFF;
	v1 =	vadd.s32 $0x1000, v12;
	[tilespmem:v9+s9+$0x0] =	vst.idx.add.f32.msk $0xffff, v15  }
0x1c7: {  	v11 =	vnsel vm15, $0xFFF, v11;
	v9 =	vpop (erf);
	[tilespmem:v14+s9+$0x0] =	vst.idx.add.f32.msk $0xffff, v3  }
0x1c8: {  	v3 =	vadd.s32 $0x1000, v11;
	[tilespmem:v10+s9+$0x0] =	vst.idx.add.f32.msk $0xffff, v9;
	v9 =	vpop (erf)  }
0x1c9: {  	[tilespmem:v12+s9+$0x0] =	vst.idx.add.f32.msk $0xffff, v9  }
0x1ca: {  	[tilespmem:v8+s9+$0x0] =	vst.idx.add.f32.msk $0xffff, v0  }
0x1cb: {  	v0 =	vpop (erf);
	[tilespmem:v1+s9+$0x0] =	vst.idx.add.f32.msk $0xffff, v2  }
0x1cc: {  	[tilespmem:v11+s9+$0x0] =	vst.idx.add.f32.msk $0xffff, v0  }
0x1cd: {  	[tilespmem:v3+s9+$0x0] =	vst.idx.add.f32.msk $0xffff, v4  }
0x1ce: {  	[tilespmem:$0x13580] =	vst v6  }
0x1cf: {  	[tilespmem:$0x13600] =	vst v7  }
0x1d0: {  	s20 =	simm.s32 $0x2;
	[tilespmem:$0x13680] =	vst v5  }
0x1d1: {  	_ =	swait.ge [sflag:s20], $0x2710  }
0x1d2: {  	[sflag:s20] =	ssyncset.done $0x0  }
0x1d3: {  	s21 =	simm.s32 $0x4;
	[sflag:s20] =	ssyncadd.s32 $0xFFFFD8F0  }
0x1d4: {  	_ =	swait.ge [sflag:s21], $0x2710  }
0x1d5: {  	[sflag:s21] =	ssyncset.done $0x0  }
0x1d6: {  	s22 =	simm.s32 $0x6;
	p0 =	sgt.u32 s1, $0x3;
	[sflag:s21] =	ssyncadd.s32 $0xFFFFD8F0  }
0x1d7: {  	s8 =	sshrl.u32 @!p0 s8, $0x3;
	_ =	swait.ge [sflag:s22], $0x2710  }
0x1d8: {  	s10 =	simm.s32 @!p0 $0x4000;
	s8 =	sadd.s32 @!p0 $0x1D4C0, s8;
	[sflag:s22] =	ssyncset.done $0x0  }
0x1d9: {  	s7 =	sadd.s32 @!p0 s7, s8;
	s9 =	simm.s32 @!p0 $0x0;
	[sflag:s22] =	ssyncadd.s32 $0xFFFFD8F0  }
0x1da: {  	[tilespmem:s10], [sflag:$0x1] =	stream.linear.gather @!p0 [hbm4b:s7+s9], $0x2710, $0x200038;
	[tilespmem:$0x15700] =	vst v63  }
0x1db: {  	s6 =	sadd.s32 @!p0 s6, s8;
	s7 =	simm.s32 @!p0 $0x8F00  }
0x1dc: {  	[tilespmem:s7], [sflag:$0x3] =	stream.linear.gather @!p0 [hbm4b:s6+s9], $0x2710, $0x200038;
	[tilespmem:$0x15700] =	vst v63  }
0x1dd: {  	s5 =	sadd.s32 @!p0 s5, s8;
	s6 =	simm.s32 @!p0 $0xDE00  }
0x1de: {  	[tilespmem:s6], [sflag:$0x5] =	stream.linear.gather @!p0 [hbm4b:s5+s9], $0x2710, $0x200038;
	[tilespmem:$0x15700] =	vst v63  }
0x1df: {  	v0 =	vld @!p0 [tilespmem:$0x13680]  }
0x1e0: {  	s10 =	simm.s32 $0x105A0;
	v6 =	vld [tilespmem:$0x13580]  }
0x1e1: {  	v1 =	vld [tilespmem:s10+$0xFFFFFFE0]  }
0x1e2: {  	s11 =	simm.s32 $0x67A0;
	v4 =	vld [tilespmem:s10+$0xFFFFFFF0]  }
0x1e3: {  	v8 =	vld [tilespmem:s11+$0xFFFFFFE0]  }
0x1e4: {  	v9 =	vld [tilespmem:s10+$0x0]  }
0x1e5: {  	v10 =	vld [tilespmem:s11+$0xFFFFFFF0]  }
0x1e6: {  	v12 =	vld [tilespmem:s11+$0x0]  }
0x1e7: {  	v14 =	vld [tilespmem:s11+$0x10];
	_ =	sdelay $0x1  }
0x1e8: {  	v3 =	vld [tilespmem:$0x13600];
	v2 =	vcvt.s32.f32 v1;
	v4 =	vcvt.s32.f32 v4  }
0x1e9: {  	v7 =	vld [tilespmem:s10+$0x20];
	v0 =	vpsel p0, v5, v0;
	v15 =	vmul.f32 $1.442695020e+00, v8;
	v1 =	vcvt.s32.f32 v9  }
0x1ea: {  	s23 =	simm.s32 $0xB6A0;
	v11 =	vld [tilespmem:s10+$0x10];
	v16 =	vmul.f32 $1.442695020e+00, v10;
	v6 =	vmax.f32 v6, v8;
	v63 =	vmul.f32 $1.442695020e+00, v12  }
0x1eb: {  	v18 =	vld [tilespmem:s23+$0xFFFFFFF0];
	v21 =	vmul.f32 $1.442695020e+00, v14;
	v6 =	vmax.f32 v6, v10;
	v13 =	vmul.f32 v2, v8  }
0x1ec: {  	v0 =	vadd.f32 v2, v0;
	v17 =	vmul.f32 v1, v12;
	v6 =	vmax.f32 v6, v12;
	v12 =	vld [tilespmem:s23+$0x10]  }
0x1ed: {  	v9 =	vmul.f32 v4, v10;
	(erf) = vpow2.f32 v15;
	v5 =	vadd.f32 v13, v3;
	v13 =	vld [tilespmem:s11+$0x20]  }
0x1ee: {  	v22 =	vld [tilespmem:s23+$0x20];
	v6 =	vmax.f32 v6, v14;
	(erf) = vpow2.f32 v16;
	v0 =	vadd.f32 v4, v0  }
0x1ef: {  	v3 =	vcvt.s32.f32 v11;
	v11 =	vld [tilespmem:s23+$0xFFFFFFE0];
	(erf) = vpow2.f32 v63;
	v9 =	vadd.f32 v9, v5  }
0x1f0: {  	s24 =	sshrl.u32 s1, $0x3;
	s25 =	sshll.u32 s1, $0x7;
	s13 =	simm.s32 $0x0;
	(erf) = vpow2.f32 v21;
	v5 =	vcvt.s32.f32 v7;
	v7 =	vld [tilespmem:s23+$0x0];
	v0 =	vadd.f32 v1, v0  }
0x1f1: {  	s14 =	simm.s32 $0xB6F0;
	s26 =	sshll.u32 s24, $0xA;
	s12 =	sand.u32 $0x380, s25;
	v19 =	vmul.f32 v3, v14;
	v12 =	vmul.f32 $4.096000000e+03, v12;
	v8 =	vadd.f32 v17, v9  }
0x1f2: {  	s29 =	sshll.u32 s24, $0x10;
	s31 =	sadd.s32 s25, s4;
	s30 =	sadd.s32 s12, s4;
	v0 =	vadd.f32 v3, v0;
	v9 =	vmul.f32 $4.096000000e+03, v18;
	v20 =	vmul.f32 v5, v13  }
0x1f3: {  	s4 =	sadd.s32 $0x80, s4;
	s8 =	sor.u32 s12, s26;
	s12 =	simm.s32 $0x0;
	v15 =	vmul.f32 $1.442695020e+00, v13;
	v6 =	vmax.f32 v6, v13;
	v19 =	vadd.f32 v19, v8  }
0x1f4: {  	s28 =	sshrl.u32 s8, $0x3;
	s8 =	sadd.s32 $0x10000, s30;
	s7 =	sadd.s32 $0x200, s31;
	v8 =	vmul.f32 $4.096000000e+03, v11;
	v0 =	vadd.f32 v5, v0;
	v11 =	vmul.f32 $4.096000000e+03, v22  }
0x1f5: {  	s9 =	sadd.s32 s3, s28;
	s5 =	sadd.s32 s29, s30;
	s6 =	sadd.s32 $0x100, s31;
	v10 =	vmul.f32 $4.096000000e+03, v7;
	(erf) = vpow2.f32 v15;
	v7 =	vadd.f32 v20, v19  }
.LBB2_13:
0x1f6: {  	v13 =	vld [tilespmem:s14+$0xFFFFFFE0];
	v8 =	vtrunc.f32 v8;
	v9 =	vtrunc.f32 v9;
	s10 =	sadd.s32 $0x50, s10  }
0x1f7: {  	v10 =	vtrunc.f32 v10;
	v12 =	vtrunc.f32 v12;
	v14 =	vld [tilespmem:s10+$0x20]  }
0x1f8: {  	s13 =	sadd.s32 $0x5, s13;
	v8 =	vcvt.f32.s32 v8;
	v11 =	vtrunc.f32 v11;
	v15 =	vld [tilespmem:s10+$0xFFFFFFE0]  }
0x1f9: {  	s11 =	sadd.s32 $0x50, s11;
	p1 =	slt.u32 s13, $0x26C;
	v9 =	vcvt.f32.s32 v9;
	v10 =	vcvt.f32.s32 v10;
	v16 =	vld [tilespmem:s10+$0xFFFFFFF0]  }
0x1fa: {  	v12 =	vcvt.f32.s32 v12;
	v11 =	vcvt.f32.s32 v11;
	vm0 =	vlt.s32 v8, $0xFFF;
	v17 =	vld [tilespmem:s11+$0xFFFFFFE0];
	v18 =	vpop (erf)  }
0x1fb: {  	v8 =	vnsel vm0, $0xFFF, v8;
	vm0 =	vlt.s32 v9, $0xFFF;
	v19 =	vld [tilespmem:s10+$0x0];
	v20 =	vpop (erf)  }
0x1fc: {  	vm1 =	vlt.s32 v10, $0xFFF;
	vm2 =	vlt.s32 v12, $0xFFF;
	vm3 =	vlt.s32 v11, $0xFFF;
	v21 =	vld [tilespmem:s11+$0xFFFFFFF0];
	v22 =	vpop (erf)  }
0x1fd: {  	v24 =	vadd.s32 $0x1000, v8;
	v9 =	vnsel vm0, $0xFFF, v9;
	v15 =	vcvt.s32.f32 v15;
	v23 =	vld [tilespmem:s10+$0x10];
	v25 =	vpop (erf)  }
0x1fe: {  	v10 =	vnsel vm1, $0xFFF, v10;
	v12 =	vnsel vm2, $0xFFF, v12;
	v11 =	vnsel vm3, $0xFFF, v11;
	v26 =	vld [tilespmem:s11+$0x0];
	v27 =	vpop (erf)  }
0x1ff: {  	v30 =	vadd.s32 $0x1000, v9;
	v16 =	vcvt.s32.f32 v16;
	v28 =	vmul.f32 v15, v17;
	v29 =	vld [tilespmem:s11+$0x10]  }
0x200: {  	v31 =	vmul.f32 $1.442695020e+00, v17;
	v19 =	vcvt.s32.f32 v19;
	[tilespmem:v8+s12+$0x0] =	vst.idx.add.f32.msk $0xffff, v18;
	v18 =	vadd.s32 $0x1000, v10  }
0x201: {  	v0 =	vadd.f32 v15, v0;
	v7 =	vadd.f32 v28, v7;
	v8 =	vmul.f32 v16, v21;
	v28 =	vld [tilespmem:s11+$0x20]  }
0x202: {  	v32 =	vmul.f32 $1.442695020e+00, v21;
	v23 =	vcvt.s32.f32 v23;
	[tilespmem:v24+s12+$0x0] =	vst.idx.add.f32.msk $0xffff, v2;
	v24 =	vadd.s32 $0x1000, v12;
	v2 =	vmovc v15  }
0x203: {  	v0 =	vadd.f32 v16, v0;
	v15 =	vld [tilespmem:s14+$0xFFFFFFF0];
	v7 =	vadd.f32 v8, v7;
	v8 =	vmul.f32 v19, v26  }
0x204: {  	v14 =	vcvt.s32.f32 v14;
	v33 =	vmul.f32 v23, v29;
	[tilespmem:v9+s12+$0x0] =	vst.idx.add.f32.msk $0xffff, v20;
	v20 =	vadd.s32 $0x1000, v11  }
0x205: {  	v6 =	vmax.f32 v6, v17;
	v0 =	vadd.f32 v19, v0;
	v17 =	vld [tilespmem:s14+$0x0];
	v7 =	vadd.f32 v8, v7  }
0x206: {  	v6 =	vmax.f32 v6, v21;
	v21 =	vmul.f32 $1.442695020e+00, v26;
	v8 =	vmul.f32 v14, v28;
	[tilespmem:v30+s12+$0x0] =	vst.idx.add.f32.msk $0xffff, v4  }
0x207: {  	v6 =	vmax.f32 v6, v26;
	v0 =	vadd.f32 v23, v0;
	v4 =	vmovc v16;
	v26 =	vld [tilespmem:s14+$0x10];
	v7 =	vadd.f32 v33, v7  }
0x208: {  	v6 =	vmax.f32 v6, v29;
	v16 =	vmul.f32 $1.442695020e+00, v29;
	v29 =	vmul.f32 $1.442695020e+00, v28;
	[tilespmem:v10+s12+$0x0] =	vst.idx.add.f32.msk $0xffff, v22  }
0x209: {  	v6 =	vmax.f32 v6, v28;
	v0 =	vadd.f32 v14, v0;
	v22 =	vld [tilespmem:s14+$0x20];
	v7 =	vadd.f32 v8, v7  }
.Ltmp6:
0x20a: {  	v8 =	vmul.f32 $4.096000000e+03, v13;
	(erf) = vpow2.f32 v31;
	[tilespmem:v18+s12+$0x0] =	vst.idx.add.f32.msk $0xffff, v1;
	v1 =	vmov v19;
	(pc) =	sbr.rel @p1 .LBB2_13-.Ltmp6, $4  }
0x20b: {  	v9 =	vmul.f32 $4.096000000e+03, v15;
	(erf) = vpow2.f32 v32;
	[tilespmem:v12+s12+$0x0] =	vst.idx.add.f32.msk $0xffff, v25  }
0x20c: {  	v10 =	vmul.f32 $4.096000000e+03, v17;
	(erf) = vpow2.f32 v21;
	[tilespmem:v24+s12+$0x0] =	vst.idx.add.f32.msk $0xffff, v3;
	v3 =	vmov v23  }
0x20d: {  	v12 =	vmul.f32 $4.096000000e+03, v26;
	(erf) = vpow2.f32 v16;
	[tilespmem:v11+s12+$0x0] =	vst.idx.add.f32.msk $0xffff, v27  }
0x20e: {  	s14 =	sadd.s32 $0x50, s14;
	v11 =	vmul.f32 $4.096000000e+03, v22;
	(erf) = vpow2.f32 v29;
	[tilespmem:v20+s12+$0x0] =	vst.idx.add.f32.msk $0xffff, v5;
	v5 =	vmov v14  }
0x20f: {  	v8 =	vtrunc.f32 v8  }
0x210: {  	v9 =	vtrunc.f32 v9;
	v8 =	vcvt.f32.s32 v8  }
0x211: {  	v10 =	vtrunc.f32 v10;
	v9 =	vcvt.f32.s32 v9  }
0x212: {  	v12 =	vtrunc.f32 v12;
	v10 =	vcvt.f32.s32 v10;
	vm0 =	vlt.s32 v8, $0xFFF  }
0x213: {  	v12 =	vcvt.f32.s32 v12;
	vm12 =	vlt.s32 v9, $0xFFF;
	v8 =	vnsel vm0, $0xFFF, v8  }
0x214: {  	vm13 =	vlt.s32 v10, $0xFFF;
	v9 =	vnsel vm12, $0xFFF, v9  }
0x215: {  	vm14 =	vlt.s32 v12, $0xFFF;
	v10 =	vnsel vm13, $0xFFF, v10  }
0x216: {  	v11 =	vtrunc.f32 v11;
	v12 =	vnsel vm14, $0xFFF, v12  }
0x217: {  	v11 =	vcvt.f32.s32 v11;
	v15 =	vpop (erf);
	v13 =	vadd.s32 $0x1000, v8  }
0x218: {  	v14 =	vadd.s32 $0x1000, v9;
	v60 =	vpop (erf);
	[tilespmem:v8+s12+$0x0] =	vst.idx.add.f32.msk $0xffff, v15  }
0x219: {  	vm15 =	vlt.s32 v11, $0xFFF;
	v59 =	vadd.s32 $0x1000, v10;
	v61 =	vpop (erf);
	[tilespmem:v9+s12+$0x0] =	vst.idx.add.f32.msk $0xffff, v60  }
0x21a: {  	v11 =	vnsel vm15, $0xFFF, v11;
	v63 =	vpop (erf);
	[tilespmem:v10+s12+$0x0] =	vst.idx.add.f32.msk $0xffff, v61  }
0x21b: {  	v62 =	vadd.s32 $0x1000, v11;
	[tilespmem:v12+s12+$0x0] =	vst.idx.add.f32.msk $0xffff, v63  }
0x21c: {  	[tilespmem:v13+s12+$0x0] =	vst.idx.add.f32.msk $0xffff, v2;
	v2 =	vadd.s32 $0x1000, v12  }
0x21d: {  	[tilespmem:v14+s12+$0x0] =	vst.idx.add.f32.msk $0xffff, v4  }
0x21e: {  	[tilespmem:v59+s12+$0x0] =	vst.idx.add.f32.msk $0xffff, v1;
	v1 =	vpop (erf)  }
0x21f: {  	[tilespmem:v11+s12+$0x0] =	vst.idx.add.f32.msk $0xffff, v1  }
.Ltmp7:
0x220: {  	[tilespmem:v62+s12+$0x0] =	vst.idx.add.f32.msk $0xffff, v5;
	(pc) =	sbr.rel @p0 .LBB2_18-.Ltmp7, $4  }
0x221: {  	[tilespmem:v2+s12+$0x0] =	vst.idx.add.f32.msk $0xffff, v3  }
0x222: {  	[tilespmem:$0x13580] =	vst v6  }
0x223: {  	[tilespmem:$0x13600] =	vst v7  }
0x224: {  	[tilespmem:$0x13680] =	vst v0  }
0x225: {  	s10 =	simm.s32 $0x1  }
0x226: {  	_ =	swait.ge [sflag:s10], $0x2710  }
0x227: {  	[sflag:s10] =	ssyncset.done $0x0  }
0x228: {  	s30 =	simm.s32 $0x3;
	[sflag:s10] =	ssyncadd.s32 $0xFFFFD8F0  }
0x229: {  	_ =	swait.ge [sflag:s30], $0x2710  }
0x22a: {  	[sflag:s30] =	ssyncset.done $0x0  }
0x22b: {  	s31 =	simm.s32 $0x5;
	[sflag:s30] =	ssyncadd.s32 $0xFFFFD8F0  }
0x22c: {  	_ =	swait.ge [sflag:s31], $0x2710  }
0x22d: {  	[sflag:s31] =	ssyncset.done $0x0  }
0x22e: {  	[sflag:s31] =	ssyncadd.s32 $0xFFFFD8F0  }
0x22f: {  	v6 =	vld [tilespmem:$0x13580]  }
0x230: {  	s10 =	simm.s32 $0xDE20;
	v3 =	vld [tilespmem:$0x13600]  }
0x231: {  	v1 =	vld [tilespmem:s10+$0xFFFFFFE0]  }
0x232: {  	s11 =	simm.s32 $0x4020;
	v4 =	vld [tilespmem:s10+$0xFFFFFFF0]  }
0x233: {  	v7 =	vld [tilespmem:s11+$0xFFFFFFE0]  }
0x234: {  	v8 =	vld [tilespmem:s10+$0x0]  }
0x235: {  	v9 =	vld [tilespmem:s11+$0xFFFFFFF0]  }
0x236: {  	v5 =	vld [tilespmem:s10+$0x20]  }
0x237: {  	v13 =	vld [tilespmem:s11+$0x10]  }
0x238: {  	v15 =	vld [tilespmem:s11+$0x20];
	v2 =	vcvt.s32.f32 v1  }
0x239: {  	v10 =	vld [tilespmem:s10+$0x10];
	v4 =	vcvt.s32.f32 v4;
	v14 =	vmul.f32 $1.442695020e+00, v7  }
0x23a: {  	v11 =	vld [tilespmem:s11+$0x0];
	v1 =	vcvt.s32.f32 v8;
	v16 =	vmul.f32 $1.442695020e+00, v9  }
0x23b: {  	v5 =	vcvt.s32.f32 v5;
	v12 =	vmul.f32 v2, v7  }
0x23c: {  	s12 =	simm.s32 $0x8F20;
	v6 =	vmax.f32 v6, v7;
	v20 =	vmul.f32 $1.442695020e+00, v13;
	v0 =	vadd.f32 v2, v0  }
0x23d: {  	v17 =	vld [tilespmem:s12+$0xFFFFFFF0];
	v19 =	vmul.f32 v5, v15;
	v8 =	vadd.f32 v12, v3;
	v12 =	vmul.f32 v4, v9  }
0x23e: {  	v21 =	vld [tilespmem:s12+$0x20];
	v6 =	vmax.f32 v6, v9;
	(erf) = vpow2.f32 v14;
	v3 =	vcvt.s32.f32 v10  }
0x23f: {  	v10 =	vld [tilespmem:s12+$0xFFFFFFE0];
	v0 =	vadd.f32 v4, v0;
	v8 =	vadd.f32 v12, v8;
	v12 =	vmul.f32 v1, v11  }
0x240: {  	v7 =	vld [tilespmem:s12+$0x0];
	v6 =	vmax.f32 v6, v11;
	v14 =	vmul.f32 $1.442695020e+00, v15;
	(erf) = vpow2.f32 v16  }
0x241: {  	v0 =	vadd.f32 v1, v0;
	v8 =	vadd.f32 v12, v8;
	v12 =	vmul.f32 $1.442695020e+00, v11;
	v11 =	vld [tilespmem:s12+$0x10]  }
0x242: {  	v6 =	vmax.f32 v6, v13;
	v9 =	vmul.f32 $4.096000000e+03, v17;
	v18 =	vmul.f32 v3, v13  }
0x243: {  	v6 =	vmax.f32 v6, v15;
	v0 =	vadd.f32 v3, v0;
	(erf) = vpow2.f32 v12  }
0x244: {  	v18 =	vadd.f32 v18, v8;
	v8 =	vmul.f32 $4.096000000e+03, v10;
	(erf) = vpow2.f32 v20  }
0x245: {  	v10 =	vmul.f32 $4.096000000e+03, v7;
	v0 =	vadd.f32 v5, v0;
	(erf) = vpow2.f32 v14  }
0x246: {  	s13 =	simm.s32 $0x0;
	s14 =	simm.s32 $0x8F70;
	s12 =	simm.s32 $0x0;
	v7 =	vadd.f32 v19, v18;
	v12 =	vmul.f32 $4.096000000e+03, v11;
	v11 =	vmul.f32 $4.096000000e+03, v21  }
.LBB2_16:
0x247: {  	v13 =	vld [tilespmem:s14+$0xFFFFFFE0];
	v8 =	vtrunc.f32 v8;
	v9 =	vtrunc.f32 v9;
	s10 =	sadd.s32 $0x50, s10  }
0x248: {  	v10 =	vtrunc.f32 v10;
	v12 =	vtrunc.f32 v12;
	v14 =	vld [tilespmem:s10+$0x20]  }
0x249: {  	s13 =	sadd.s32 $0x5, s13;
	v8 =	vcvt.f32.s32 v8;
	v11 =	vtrunc.f32 v11;
	v15 =	vld [tilespmem:s10+$0xFFFFFFE0]  }
0x24a: {  	s11 =	sadd.s32 $0x50, s11;
	p1 =	slt.u32 s13, $0x26C;
	v9 =	vcvt.f32.s32 v9;
	v10 =	vcvt.f32.s32 v10;
	v16 =	vld [tilespmem:s10+$0xFFFFFFF0]  }
0x24b: {  	v12 =	vcvt.f32.s32 v12;
	v11 =	vcvt.f32.s32 v11;
	vm0 =	vlt.s32 v8, $0xFFF;
	v17 =	vld [tilespmem:s11+$0xFFFFFFE0];
	v18 =	vpop (erf)  }
0x24c: {  	v8 =	vnsel vm0, $0xFFF, v8;
	vm0 =	vlt.s32 v9, $0xFFF;
	v19 =	vld [tilespmem:s10+$0x0];
	v20 =	vpop (erf)  }
0x24d: {  	vm1 =	vlt.s32 v10, $0xFFF;
	vm2 =	vlt.s32 v12, $0xFFF;
	vm3 =	vlt.s32 v11, $0xFFF;
	v21 =	vld [tilespmem:s11+$0xFFFFFFF0];
	v22 =	vpop (erf)  }
0x24e: {  	v24 =	vadd.s32 $0x1000, v8;
	v9 =	vnsel vm0, $0xFFF, v9;
	v15 =	vcvt.s32.f32 v15;
	v23 =	vld [tilespmem:s10+$0x10];
	v25 =	vpop (erf)  }
0x24f: {  	v10 =	vnsel vm1, $0xFFF, v10;
	v12 =	vnsel vm2, $0xFFF, v12;
	v11 =	vnsel vm3, $0xFFF, v11;
	v26 =	vld [tilespmem:s11+$0x0];
	v27 =	vpop (erf)  }
0x250: {  	v30 =	vadd.s32 $0x1000, v9;
	v16 =	vcvt.s32.f32 v16;
	v28 =	vmul.f32 v15, v17;
	v29 =	vld [tilespmem:s11+$0x10]  }
0x251: {  	v31 =	vmul.f32 $1.442695020e+00, v17;
	v19 =	vcvt.s32.f32 v19;
	[tilespmem:v8+s12+$0x0] =	vst.idx.add.f32.msk $0xffff, v18;
	v18 =	vadd.s32 $0x1000, v10  }
0x252: {  	v0 =	vadd.f32 v15, v0;
	v7 =	vadd.f32 v28, v7;
	v8 =	vmul.f32 v16, v21;
	v28 =	vld [tilespmem:s11+$0x20]  }
0x253: {  	v32 =	vmul.f32 $1.442695020e+00, v21;
	v23 =	vcvt.s32.f32 v23;
	[tilespmem:v24+s12+$0x0] =	vst.idx.add.f32.msk $0xffff, v2;
	v24 =	vadd.s32 $0x1000, v12;
	v2 =	vmovc v15  }
0x254: {  	v0 =	vadd.f32 v16, v0;
	v15 =	vld [tilespmem:s14+$0xFFFFFFF0];
	v7 =	vadd.f32 v8, v7;
	v8 =	vmul.f32 v19, v26  }
0x255: {  	v14 =	vcvt.s32.f32 v14;
	v33 =	vmul.f32 v23, v29;
	[tilespmem:v9+s12+$0x0] =	vst.idx.add.f32.msk $0xffff, v20;
	v20 =	vadd.s32 $0x1000, v11  }
0x256: {  	v6 =	vmax.f32 v6, v17;
	v0 =	vadd.f32 v19, v0;
	v17 =	vld [tilespmem:s14+$0x0];
	v7 =	vadd.f32 v8, v7  }
0x257: {  	v6 =	vmax.f32 v6, v21;
	v21 =	vmul.f32 $1.442695020e+00, v26;
	v8 =	vmul.f32 v14, v28;
	[tilespmem:v30+s12+$0x0] =	vst.idx.add.f32.msk $0xffff, v4  }
0x258: {  	v6 =	vmax.f32 v6, v26;
	v0 =	vadd.f32 v23, v0;
	v4 =	vmovc v16;
	v26 =	vld [tilespmem:s14+$0x10];
	v7 =	vadd.f32 v33, v7  }
0x259: {  	v6 =	vmax.f32 v6, v29;
	v16 =	vmul.f32 $1.442695020e+00, v29;
	v29 =	vmul.f32 $1.442695020e+00, v28;
	[tilespmem:v10+s12+$0x0] =	vst.idx.add.f32.msk $0xffff, v22  }
0x25a: {  	v6 =	vmax.f32 v6, v28;
	v0 =	vadd.f32 v14, v0;
	v22 =	vld [tilespmem:s14+$0x20];
	v7 =	vadd.f32 v8, v7  }
.Ltmp8:
0x25b: {  	v8 =	vmul.f32 $4.096000000e+03, v13;
	(erf) = vpow2.f32 v31;
	[tilespmem:v18+s12+$0x0] =	vst.idx.add.f32.msk $0xffff, v1;
	v1 =	vmov v19;
	(pc) =	sbr.rel @p1 .LBB2_16-.Ltmp8, $4  }
0x25c: {  	v9 =	vmul.f32 $4.096000000e+03, v15;
	(erf) = vpow2.f32 v32;
	[tilespmem:v12+s12+$0x0] =	vst.idx.add.f32.msk $0xffff, v25  }
0x25d: {  	v10 =	vmul.f32 $4.096000000e+03, v17;
	(erf) = vpow2.f32 v21;
	[tilespmem:v24+s12+$0x0] =	vst.idx.add.f32.msk $0xffff, v3;
	v3 =	vmov v23  }
0x25e: {  	v12 =	vmul.f32 $4.096000000e+03, v26;
	(erf) = vpow2.f32 v16;
	[tilespmem:v11+s12+$0x0] =	vst.idx.add.f32.msk $0xffff, v27  }
0x25f: {  	s14 =	sadd.s32 $0x50, s14;
	v11 =	vmul.f32 $4.096000000e+03, v22;
	(erf) = vpow2.f32 v29;
	[tilespmem:v20+s12+$0x0] =	vst.idx.add.f32.msk $0xffff, v5;
	v5 =	vmov v14  }
0x260: {  	v8 =	vtrunc.f32 v8  }
0x261: {  	v9 =	vtrunc.f32 v9;
	v8 =	vcvt.f32.s32 v8  }
0x262: {  	v10 =	vtrunc.f32 v10;
	v9 =	vcvt.f32.s32 v9  }
0x263: {  	v12 =	vtrunc.f32 v12;
	v10 =	vcvt.f32.s32 v10;
	vm0 =	vlt.s32 v8, $0xFFF  }
0x264: {  	v12 =	vcvt.f32.s32 v12;
	vm12 =	vlt.s32 v9, $0xFFF;
	v8 =	vnsel vm0, $0xFFF, v8  }
0x265: {  	vm13 =	vlt.s32 v10, $0xFFF;
	v9 =	vnsel vm12, $0xFFF, v9  }
0x266: {  	vm14 =	vlt.s32 v12, $0xFFF;
	v10 =	vnsel vm13, $0xFFF, v10  }
0x267: {  	v11 =	vtrunc.f32 v11;
	v12 =	vnsel vm14, $0xFFF, v12  }
0x268: {  	v11 =	vcvt.f32.s32 v11;
	v15 =	vpop (erf);
	v13 =	vadd.s32 $0x1000, v8  }
0x269: {  	v14 =	vadd.s32 $0x1000, v9;
	v60 =	vpop (erf);
	[tilespmem:v8+s12+$0x0] =	vst.idx.add.f32.msk $0xffff, v15  }
0x26a: {  	vm15 =	vlt.s32 v11, $0xFFF;
	v59 =	vadd.s32 $0x1000, v10;
	v61 =	vpop (erf);
	[tilespmem:v9+s12+$0x0] =	vst.idx.add.f32.msk $0xffff, v60  }
0x26b: {  	v11 =	vnsel vm15, $0xFFF, v11;
	v63 =	vpop (erf);
	[tilespmem:v10+s12+$0x0] =	vst.idx.add.f32.msk $0xffff, v61  }
0x26c: {  	v62 =	vadd.s32 $0x1000, v11;
	[tilespmem:v12+s12+$0x0] =	vst.idx.add.f32.msk $0xffff, v63  }
0x26d: {  	[tilespmem:v13+s12+$0x0] =	vst.idx.add.f32.msk $0xffff, v2;
	v2 =	vadd.s32 $0x1000, v12  }
0x26e: {  	[tilespmem:v14+s12+$0x0] =	vst.idx.add.f32.msk $0xffff, v4  }
0x26f: {  	[tilespmem:v59+s12+$0x0] =	vst.idx.add.f32.msk $0xffff, v1;
	v1 =	vpop (erf)  }
0x270: {  	[tilespmem:v11+s12+$0x0] =	vst.idx.add.f32.msk $0xffff, v1  }
0x271: {  	[tilespmem:v62+s12+$0x0] =	vst.idx.add.f32.msk $0xffff, v5  }
0x272: {  	[tilespmem:v2+s12+$0x0] =	vst.idx.add.f32.msk $0xffff, v3  }
0x273: {  	[tilespmem:$0x13580] =	vst v6  }
0x274: {  	[tilespmem:$0x13600] =	vst v7  }
0x275: {  	[tilespmem:$0x13680] =	vst v0  }
.LBB2_18:
0x276: {  	v1 =	vld [tilespmem:$0x13600];
	_ =	sdelay $0x4  }
0x277: {  	(xrf2) =	vadd.scan.msk.f32 $0xffff, v1  }
0x278: {  	(xrf2) =	vadd.scan.msk.f32 $0xffff, v0  }
0x279: {  	v61 =	vld [tilespmem:$0x13580];
	_ =	sdelay $0x4  }
0x27a: {  	(xrf0) =	vmax.scan.msk.f32 $0xffff, v61;
	_ =	sdelay $0x2  }
0x27b: {  	v62, _, _ =	vpop (xrf2)  }
0x27c: {  	v63, _, _ =	vpop (xrf2)  }
0x27d: {  	v1 =	vbroadcast v63, $0xF  }
0x27e: {  	vm0 =	vcmask $0xB08;
	v2, _, _ =	vpop (xrf0);
	v0 =	vbroadcast v62, $0xF  }
0x27f: {  	vm14 =	vcmask $0x3F08;
	v2 =	vbroadcast v2, $0xF;
	v1 =	vnsel vm0, $0x0, v1  }
0x280: {  	vm15 =	vcmask $0x3F04;
	v0 =	vsel vm14, v1, v0  }
0x281: {  	v0 =	vsel vm15, v0, v2  }
0x282: {  	s12 =	simm.s32 $0x0;
	s10 =	simm.s32 $0x12D00;
	[tilespmem:$0x12D00] =	vst v0  }
0x283: {  	[hbm4b:s9+s12] =	stream.linear.scatter [tilespmem:s10], [sflag:$0x7], $0x80, $0x200038;
	[tilespmem:$0x15700] =	vst v63  }
0x284: {  	s9 =	simm.s32 $0x7  }
0x285: {  	_ =	swait.ge [sflag:s9], $0x80  }
0x286: {  	[sflag:s9] =	ssyncset.done $0x0  }
0x287: {  	s11 =	simm.s32 $0x400;
	s10 =	simm.s32 $0x80;
	[sflag:s9] =	ssyncadd.s32 $0xFFFFFF80  }
0x288: {  	[spmem:s5] =	stream.strided.scatter [tilespmem:s12], [sflag:$0x7], $0x2000, s11, s10, $0x200038;
	[tilespmem:$0x15700] =	vst v63  }
0x289: {  	p1 =	slt.u32 s1, $0x8;
	_ =	swait.ge [sflag:s9], $0x2000  }
.Ltmp9:
0x28a: {  	[sflag:s9] =	ssyncset.done $0x0;
	(pc) =	sbr.rel @!p1 .LBB2_19-.Ltmp9, $4  }
0x28b: {  	[sflag:s9] =	ssyncadd.s32 $0xFFFFE000  }
0x28c: {  	[bflag:$0x0] =	sbarrier.arrive $0xFFFF  }
0x28d: {  	_ =	strace $0x90000049  }
0x28e: {  	_ =	strace $0x8000004A  }
0x28f: {  	s12 =	simm.s32 $0x2000  }
0x290: {  	[tilespmem:s12], [sflag:$0x7] =	stream.strided.gather [spmem:s8], $0x2000, s11, s10, $0x200038;
	[tilespmem:$0x15700] =	vst v63  }
0x291: {  	_ =	swait.ge [sflag:s9], $0x2000  }
0x292: {  	[sflag:s9] =	ssyncset.done $0x0  }
0x293: {  	s8 =	simm.s32 $0x40;
	[sflag:s9] =	ssyncadd.s32 $0xFFFFE000  }
0x294: {  	s9 =	simm.s32 $0x2040;
	v1 =	vld [tilespmem:s8+$0x30]  }
0x295: {  	v2 =	vld [tilespmem:s9+$0x30]  }
0x296: {  	v0 =	vld [tilespmem:s9+$0xFFFFFFC0]  }
0x297: {  	v3 =	vld [tilespmem:s8+$0xFFFFFFD0]  }
0x298: {  	v4 =	vld [tilespmem:s9+$0xFFFFFFD0]  }
0x299: {  	v5 =	vld [tilespmem:s8+$0xFFFFFFE0]  }
0x29a: {  	v6 =	vld [tilespmem:s9+$0xFFFFFFE0]  }
0x29b: {  	v7 =	vld [tilespmem:s8+$0xFFFFFFF0]  }
0x29c: {  	v8 =	vld [tilespmem:s9+$0xFFFFFFF0]  }
0x29d: {  	v9 =	vld [tilespmem:s8+$0x0]  }
0x29e: {  	v10 =	vld [tilespmem:s9+$0x0];
	v2 =	vadd.f32 v2, v1  }
0x29f: {  	v4 =	vadd.f32 v4, v3;
	v1 =	vld [tilespmem:s8+$0x10]  }
0x2a0: {  	v5 =	vadd.f32 v6, v5;
	v3 =	vld [tilespmem:s9+$0x10];
	[tilespmem:s8+$0x30] =	vst v2  }
0x2a1: {  	v6 =	vadd.f32 v8, v7;
	[tilespmem:s8+$0xFFFFFFD0] =	vst v4;
	v2 =	vld [tilespmem:s8+$0x20]  }
0x2a2: {  	[tilespmem:s8+$0xFFFFFFE0] =	vst v5;
	v5 =	vld [tilespmem:s9+$0x20]  }
0x2a3: {  	s10 =	simm.s32 $0x0;
	s11 =	simm.s32 $0xC0;
	v4 =	vld [tilespmem:s8+$0xFFFFFFC0];
	[tilespmem:s8+$0xFFFFFFF0] =	vst v6;
	v6 =	vadd.f32 v10, v9  }
.LBB2_23:
0x2a4: {  	v7 =	vld [tilespmem:s11+$0x30];
	s9 =	sadd.s32 $0x80, s9  }
0x2a5: {  	s10 =	sadd.s32 $0x8, s10;
	v8 =	vld [tilespmem:s9+$0x30];
	[tilespmem:s8+$0x0] =	vst v6;
	v1 =	vadd.f32 v3, v1  }
0x2a6: {  	p1 =	slt.u32 s10, $0x1F8;
	v3 =	vld [tilespmem:s9+$0xFFFFFFC0]  }
0x2a7: {  	v6 =	vld [tilespmem:s11+$0xFFFFFFD0];
	[tilespmem:s8+$0x10] =	vst v1;
	v1 =	vadd.f32 v5, v2  }
0x2a8: {  	v2 =	vld [tilespmem:s9+$0xFFFFFFD0];
	v9 =	vadd.f32 v0, v4  }
0x2a9: {  	v4 =	vld [tilespmem:s11+$0xFFFFFFE0];
	[tilespmem:s8+$0x20] =	vst v1  }
0x2aa: {  	v1 =	vld [tilespmem:s9+$0xFFFFFFE0];
	v5 =	vadd.f32 v8, v7;
	[tilespmem:s8+$0xFFFFFFC0] =	vst v9;
	s8 =	smov.u32 s11  }
0x2ab: {  	v7 =	vld [tilespmem:s11+$0xFFFFFFF0];
	v0 =	vmov v3  }
0x2ac: {  	v8 =	vld [tilespmem:s9+$0xFFFFFFF0];
	[tilespmem:s11+$0x30] =	vst v5  }
0x2ad: {  	v2 =	vadd.f32 v2, v6;
	v6 =	vld [tilespmem:s11+$0x0]  }
0x2ae: {  	v9 =	vld [tilespmem:s9+$0x0]  }
.Ltmp10:
0x2af: {  	[tilespmem:s11+$0xFFFFFFD0] =	vst v2;
	v2 =	vadd.f32 v1, v4;
	v1 =	vld [tilespmem:s11+$0x10];
	(pc) =	sbr.rel @p1 .LBB2_23-.Ltmp10, $4  }
0x2b0: {  	v3 =	vld [tilespmem:s9+$0x10]  }
0x2b1: {  	[tilespmem:s11+$0xFFFFFFE0] =	vst v2;
	v7 =	vadd.f32 v8, v7;
	v2 =	vld [tilespmem:s11+$0x20]  }
0x2b2: {  	v5 =	vld [tilespmem:s9+$0x20]  }
0x2b3: {  	s11 =	sadd.s32 $0x80, s11;
	v4 =	vld [tilespmem:s8+$0xFFFFFFC0];
	[tilespmem:s8+$0xFFFFFFF0] =	vst v7;
	v6 =	vadd.f32 v9, v6  }
0x2b4: {  	_ =	sdelay $0x1  }
0x2b5: {  	v1 =	vadd.f32 v3, v1  }
0x2b6: {  	[tilespmem:s8+$0x0] =	vst v6;
	v2 =	vadd.f32 v5, v2  }
0x2b7: {  	[tilespmem:s8+$0x10] =	vst v1;
	v0 =	vadd.f32 v0, v4  }
0x2b8: {  	[tilespmem:s8+$0x20] =	vst v2  }
0x2b9: {  	s9 =	simm.s32 $0x400;
	s10 =	simm.s32 $0x0;
	[tilespmem:s8+$0xFFFFFFC0] =	vst v0;
	s8 =	simm.s32 $0x80  }
0x2ba: {  	[spmem:s5] =	stream.strided.scatter [tilespmem:s10], [sflag:$0x7], $0x2000, s9, s8, $0x200038;
	[tilespmem:$0x15700] =	vst v63  }
0x2bb: {  	s10 =	simm.s32 $0x7  }
.Ltmp11:
0x2bc: {  	_ =	swait.ge [sflag:s10], $0x2000;
	(pc) =	sbr.rel @p0 .LBB2_20-.Ltmp11, $3  }
0x2bd: {  	[sflag:s10] =	ssyncset.done $0x0  }
0x2be: {  	[sflag:s10] =	ssyncadd.s32 $0xFFFFE000  }
0x2bf: {  	[bflag:$0x0] =	sbarrier.arrive $0xFFFF;
	_ =	sdelay $0x1  }
0x2c0: {  	s11 =	simm.s32 $0x2000  }
0x2c1: {  	[tilespmem:s11], [sflag:$0x7] =	stream.strided.gather [spmem:s7], $0x2000, s9, s8, $0x200038;
	[tilespmem:$0x15700] =	vst v63  }
0x2c2: {  	_ =	swait.ge [sflag:s10], $0x2000  }
0x2c3: {  	[sflag:s10] =	ssyncset.done $0x0  }
0x2c4: {  	s7 =	simm.s32 $0x40;
	[sflag:s10] =	ssyncadd.s32 $0xFFFFE000  }
0x2c5: {  	s8 =	simm.s32 $0x2040;
	v1 =	vld [tilespmem:s7+$0x30]  }
0x2c6: {  	v2 =	vld [tilespmem:s8+$0x30]  }
0x2c7: {  	v0 =	vld [tilespmem:s8+$0xFFFFFFC0]  }
0x2c8: {  	v3 =	vld [tilespmem:s7+$0xFFFFFFD0]  }
0x2c9: {  	v4 =	vld [tilespmem:s8+$0xFFFFFFD0]  }
0x2ca: {  	v5 =	vld [tilespmem:s7+$0xFFFFFFE0]  }
0x2cb: {  	v6 =	vld [tilespmem:s8+$0xFFFFFFE0]  }
0x2cc: {  	v7 =	vld [tilespmem:s7+$0xFFFFFFF0]  }
0x2cd: {  	v8 =	vld [tilespmem:s8+$0xFFFFFFF0]  }
0x2ce: {  	v9 =	vld [tilespmem:s7+$0x0]  }
0x2cf: {  	v10 =	vld [tilespmem:s8+$0x0];
	v2 =	vadd.f32 v2, v1  }
0x2d0: {  	v4 =	vadd.f32 v4, v3;
	v1 =	vld [tilespmem:s7+$0x10]  }
0x2d1: {  	v5 =	vadd.f32 v6, v5;
	v3 =	vld [tilespmem:s8+$0x10];
	[tilespmem:s7+$0x30] =	vst v2  }
0x2d2: {  	v6 =	vadd.f32 v8, v7;
	[tilespmem:s7+$0xFFFFFFD0] =	vst v4;
	v2 =	vld [tilespmem:s7+$0x20]  }
0x2d3: {  	[tilespmem:s7+$0xFFFFFFE0] =	vst v5;
	v5 =	vld [tilespmem:s8+$0x20]  }
0x2d4: {  	s9 =	simm.s32 $0x0;
	s10 =	simm.s32 $0xC0;
	v4 =	vld [tilespmem:s7+$0xFFFFFFC0];
	[tilespmem:s7+$0xFFFFFFF0] =	vst v6;
	v6 =	vadd.f32 v10, v9  }
.LBB2_26:
0x2d5: {  	v7 =	vld [tilespmem:s10+$0x30];
	s8 =	sadd.s32 $0x80, s8  }
0x2d6: {  	s9 =	sadd.s32 $0x8, s9;
	v8 =	vld [tilespmem:s8+$0x30];
	[tilespmem:s7+$0x0] =	vst v6;
	v1 =	vadd.f32 v3, v1  }
0x2d7: {  	p0 =	slt.u32 s9, $0x1F8;
	v3 =	vld [tilespmem:s8+$0xFFFFFFC0]  }
0x2d8: {  	v6 =	vld [tilespmem:s10+$0xFFFFFFD0];
	[tilespmem:s7+$0x10] =	vst v1;
	v1 =	vadd.f32 v5, v2  }
0x2d9: {  	v2 =	vld [tilespmem:s8+$0xFFFFFFD0];
	v9 =	vadd.f32 v0, v4  }
0x2da: {  	v4 =	vld [tilespmem:s10+$0xFFFFFFE0];
	[tilespmem:s7+$0x20] =	vst v1  }
0x2db: {  	v1 =	vld [tilespmem:s8+$0xFFFFFFE0];
	v5 =	vadd.f32 v8, v7;
	[tilespmem:s7+$0xFFFFFFC0] =	vst v9;
	s7 =	smov.u32 s10  }
0x2dc: {  	v7 =	vld [tilespmem:s10+$0xFFFFFFF0];
	v0 =	vmov v3  }
0x2dd: {  	v8 =	vld [tilespmem:s8+$0xFFFFFFF0];
	[tilespmem:s10+$0x30] =	vst v5  }
0x2de: {  	v2 =	vadd.f32 v2, v6;
	v6 =	vld [tilespmem:s10+$0x0]  }
0x2df: {  	v9 =	vld [tilespmem:s8+$0x0]  }
.Ltmp12:
0x2e0: {  	[tilespmem:s10+$0xFFFFFFD0] =	vst v2;
	v2 =	vadd.f32 v1, v4;
	v1 =	vld [tilespmem:s10+$0x10];
	(pc) =	sbr.rel @p0 .LBB2_26-.Ltmp12, $4  }
0x2e1: {  	v3 =	vld [tilespmem:s8+$0x10]  }
0x2e2: {  	[tilespmem:s10+$0xFFFFFFE0] =	vst v2;
	v7 =	vadd.f32 v8, v7;
	v2 =	vld [tilespmem:s10+$0x20]  }
0x2e3: {  	v5 =	vld [tilespmem:s8+$0x20]  }
0x2e4: {  	s10 =	sadd.s32 $0x80, s10;
	v4 =	vld [tilespmem:s7+$0xFFFFFFC0];
	[tilespmem:s7+$0xFFFFFFF0] =	vst v7;
	v6 =	vadd.f32 v9, v6  }
0x2e5: {  	_ =	sdelay $0x1  }
0x2e6: {  	v1 =	vadd.f32 v3, v1  }
0x2e7: {  	[tilespmem:s7+$0x0] =	vst v6;
	v2 =	vadd.f32 v5, v2  }
0x2e8: {  	[tilespmem:s7+$0x10] =	vst v1;
	v0 =	vadd.f32 v0, v4  }
0x2e9: {  	[tilespmem:s7+$0x20] =	vst v2  }
0x2ea: {  	s8 =	simm.s32 $0x400;
	s9 =	simm.s32 $0x0;
	[tilespmem:s7+$0xFFFFFFC0] =	vst v0;
	s7 =	simm.s32 $0x80  }
0x2eb: {  	[spmem:s5] =	stream.strided.scatter [tilespmem:s9], [sflag:$0x7], $0x2000, s8, s7, $0x200038;
	[tilespmem:$0x15700] =	vst v63  }
0x2ec: {  	p0 =	sgt.u32 s1, $0x1;
	s9 =	simm.s32 $0x7  }
.Ltmp13:
0x2ed: {  	_ =	swait.ge [sflag:s9], $0x2000;
	(pc) =	sbr.rel @p0 .LBB2_21-.Ltmp13, $3  }
0x2ee: {  	[sflag:s9] =	ssyncset.done $0x0  }
0x2ef: {  	[sflag:s9] =	ssyncadd.s32 $0xFFFFE000  }
0x2f0: {  	[bflag:$0x0] =	sbarrier.arrive $0xFFFF;
	_ =	sdelay $0x1  }
0x2f1: {  	s10 =	simm.s32 $0x2000  }
0x2f2: {  	[tilespmem:s10], [sflag:$0x7] =	stream.strided.gather [spmem:s6], $0x2000, s8, s7, $0x200038;
	[tilespmem:$0x15700] =	vst v63  }
0x2f3: {  	_ =	swait.ge [sflag:s9], $0x2000  }
0x2f4: {  	[sflag:s9] =	ssyncset.done $0x0  }
0x2f5: {  	s6 =	simm.s32 $0x40;
	[sflag:s9] =	ssyncadd.s32 $0xFFFFE000  }
0x2f6: {  	s7 =	simm.s32 $0x2040;
	v1 =	vld [tilespmem:s6+$0x30]  }
0x2f7: {  	v2 =	vld [tilespmem:s7+$0x30]  }
0x2f8: {  	v0 =	vld [tilespmem:s7+$0xFFFFFFC0]  }
0x2f9: {  	v3 =	vld [tilespmem:s6+$0xFFFFFFD0]  }
0x2fa: {  	v4 =	vld [tilespmem:s7+$0xFFFFFFD0]  }
0x2fb: {  	v5 =	vld [tilespmem:s6+$0xFFFFFFE0]  }
0x2fc: {  	v6 =	vld [tilespmem:s7+$0xFFFFFFE0]  }
0x2fd: {  	v7 =	vld [tilespmem:s6+$0xFFFFFFF0]  }
0x2fe: {  	v8 =	vld [tilespmem:s7+$0xFFFFFFF0]  }
0x2ff: {  	v9 =	vld [tilespmem:s6+$0x0]  }
0x300: {  	v10 =	vld [tilespmem:s7+$0x0];
	v2 =	vadd.f32 v2, v1  }
0x301: {  	v4 =	vadd.f32 v4, v3;
	v1 =	vld [tilespmem:s6+$0x10]  }
0x302: {  	v5 =	vadd.f32 v6, v5;
	v3 =	vld [tilespmem:s7+$0x10];
	[tilespmem:s6+$0x30] =	vst v2  }
0x303: {  	v6 =	vadd.f32 v8, v7;
	[tilespmem:s6+$0xFFFFFFD0] =	vst v4;
	v2 =	vld [tilespmem:s6+$0x20]  }
0x304: {  	[tilespmem:s6+$0xFFFFFFE0] =	vst v5;
	v5 =	vld [tilespmem:s7+$0x20]  }
0x305: {  	s8 =	simm.s32 $0x0;
	s9 =	simm.s32 $0xC0;
	v4 =	vld [tilespmem:s6+$0xFFFFFFC0];
	[tilespmem:s6+$0xFFFFFFF0] =	vst v6;
	v6 =	vadd.f32 v10, v9  }
.LBB2_29:
0x306: {  	v7 =	vld [tilespmem:s9+$0x30];
	s7 =	sadd.s32 $0x80, s7  }
0x307: {  	s8 =	sadd.s32 $0x8, s8;
	v8 =	vld [tilespmem:s7+$0x30];
	[tilespmem:s6+$0x0] =	vst v6;
	v1 =	vadd.f32 v3, v1  }
0x308: {  	p0 =	slt.u32 s8, $0x1F8;
	v3 =	vld [tilespmem:s7+$0xFFFFFFC0]  }
0x309: {  	v6 =	vld [tilespmem:s9+$0xFFFFFFD0];
	[tilespmem:s6+$0x10] =	vst v1;
	v1 =	vadd.f32 v5, v2  }
0x30a: {  	v2 =	vld [tilespmem:s7+$0xFFFFFFD0];
	v9 =	vadd.f32 v0, v4  }
0x30b: {  	v4 =	vld [tilespmem:s9+$0xFFFFFFE0];
	[tilespmem:s6+$0x20] =	vst v1  }
0x30c: {  	v1 =	vld [tilespmem:s7+$0xFFFFFFE0];
	v5 =	vadd.f32 v8, v7;
	[tilespmem:s6+$0xFFFFFFC0] =	vst v9;
	s6 =	smov.u32 s9  }
0x30d: {  	v7 =	vld [tilespmem:s9+$0xFFFFFFF0];
	v0 =	vmov v3  }
0x30e: {  	v8 =	vld [tilespmem:s7+$0xFFFFFFF0];
	[tilespmem:s9+$0x30] =	vst v5  }
0x30f: {  	v2 =	vadd.f32 v2, v6;
	v6 =	vld [tilespmem:s9+$0x0]  }
0x310: {  	v9 =	vld [tilespmem:s7+$0x0]  }
.Ltmp14:
0x311: {  	[tilespmem:s9+$0xFFFFFFD0] =	vst v2;
	v2 =	vadd.f32 v1, v4;
	v1 =	vld [tilespmem:s9+$0x10];
	(pc) =	sbr.rel @p0 .LBB2_29-.Ltmp14, $4  }
0x312: {  	v3 =	vld [tilespmem:s7+$0x10]  }
0x313: {  	[tilespmem:s9+$0xFFFFFFE0] =	vst v2;
	v7 =	vadd.f32 v8, v7;
	v2 =	vld [tilespmem:s9+$0x20]  }
0x314: {  	v5 =	vld [tilespmem:s7+$0x20]  }
0x315: {  	s9 =	sadd.s32 $0x80, s9;
	v4 =	vld [tilespmem:s6+$0xFFFFFFC0];
	[tilespmem:s6+$0xFFFFFFF0] =	vst v7;
	v6 =	vadd.f32 v9, v6  }
0x316: {  	_ =	sdelay $0x1  }
0x317: {  	v1 =	vadd.f32 v3, v1  }
0x318: {  	[tilespmem:s6+$0x0] =	vst v6;
	v2 =	vadd.f32 v5, v2  }
0x319: {  	[tilespmem:s6+$0x10] =	vst v1;
	v0 =	vadd.f32 v0, v4  }
0x31a: {  	[tilespmem:s6+$0x20] =	vst v2  }
0x31b: {  	s7 =	simm.s32 $0x400;
	s8 =	simm.s32 $0x0;
	[tilespmem:s6+$0xFFFFFFC0] =	vst v0;
	s6 =	simm.s32 $0x80  }
0x31c: {  	[spmem:s5] =	stream.strided.scatter [tilespmem:s8], [sflag:$0x7], $0x2000, s7, s6, $0x200038;
	[tilespmem:$0x15700] =	vst v63  }
0x31d: {  	p0 =	seq.s32 s1, $0x0;
	s5 =	simm.s32 $0x7  }
.Ltmp15:
0x31e: {  	_ =	swait.ge [sflag:s5], $0x2000;
	(pc) =	sbr.rel @p0 .LBB2_32-.Ltmp15, $3  }
0x31f: {  	[sflag:s5] =	ssyncset.done $0x0  }
0x320: {  	[sflag:s5] =	ssyncadd.s32 $0xFFFFE000  }
0x321: {  	[bflag:$0x0] =	sbarrier.arrive $0xFFFF;
	_ =	sdelay $0x1  }
.Ltmp16:
0x322: {  	(pc) =	sbr.rel .LBB2_39-.Ltmp16, $4  }
0x323: {  	_ = 	snop  }
0x324: {  	[bflag:$0x0] =	sbarrier.arrive $0xFFFF  }
0x325: {  	_ =	strace $0x9000004A  }
0x326: {  	_ =	strace $0x8000004B  }
.LBB2_19:
0x327: {  	[bflag:$0x0] =	sbarrier.arrive $0xFFFF  }
.LBB2_20:
0x328: {  	[bflag:$0x0] =	sbarrier.arrive $0xFFFF  }
.LBB2_21:
0x329: {  	[bflag:$0x0] =	sbarrier.arrive $0xFFFF  }
0x32a: {  	[bflag:$0x0] =	sbarrier.arrive $0xFFFF  }
0x32b: {  	_ =	strace $0x9000004A  }
0x32c: {  	_ =	strace $0x8000004B  }
.LBB2_39:
0x32d: {  	_ =	strace $0x9000004B  }
0x32e: {  	_ =	sfence.sel $0x180000  }
0x32f: {  	[bflag:$0x0] =	sbarrier.arrive $0xFFFF  }
0x330: {  	p0 =	sne.s32 s1, $0x0;
	_ =	strace $0x90000047  }
0x331: {  	s0 =	sadd.s32 @!p0 $0x100000, s0;
	[bflag:$0x2] =	sbarrier.arrive $0xFFFF  }
0x332: {  	[sflag:s0] =	ssyncadd.tile.s32 @!p0 $0x1;
	_ =	shalt  }
.LBB2_32:
0x333: {  	s8 =	simm.s32 $0x2000  }
0x334: {  	[tilespmem:s8], [sflag:$0x7] =	stream.strided.gather [spmem:s4], $0x2000, s7, s6, $0x200038;
	[tilespmem:$0x15700] =	vst v63  }
0x335: {  	_ =	swait.ge [sflag:s5], $0x2000  }
0x336: {  	[sflag:s5] =	ssyncset.done $0x0  }
0x337: {  	s4 =	simm.s32 $0x40;
	[sflag:s5] =	ssyncadd.s32 $0xFFFFE000  }
0x338: {  	s5 =	simm.s32 $0x2040;
	v1 =	vld [tilespmem:s4+$0x30]  }
0x339: {  	v2 =	vld [tilespmem:s5+$0x30]  }
0x33a: {  	v0 =	vld [tilespmem:s5+$0xFFFFFFC0]  }
0x33b: {  	v3 =	vld [tilespmem:s4+$0xFFFFFFD0]  }
0x33c: {  	v4 =	vld [tilespmem:s5+$0xFFFFFFD0]  }
0x33d: {  	v5 =	vld [tilespmem:s4+$0xFFFFFFE0]  }
0x33e: {  	v6 =	vld [tilespmem:s5+$0xFFFFFFE0]  }
0x33f: {  	v7 =	vld [tilespmem:s4+$0xFFFFFFF0]  }
0x340: {  	v8 =	vld [tilespmem:s5+$0xFFFFFFF0]  }
0x341: {  	v9 =	vld [tilespmem:s4+$0x0]  }
0x342: {  	v10 =	vld [tilespmem:s5+$0x0];
	v2 =	vadd.f32 v2, v1  }
0x343: {  	v4 =	vadd.f32 v4, v3;
	v1 =	vld [tilespmem:s4+$0x10]  }
0x344: {  	v5 =	vadd.f32 v6, v5;
	v3 =	vld [tilespmem:s5+$0x10];
	[tilespmem:s4+$0x30] =	vst v2  }
0x345: {  	v6 =	vadd.f32 v8, v7;
	[tilespmem:s4+$0xFFFFFFD0] =	vst v4;
	v2 =	vld [tilespmem:s4+$0x20]  }
0x346: {  	[tilespmem:s4+$0xFFFFFFE0] =	vst v5;
	v5 =	vld [tilespmem:s5+$0x20]  }
0x347: {  	s6 =	simm.s32 $0x0;
	s7 =	simm.s32 $0xC0;
	v4 =	vld [tilespmem:s4+$0xFFFFFFC0];
	[tilespmem:s4+$0xFFFFFFF0] =	vst v6;
	v6 =	vadd.f32 v10, v9  }
.LBB2_33:
0x348: {  	v7 =	vld [tilespmem:s7+$0x30];
	s5 =	sadd.s32 $0x80, s5  }
0x349: {  	s6 =	sadd.s32 $0x8, s6;
	v8 =	vld [tilespmem:s5+$0x30];
	[tilespmem:s4+$0x0] =	vst v6;
	v1 =	vadd.f32 v3, v1  }
0x34a: {  	p0 =	slt.u32 s6, $0x1F8;
	v3 =	vld [tilespmem:s5+$0xFFFFFFC0]  }
0x34b: {  	v6 =	vld [tilespmem:s7+$0xFFFFFFD0];
	[tilespmem:s4+$0x10] =	vst v1;
	v1 =	vadd.f32 v5, v2  }
0x34c: {  	v2 =	vld [tilespmem:s5+$0xFFFFFFD0];
	v9 =	vadd.f32 v0, v4  }
0x34d: {  	v4 =	vld [tilespmem:s7+$0xFFFFFFE0];
	[tilespmem:s4+$0x20] =	vst v1  }
0x34e: {  	v1 =	vld [tilespmem:s5+$0xFFFFFFE0];
	v5 =	vadd.f32 v8, v7;
	[tilespmem:s4+$0xFFFFFFC0] =	vst v9;
	s4 =	smov.u32 s7  }
0x34f: {  	v7 =	vld [tilespmem:s7+$0xFFFFFFF0];
	v0 =	vmov v3  }
0x350: {  	v8 =	vld [tilespmem:s5+$0xFFFFFFF0];
	[tilespmem:s7+$0x30] =	vst v5  }
0x351: {  	v2 =	vadd.f32 v2, v6;
	v6 =	vld [tilespmem:s7+$0x0]  }
0x352: {  	v9 =	vld [tilespmem:s5+$0x0]  }
.Ltmp17:
0x353: {  	[tilespmem:s7+$0xFFFFFFD0] =	vst v2;
	v2 =	vadd.f32 v1, v4;
	v1 =	vld [tilespmem:s7+$0x10];
	(pc) =	sbr.rel @p0 .LBB2_33-.Ltmp17, $4  }
0x354: {  	v3 =	vld [tilespmem:s5+$0x10]  }
0x355: {  	[tilespmem:s7+$0xFFFFFFE0] =	vst v2;
	v7 =	vadd.f32 v8, v7;
	v2 =	vld [tilespmem:s7+$0x20]  }
0x356: {  	v5 =	vld [tilespmem:s5+$0x20]  }
0x357: {  	s7 =	sadd.s32 $0x80, s7;
	v4 =	vld [tilespmem:s4+$0xFFFFFFC0];
	[tilespmem:s4+$0xFFFFFFF0] =	vst v7;
	v6 =	vadd.f32 v9, v6  }
0x358: {  	_ =	sdelay $0x1  }
0x359: {  	v1 =	vadd.f32 v3, v1  }
0x35a: {  	[tilespmem:s4+$0x0] =	vst v6;
	v2 =	vadd.f32 v5, v2  }
0x35b: {  	[tilespmem:s4+$0x10] =	vst v1;
	v0 =	vadd.f32 v0, v4  }
0x35c: {  	[tilespmem:s4+$0x20] =	vst v2  }
0x35d: {  	[tilespmem:s4+$0xFFFFFFC0] =	vst v0  }
0x35e: {  	v0 =	vlaneseq.u32;
	[bflag:$0x0] =	sbarrier.arrive $0xFFFF  }
0x35f: {  	s24 =	simm.s32 $0x0;
	v0 =	vmul.u32 $0x80, v0;
	_ =	strace $0x9000004A  }
0x360: {  	s5 =	simm.s32 $0x12D80;
	s25 =	simm.s32 $0x7;
	_ =	strace $0x8000004B  }
0x361: {  	v3 =	vor.u32 $0x2, v0;
	[tilespmem:s5], [sflag:$0x7] =	stream.linear.gather [hbm4b:s3+s24], $0x800, $0x200038;
	[tilespmem:$0x15700] =	vst v63  }
0x362: {  	_ =	swait.ge [sflag:s25], $0x800  }
0x363: {  	[sflag:s25] =	ssyncset.done $0x0  }
0x364: {  	[sflag:s25] =	ssyncadd.s32 $0xFFFFF800  }
0x365: {  	v2 =	vld.idx.msk [tilespmem:v0+s5+$0x0], $0xffff  }
0x366: {  	s28 =	simm.s32 $0x40;
	v1 =	vor.u32 $0x1, v0;
	v0 =	vld.idx.msk [tilespmem:v3+s5+$0x0], $0xffff  }
0x367: {  	v3 =	vld [tilespmem:s28+$0xFFFFFFC0]  }
0x368: {  	v4 =	vld [tilespmem:s28+$0xFFFFFFD0];
	_ =	sdelay $0x3  }
0x369: {  	(xrf2) =	vadd.scan.msk.f32 $0xffff, v3  }
0x36a: {  	v5 =	vld [tilespmem:s28+$0xFFFFFFE0];
	(xrf2) =	vadd.scan.msk.f32 $0xffff, v4;
	_ =	sdelay $0x1  }
0x36b: {  	v3 =	vld [tilespmem:s28+$0xFFFFFFF0]  }
0x36c: {  	v4 =	vld [tilespmem:s28+$0x0];
	_ =	sdelay $0x1  }
0x36d: {  	(xrf2) =	vadd.scan.msk.f32 $0xffff, v5;
	_ =	sdelay $0x1  }
0x36e: {  	(xrf2) =	vadd.scan.msk.f32 $0xffff, v3  }
0x36f: {  	(xrf2) =	vadd.scan.msk.f32 $0xffff, v4;
	v4 =	vld [tilespmem:s28+$0x10]  }
0x370: {  	v3, _, _ =	vpop (xrf2)  }
0x371: {  	(v2sf) =	vpush v3, $0xF;
	v3, _, _ =	vpop (xrf2)  }
0x372: {  	(v2sf) =	vpush v3, $0xF;
	v3 =	vld [tilespmem:s28+$0x20];
	_ =	sdelay $0x1  }
0x373: {  	v6 =	vld [tilespmem:s28+$0x30];
	(xrf2) =	vadd.scan.msk.f32 $0xffff, v4;
	_ =	sdelay $0x1  }
0x374: {  	s3 =	simm.s32 $0xC0;
	v5, _, _ =	vpop (xrf2)  }
0x375: {  	(v2sf) =	vpush v5, $0xF;
	v5 =	vld [tilespmem:s3+$0xFFFFFFC0];
	(xrf2) =	vadd.scan.msk.f32 $0xffff, v3;
	_ =	sdelay $0x1  }
0x376: {  	(xrf2) =	vadd.scan.msk.f32 $0xffff, v6  }
0x377: {  	v7, _, _ =	vpop (xrf2)  }
0x378: {  	(v2sf) =	vpush v7, $0xF  }
0x379: {  	v8 =	vld [tilespmem:s3+$0xFFFFFFD0];
	v7, _, _ =	vpop (xrf2);
	(xrf2) =	vadd.scan.msk.f32 $0xffff, v5  }
0x37a: {  	v4 =	vld [tilespmem:s3+$0xFFFFFFE0];
	(v2sf) =	vpush v7, $0xF  }
0x37b: {  	v5, _, _ =	vpop (xrf2)  }
0x37c: {  	(v2sf) =	vpush v5, $0xF  }
0x37d: {  	v3 =	vld [tilespmem:s3+$0xFFFFFFF0]  }
0x37e: {  	(xrf2) =	vadd.scan.msk.f32 $0xffff, v8;
	v7, _, _ =	vpop (xrf2)  }
0x37f: {  	(xrf2) =	vadd.scan.msk.f32 $0xffff, v4;
	s29 =	spop (v2sf);
	(v2sf) =	vpush v7, $0xF  }
0x380: {  	v4 =	vld [tilespmem:s3+$0x0];
	v5, _, _ =	vpop (xrf2)  }
0x381: {  	s26 =	simm.f32 $0.0e+00;
	s30 =	spop (v2sf);
	(v2sf) =	vpush v5, $0xF  }
0x382: {  	(xrf2) =	vadd.scan.msk.f32 $0xffff, v3;
	s4 =	sadd.f32 s29, s26  }
0x383: {  	v6 =	vld [tilespmem:s3+$0x10];
	v3, _, _ =	vpop (xrf2)  }
0x384: {  	s31 =	spop (v2sf);
	s4 =	sadd.f32 s30, s4;
	(v2sf) =	vpush v3, $0xF  }
0x385: {  	v1 =	vld.idx.msk [tilespmem:v1+s5+$0x0], $0xffff;
	(xrf2) =	vadd.scan.msk.f32 $0xffff, v4  }
0x386: {  	v3 =	vld [tilespmem:s3+$0x20];
	s5 =	sadd.f32 s31, s4  }
0x387: {  	s6 =	spop (v2sf)  }
0x388: {  	(xrf2) =	vadd.scan.msk.f32 $0xffff, v6;
	v5, _, _ =	vpop (xrf2);
	s5 =	sadd.f32 s6, s5  }
0x389: {  	v4 =	vld [tilespmem:s3+$0x30];
	s4 =	simm.s32 $0x8;
	(v2sf) =	vpush v5, $0xF;
	v5, _, _ =	vpop (xrf2);
	s6 =	spop (v2sf)  }
.LBB2_35:
0x38a: {  	s4 =	sadd.s32 $0x8, s4;
	s5 =	sadd.f32 s6, s5  }
0x38b: {  	s3 =	sadd.s32 $0x80, s3;
	p0 =	slt.u32 s4, $0xF8;
	(v2sf) =	vpush v5, $0xF;
	(xrf2) =	vadd.scan.msk.f32 $0xffff, v3;
	s6 =	spop (v2sf)  }
0x38c: {  	v3 =	vld [tilespmem:s3+$0xFFFFFFC0];
	v5, _, _ =	vpop (xrf2);
	s5 =	sadd.f32 s6, s5;
	_ =	sdelay $0x1  }
0x38d: {  	v6 =	vld [tilespmem:s3+$0xFFFFFFD0];
	(v2sf) =	vpush v5, $0xF;
	(xrf2) =	vadd.scan.msk.f32 $0xffff, v4;
	s6 =	spop (v2sf)  }
0x38e: {  	v4, _, _ =	vpop (xrf2);
	s5 =	sadd.f32 s6, s5  }
0x38f: {  	v5 =	vld [tilespmem:s3+$0xFFFFFFE0];
	s6 =	spop (v2sf)  }
0x390: {  	(xrf2) =	vadd.scan.msk.f32 $0xffff, v3;
	s5 =	sadd.f32 s6, s5  }
0x391: {  	(v2sf) =	vpush v4, $0xF;
	v3, _, _ =	vpop (xrf2)  }
0x392: {  	s6 =	spop (v2sf)  }
0x393: {  	v4 =	vld [tilespmem:s3+$0xFFFFFFF0];
	(xrf2) =	vadd.scan.msk.f32 $0xffff, v6;
	(v2sf) =	vpush v3, $0xF  }
0x394: {  	v3, _, _ =	vpop (xrf2);
	_ =	sdelay $0x1  }
0x395: {  	s5 =	sadd.f32 s6, s5;
	v6 =	vld [tilespmem:s3+$0x0];
	(xrf2) =	vadd.scan.msk.f32 $0xffff, v5;
	(v2sf) =	vpush v3, $0xF  }
0x396: {  	s6 =	spop (v2sf);
	v3, _, _ =	vpop (xrf2)  }
0x397: {  	v5 =	vld [tilespmem:s3+$0x10];
	s5 =	sadd.f32 s6, s5;
	(v2sf) =	vpush v3, $0xF  }
0x398: {  	(xrf2) =	vadd.scan.msk.f32 $0xffff, v4;
	s6 =	spop (v2sf)  }
0x399: {  	v3, _, _ =	vpop (xrf2);
	s5 =	sadd.f32 s6, s5  }
0x39a: {  	(v2sf) =	vpush v3, $0xF  }
.Ltmp18:
0x39b: {  	v3 =	vld [tilespmem:s3+$0x20];
	(xrf2) =	vadd.scan.msk.f32 $0xffff, v6;
	s6 =	spop (v2sf);
	(pc) =	sbr.rel @p0 .LBB2_35-.Ltmp18, $3  }
0x39c: {  	v6, _, _ =	vpop (xrf2);
	_ =	sdelay $0x1  }
0x39d: {  	s5 =	sadd.f32 s6, s5;
	v4 =	vld [tilespmem:s3+$0x30];
	(xrf2) =	vadd.scan.msk.f32 $0xffff, v5  }
0x39e: {  	(v2sf) =	vpush v6, $0xF;
	v5, _, _ =	vpop (xrf2);
	s6 =	spop (v2sf)  }
0x39f: {  	_ =	sdelay $0x1  }
0x3a0: {  	(xrf2) =	vadd.scan.msk.f32 $0xffff, v3  }
0x3a1: {  	(xrf2) =	vadd.scan.msk.f32 $0xffff, v4;
	_ =	sdelay $0x4  }
0x3a2: {  	(v2sf) =	vpush v5, $0xF  }
0x3a3: {  	v3, _, _ =	vpop (xrf2)  }
0x3a4: {  	(v2sf) =	vpush v3, $0xF;
	v3, _, _ =	vpop (xrf2)  }
0x3a5: {  	(v2sf) =	vpush v3, $0xF;
	v3, _, _ =	vpop (xrf2)  }
0x3a6: {  	s3 =	sadd.f32 s6, s5;
	s12 =	simm.s32 $0x0;
	s4 =	spop (v2sf);
	(v2sf) =	vpush v3, $0xF;
	v3, _, _ =	vpop (xrf2)  }
0x3a7: {  	v4 =	vld [tilespmem:s12+$0x0];
	s17 =	spop (v2sf);
	(v2sf) =	vpush v3, $0xF;
	v3, _, _ =	vpop (xrf2)  }
0x3a8: {  	s3 =	sadd.f32 s4, s3;
	s18 =	spop (v2sf);
	(v2sf) =	vpush v3, $0xF  }
0x3a9: {  	_ = 	snop  }
0x3aa: {  	s3 =	sadd.f32 s17, s3;
	_ =	sdelay $0x1  }
0x3ab: {  	s3 =	sadd.f32 s18, s3;
	(xrf2) =	vadd.scan.msk.f32 $0xffff, v4  }
0x3ac: {  	(xrf0) =	vmax.scan.msk.f32 $0xffff, v2;
	s19 =	spop (v2sf)  }
0x3ad: {  	s10 =	simm.s32 $0x10;
	s3 =	sadd.f32 s19, s3  }
0x3ae: {  	v5 =	vld [tilespmem:s10+$0x0];
	s20 =	spop (v2sf)  }
0x3af: {  	s3 =	sadd.f32 s20, s3  }
0x3b0: {  	s21 =	spop (v2sf)  }
0x3b1: {  	s3 =	sadd.f32 s21, s3  }
0x3b2: {  	v2, _, _ =	vpop (xrf0);
	s22 =	spop (v2sf)  }
0x3b3: {  	v2 =	vmul.f32 $1.442695020e+00, v2;
	(xrf2) =	vadd.scan.msk.f32 $0xffff, v5;
	s3 =	sadd.f32 s22, s3;
	s23 =	spop (v2sf)  }
0x3b4: {  	s24 =	spop (v2sf)  }
0x3b5: {  	v2 =	vbroadcast v2, $0xF;
	v6, _, _ =	vpop (xrf2);
	s3 =	sadd.f32 s23, s3;
	s25 =	spop (v2sf)  }
0x3b6: {  	s8 =	simm.s32 $0x20;
	s26 =	spop (v2sf);
	(v2sf) =	vpush v6, $0xF  }
0x3b7: {  	v7 =	vld [tilespmem:s8+$0x0];
	(erf) = vpow2.f32 v2;
	s3 =	sadd.f32 s24, s3;
	_ =	sdelay $0x1  }
0x3b8: {  	s3 =	sadd.f32 s25, s3;
	_ =	sdelay $0x1  }
0x3b9: {  	s9 =	sadd.f32 s26, s3  }
0x3ba: {  	s28 =	simm.f32 $0.0e+00;
	s6 =	simm.s32 $0x30;
	(xrf2) =	vadd.scan.msk.f32 $0xffff, v7  }
0x3bb: {  	v9 =	vld [tilespmem:s6+$0x0];
	v8, _, _ =	vpop (xrf2);
	s3 =	ssub.f32 s9, s28  }
0x3bc: {  	(v2sf) =	vpush v8, $0xF  }
0x3bd: {  	v6 =	vsub.f32 s3, v6  }
0x3be: {  	v2 =	vpop (erf)  }
0x3bf: {  	v3 =	vmul.f32 $1.000000010e-07, v2;
	v4 =	vadd.f32 v6, v4  }
0x3c0: {  	(xrf2) =	vadd.scan.msk.f32 $0xffff, v9  }
0x3c1: {  	v10 =	vadd.f32 v4, v3  }
0x3c2: {  	s3 =	simm.s32 $0x40  }
0x3c3: {  	v13 =	vld [tilespmem:s3+$0x0];
	v4 =	vand.u32 $0x7FFFFF, v10;
	s29 =	spop (v2sf)  }
0x3c4: {  	v11, _, _ =	vpop (xrf2);
	v4 =	vor.u32 $0x3F800000, v4;
	s4 =	sadd.f32 s29, s28  }
0x3c5: {  	(v2sf) =	vpush v11, $0xF;
	v6 =	vadd.f32 $1.000000000e+00, v4  }
0x3c6: {  	s5 =	ssub.f32 s9, s4  }
0x3c7: {  	(erf) = vrcp.f32 v6  }
0x3c8: {  	(xrf2) =	vadd.scan.msk.f32 $0xffff, v13;
	v8 =	vsub.f32 s5, v8;
	_ =	sdelay $0x1  }
0x3c9: {  	v12, _, _ =	vpop (xrf2);
	v5 =	vadd.f32 v8, v5  }
0x3ca: {  	(v2sf) =	vpush v12, $0xF;
	s30 =	spop (v2sf)  }
0x3cb: {  	s7 =	sadd.f32 s30, s4;
	v16 =	vadd.f32 v5, v3  }
0x3cc: {  	s4 =	simm.s32 $0x50  }
0x3cd: {  	v14 =	vld [tilespmem:s4+$0x0];
	s5 =	ssub.f32 s9, s7;
	v5 =	vand.u32 $0x7FFFFF, v16  }
0x3ce: {  	v4 =	vadd.f32 $-1.000000000e+00, v4;
	v8 =	vor.u32 $0x3F800000, v5  }
0x3cf: {  	v6 =	vsub.f32 s5, v11;
	v11 =	vpop (erf);
	v5 =	vadd.f32 $1.000000000e+00, v8  }
0x3d0: {  	v15 =	vmul.f32 v11, v4  }
0x3d1: {  	v17, _, _ =	vpop (xrf2);
	(erf) = vrcp.f32 v5  }
0x3d2: {  	(v2sf) =	vpush v17, $0xF;
	(xrf2) =	vadd.scan.msk.f32 $0xffff, v14;
	v4 =	vadd.f32 v6, v7;
	v7 =	vmul.f32 v15, v15  }
0x3d3: {  	s11 =	spop (v2sf)  }
0x3d4: {  	s7 =	sadd.f32 s11, s7;
	s5 =	simm.s32 $0x60;
	v5 =	vadd.f32 v4, v3;
	v4 =	vmul.f32 $1.111111120e-01, v7  }
0x3d5: {  	v6 =	vld [tilespmem:s5+$0x0]  }
0x3d6: {  	s11 =	ssub.f32 s9, s7;
	v11 =	vand.u32 $0x7FFFFF, v5;
	v4 =	vadd.f32 $1.428571490e-01, v4  }
0x3d7: {  	v18 =	vor.u32 $0x3F800000, v11  }
0x3d8: {  	v12 =	vsub.f32 s11, v12;
	v11 =	vadd.f32 $1.000000000e+00, v18;
	v4 =	vmul.f32 v4, v7  }
0x3d9: {  	v8 =	vadd.f32 $-1.000000000e+00, v8;
	s31 =	spop (v2sf)  }
0x3da: {  	v9 =	vadd.f32 v12, v9;
	(xrf2) =	vadd.scan.msk.f32 $0xffff, v6;
	s11 =	sadd.f32 s31, s7;
	v4 =	vadd.f32 $2.000000030e-01, v4;
	v19 =	vpop (erf);
	(erf) = vrcp.f32 v11  }
0x3db: {  	v8 =	vmul.f32 v19, v8  }
0x3dc: {  	s7 =	ssub.f32 s9, s11;
	v12 =	vmul.f32 v4, v7;
	v4 =	vadd.f32 v9, v3;
	v19, _, _ =	vpop (xrf2)  }
0x3dd: {  	v10 =	vshrl.u32 v10, $0x17;
	(v2sf) =	vpush v19, $0xF;
	v11 =	vmul.f32 v8, v8  }
0x3de: {  	v17 =	vsub.f32 s7, v17;
	v9 =	vadd.f32 $3.333333430e-01, v12;
	v12 =	vand.u32 $0x7FFFFF, v4  }
0x3df: {  	v10 =	vadd.s32 $0xFFFFFF81, v10;
	v12 =	vor.u32 $0x3F800000, v12;
	v20 =	vmul.f32 $1.111111120e-01, v11  }
0x3e0: {  	v10 =	vcvt.s32.f32 v10;
	s7 =	simm.s32 $0x70;
	v17 =	vadd.f32 v17, v13;
	v13 =	vadd.f32 $1.000000000e+00, v12  }
0x3e1: {  	s13 =	spop (v2sf);
	v7 =	vmul.f32 v9, v7;
	v9 =	vld [tilespmem:s7+$0x0];
	v20 =	vadd.f32 $1.428571490e-01, v20  }
0x3e2: {  	v10 =	vmul.f32 $6.931471820e-01, v10;
	v18 =	vadd.f32 $-1.000000000e+00, v18;
	s11 =	sadd.f32 s13, s11  }
0x3e3: {  	s12 =	sand.u32 $0xFF0, s12;
	v15 =	vadd.f32 v15, v15;
	v22 =	vadd.f32 $1.000000000e+00, v7;
	v20 =	vmul.f32 v20, v11;
	v21 =	vpop (erf)  }
0x3e4: {  	v63 =	vld [tilespmem:s12+$0x1000];
	s13 =	ssub.f32 s9, s11;
	(erf) = vrcp.f32 v13;
	v13, _, _ =	vpop (xrf2);
	v7 =	vmul.f32 v21, v18  }
0x3e5: {  	(v2sf) =	vpush v13, $0xF;
	v18 =	vadd.f32 $2.000000030e-01, v20;
	v20 =	vmul.f32 v22, v15  }
0x3e6: {  	v2 =	vimm.f32 $0.0e+00;
	v19 =	vsub.f32 s13, v19;
	(xrf2) =	vadd.scan.msk.f32 $0xffff, v9  }
0x3e7: {  	v15 =	vmul.f32 v7, v7;
	v18 =	vmul.f32 v18, v11;
	v20 =	vadd.f32 v20, v10  }
0x3e8: {  	v14 =	vadd.f32 v19, v14;
	v19 =	vshrl.u32 v16, $0x17;
	v10 =	vadd.f32 v17, v3  }
0x3e9: {  	s12 =	simm.s32 $0x80;
	s13 =	simm.s32 $0x80;
	v17 =	vmul.f32 $1.111111120e-01, v15;
	v18 =	vadd.f32 $3.333333430e-01, v18;
	v16 =	vmul.f32 v20, v63  }
.LBB2_37:
0x3ea: {  	p0 =	sne.s32 s12, $0xFF0  }
0x3eb: {  	v20 =	vld [tilespmem:s13+$0x0];
	v21 =	vand.u32 $0x7FFFFF, v10;
	v17 =	vadd.f32 $1.428571490e-01, v17;
	v19 =	vadd.s32 $0xFFFFFF81, v19;
	v22 =	vmovc v10;
	s14 =	smov.u32 s12;
	s12 =	sadd.s32 $0x10, s12  }
0x3ec: {  	s15 =	spop (v2sf);
	v21 =	vor.u32 $0x3F800000, v21;
	v18 =	vmul.f32 v18, v11;
	v2 =	vadd.f32 v16, v2;
	v11 =	vmovc v15  }
0x3ed: {  	v16 =	vadd.f32 $-1.000000000e+00, v12;
	s11 =	sadd.f32 s15, s11;
	v15 =	vadd.f32 $1.000000000e+00, v21;
	v17 =	vmul.f32 v17, v11;
	v12 =	vmovc v21  }
0x3ee: {  	v19 =	vcvt.s32.f32 v19;
	s15 =	sand.u32 $0xFF0, s10;
	v21 =	vadd.f32 v8, v8;
	s10 =	smov.u32 s8;
	s8 =	smov.u32 s6;
	v10 =	vpop (erf);
	v18 =	vadd.f32 $1.000000000e+00, v18  }
0x3ef: {  	v8 =	vmovc v7;
	s6 =	smov.u32 s3;
	s3 =	smov.u32 s4;
	s16 =	ssub.f32 s9, s11;
	(erf) = vrcp.f32 v15;
	v17 =	vadd.f32 $2.000000030e-01, v17;
	v23 =	vld [tilespmem:s15+$0x1000];
	v7 =	vmul.f32 v10, v16  }
.Ltmp19:
0x3f0: {  	s4 =	smov.u32 s5;
	s5 =	smov.u32 s7;
	v16 =	vmul.f32 $6.931471820e-01, v19;
	(xrf2) =	vadd.scan.msk.f32 $0xffff, v20;
	v10, _, _ =	vpop (xrf2);
	v18 =	vmul.f32 v18, v21;
	(pc) =	sbr.rel @p0 .LBB2_37-.Ltmp19, $4  }
0x3f1: {  	s7 =	smov.u32 s14;
	(v2sf) =	vpush v10, $0xF;
	v19 =	vsub.f32 s16, v13;
	v15 =	vmul.f32 v7, v7;
	v13 =	vmovc v10  }
0x3f2: {  	v21 =	vmul.f32 v17, v11;
	v16 =	vadd.f32 v18, v16  }
0x3f3: {  	v10 =	vadd.f32 v14, v3;
	v14 =	vadd.f32 v19, v6;
	v17 =	vmul.f32 $1.111111120e-01, v15;
	v6 =	vmovc v9;
	v9 =	vmovc v20  }
0x3f4: {  	s13 =	sadd.s32 $0x10, s13;
	v19 =	vshrl.u32 v5, $0x17;
	v18 =	vadd.f32 $3.333333430e-01, v21;
	v5 =	vmovc v4;
	v4 =	vmovc v22;
	v16 =	vmul.f32 v16, v23  }
0x3f5: {  	_ =	sdelay $0x7  }
0x3f6: {  	v20 =	vand.u32 $0x7FFFFF, v10;
	s12 =	spop (v2sf)  }
0x3f7: {  	v17 =	vadd.f32 $1.428571490e-01, v17;
	v45 =	vadd.s32 $0xFFFFFF81, v19;
	v12 =	vadd.f32 $-1.000000000e+00, v12;
	s11 =	sadd.f32 s12, s11  }
0x3f8: {  	v8 =	vadd.f32 v8, v8;
	v14 =	vadd.f32 v14, v3;
	v5 =	vshrl.u32 v5, $0x17  }
0x3f9: {  	v7 =	vadd.f32 v7, v7;
	v20 =	vor.u32 $0x3F800000, v20;
	v11 =	vmul.f32 v18, v11;
	s12 =	ssub.f32 s9, s11;
	s13 =	spop (v2sf)  }
0x3fa: {  	v4 =	vshrl.u32 v4, $0x17;
	v36 =	vshrl.u32 v10, $0x17;
	v46 =	vadd.f32 $1.000000000e+00, v20;
	s11 =	sadd.f32 s13, s11  }
0x3fb: {  	v18 =	vcvt.s32.f32 v45;
	v11 =	vadd.f32 $1.000000000e+00, v11;
	v13 =	vsub.f32 s12, v13  }
0x3fc: {  	v5 =	vadd.s32 $0xFFFFFF81, v5;
	v2 =	vadd.f32 v16, v2;
	v4 =	vadd.s32 $0xFFFFFF81, v4;
	s24 =	ssub.f32 s9, s11  }
0x3fd: {  	(erf) = vrcp.f32 v46;
	v11 =	vmul.f32 v11, v8;
	v8, _, _ =	vpop (xrf2);
	v6 =	vadd.f32 v13, v6  }
0x3fe: {  	v38 =	vadd.s32 $0xFFFFFF81, v36;
	v17 =	vmul.f32 v17, v15;
	v22 =	vsub.f32 s24, v8  }
0x3ff: {  	v50 =	vand.u32 $0x7FFFFF, v14;
	v52 =	vadd.f32 $-1.000000000e+00, v20;
	v6 =	vadd.f32 v6, v3  }
0x400: {  	v5 =	vcvt.s32.f32 v5;
	v4 =	vcvt.s32.f32 v4;
	v21 =	vpop (erf);
	v9 =	vadd.f32 v22, v9  }
0x401: {  	v12 =	vmul.f32 v21, v12;
	v21 =	vor.u32 $0x3F800000, v50;
	v53 =	vand.u32 $0x7FFFFF, v6  }
0x402: {  	v23 =	vadd.f32 $1.000000000e+00, v21;
	v20 =	vor.u32 $0x3F800000, v53;
	v55 =	vadd.f32 v9, v3  }
0x403: {  	v18 =	vmul.f32 $6.931471820e-01, v18;
	v47 =	vmul.f32 v12, v12;
	v58 =	vadd.f32 $1.000000000e+00, v20  }
0x404: {  	s10 =	sand.u32 $0xFF0, s10;
	v17 =	vadd.f32 $2.000000030e-01, v17;
	(erf) = vrcp.f32 v23;
	v59 =	vand.u32 $0x7FFFFF, v55  }
0x405: {  	v49 =	vld [tilespmem:s10+$0x1000];
	v48 =	vmul.f32 $1.111111120e-01, v47;
	(erf) = vrcp.f32 v58;
	v60 =	vor.u32 $0x3F800000, v59  }
0x406: {  	v17 =	vmul.f32 v17, v15;
	v11 =	vadd.f32 v11, v18;
	v54 =	vpop (erf);
	v18 =	vadd.f32 $1.000000000e+00, v60  }
0x407: {  	v5 =	vmul.f32 $6.931471820e-01, v5;
	v13 =	vadd.f32 $1.428571490e-01, v48;
	v57 =	vmul.f32 v54, v52  }
0x408: {  	v4 =	vmul.f32 $6.931471820e-01, v4;
	v17 =	vadd.f32 $3.333333430e-01, v17;
	(erf) = vrcp.f32 v18  }
0x409: {  	v44 =	vshrl.u32 v14, $0x17;
	v13 =	vmul.f32 v13, v47;
	v22 =	vmul.f32 v57, v57  }
0x40a: {  	v24 =	vadd.f32 $-1.000000000e+00, v21;
	v56 =	vmul.f32 v11, v49;
	v51 =	vmul.f32 v17, v15  }
0x40b: {  	v6 =	vshrl.u32 v6, $0x17;
	v13 =	vadd.f32 $2.000000030e-01, v13;
	v61 =	vmul.f32 $1.111111120e-01, v22  }
0x40c: {  	v15 =	vadd.f32 $1.000000000e+00, v51;
	v6 =	vadd.s32 $0xFFFFFF81, v6;
	v29 =	vadd.f32 $-1.000000000e+00, v20  }
0x40d: {  	v6 =	vcvt.s32.f32 v6;
	v13 =	vmul.f32 v13, v47;
	v25 =	vpop (erf);
	v63 =	vadd.f32 $1.428571490e-01, v61  }
0x40e: {  	v12 =	vadd.f32 v12, v12;
	v7 =	vmul.f32 v15, v7;
	v28 =	vmul.f32 v25, v24;
	v30 =	vpop (erf)  }
0x40f: {  	s8 =	sand.u32 $0xFF0, s8;
	v13 =	vadd.f32 $3.333333430e-01, v13;
	v26 =	vmul.f32 v63, v22;
	v15 =	vmul.f32 v30, v29  }
0x410: {  	v62 =	vld [tilespmem:s8+$0x1000];
	v5 =	vadd.f32 v7, v5;
	v17 =	vadd.f32 $-1.000000000e+00, v60;
	v18 =	vmul.f32 v28, v28  }
0x411: {  	v27 =	vmul.f32 v13, v47;
	v7 =	vadd.f32 $2.000000030e-01, v26;
	v32 =	vmul.f32 v15, v15;
	v33 =	vpop (erf)  }
0x412: {  	v2 =	vadd.f32 v56, v2;
	v31 =	vmul.f32 $1.111111120e-01, v18;
	v17 =	vmul.f32 v33, v17  }
0x413: {  	s6 =	sand.u32 $0xFF0, s6;
	v11 =	vadd.f32 v57, v57;
	v9 =	vadd.f32 $1.000000000e+00, v27;
	v7 =	vmul.f32 v7, v22  }
0x414: {  	v34 =	vld [tilespmem:s6+$0x1000];
	v35 =	vmul.f32 $1.111111120e-01, v32;
	v16 =	vadd.f32 $1.428571490e-01, v31;
	v37 =	vmul.f32 v17, v17  }
0x415: {  	v5 =	vmul.f32 v5, v62;
	v9 =	vmul.f32 v9, v12;
	v7 =	vadd.f32 $3.333333430e-01, v7  }
0x416: {  	v39 =	vadd.f32 $1.428571490e-01, v35;
	v16 =	vmul.f32 v16, v18;
	v40 =	vmul.f32 $1.111111120e-01, v37  }
0x417: {  	v2 =	vadd.f32 v5, v2;
	v4 =	vadd.f32 v9, v4;
	v7 =	vmul.f32 v7, v22  }
0x418: {  	v10 =	vmul.f32 v39, v32;
	v16 =	vadd.f32 $2.000000030e-01, v16;
	v19 =	vadd.f32 $1.428571490e-01, v40  }
0x419: {  	v9 =	vcvt.s32.f32 v38;
	v4 =	vmul.f32 v4, v34;
	v7 =	vadd.f32 $1.000000000e+00, v7  }
0x41a: {  	v10 =	vadd.f32 $2.000000030e-01, v10;
	v16 =	vmul.f32 v16, v18;
	v43 =	vmul.f32 v19, v37  }
0x41b: {  	s3 =	sand.u32 $0xFF0, s3;
	v3 =	vshrl.u32 v55, $0x17;
	v9 =	vmul.f32 $6.931471820e-01, v9;
	v7 =	vmul.f32 v7, v11  }
0x41c: {  	v41 =	vld [tilespmem:s3+$0x1000];
	v10 =	vmul.f32 v10, v32;
	v42 =	vadd.f32 $3.333333430e-01, v16;
	v11 =	vadd.f32 $2.000000030e-01, v43  }
0x41d: {  	v2 =	vadd.f32 v4, v2;
	v7 =	vadd.f32 v7, v9;
	v9 =	vadd.s32 $0xFFFFFF81, v44  }
0x41e: {  	v46 =	vadd.f32 $3.333333430e-01, v10;
	v4 =	vmul.f32 v42, v18;
	v11 =	vmul.f32 v11, v37  }
0x41f: {  	v47 =	vadd.f32 v28, v28;
	v3 =	vadd.s32 $0xFFFFFF81, v3;
	v45 =	vcvt.s32.f32 v9  }
0x420: {  	s25 =	sand.u32 $0xFF0, s4;
	v9 =	vmul.f32 v46, v32;
	v4 =	vadd.f32 $1.000000000e+00, v4;
	v49 =	vadd.f32 $3.333333430e-01, v11  }
0x421: {  	v48 =	vld [tilespmem:s25+$0x1000];
	v50 =	vadd.f32 v15, v15;
	v5 =	vmul.f32 v7, v41;
	v7 =	vmul.f32 $6.931471820e-01, v45  }
0x422: {  	s26 =	sand.u32 $0xFF0, s5;
	v9 =	vadd.f32 $1.000000000e+00, v9;
	v4 =	vmul.f32 v4, v47;
	v51 =	vmul.f32 v49, v37  }
0x423: {  	v52 =	vld [tilespmem:s26+$0x1000];
	v6 =	vmul.f32 $6.931471820e-01, v6;
	v3 =	vcvt.s32.f32 v3;
	v53 =	vadd.f32 v17, v17  }
0x424: {  	s28 =	sand.u32 $0xFF0, s7;
	v9 =	vmul.f32 v9, v50;
	v4 =	vadd.f32 v4, v7;
	v7 =	vadd.f32 $1.000000000e+00, v51  }
0x425: {  	(xrf2) =	vadd.scan.msk.f32 $0xffff, v1;
	v54 =	vld [tilespmem:s28+$0x1000];
	v3 =	vmul.f32 $6.931471820e-01, v3;
	v2 =	vadd.f32 v5, v2  }
0x426: {  	(xrf2) =	vadd.scan.msk.f32 $0xffff, v0;
	v55 =	vadd.f32 v9, v6;
	v4 =	vmul.f32 v4, v48;
	v56 =	vmul.f32 v7, v53;
	_ =	sdelay $0x1  }
0x427: {  	v1 =	vmul.f32 v55, v52;
	v57 =	vadd.f32 v4, v2;
	v58 =	vadd.f32 v56, v3;
	_ =	sdelay $0x1  }
0x428: {  	v0 =	vadd.f32 v1, v57;
	v59 =	vmul.f32 v58, v54;
	_ =	sdelay $0x1  }
0x429: {  	v0 =	vadd.f32 v59, v0;
	_ =	sdelay $0x1  }
0x42a: {  	(xrf2) =	vadd.scan.msk.f32 $0xffff, v0  }
0x42b: {  	v60, _, _ =	vpop (xrf2)  }
0x42c: {  	v61, _, _ =	vpop (xrf2)  }
0x42d: {  	v1 =	vbroadcast v61, $0xF;
	_ =	sdelay $0x1  }
0x42e: {  	(v2sf) =	vpush v8, $0xF;
	(erf) = vrcp.f32 v1;
	_ =	sdelay $0x4  }
0x42f: {  	v62, _, _ =	vpop (xrf2)  }
0x430: {  	v0 =	vsub.f32 v62, v60;
	_ =	sdelay $0x1  }
0x431: {  	v0 =	vbroadcast v0, $0xF  }
0x432: {  	v63 =	vpop (erf)  }
0x433: {  	v0 =	vmul.f32 v0, v63;
	_ =	sdelay $0x1  }
0x434: {  	s29 =	simm.s32 $0x0;
	s30 =	simm.s32 $0x12D00;
	[tilespmem:$0x12D00] =	vst v0  }
0x435: {  	[hbm4b:s2+s29] =	stream.linear.scatter [tilespmem:s30], [sflag:$0x7], $0x80, $0x200038;
	[tilespmem:$0x15700] =	vst v63  }
.Ltmp20:
0x436: {  	_ = 	snop;
	(pc) =	sbr.rel .LBB2_39-.Ltmp20, $4  }
0x437: {  	s31 =	spop (v2sf);
	s2 =	simm.s32 $0x7  }
0x438: {  	_ =	swait.ge [sflag:s2], $0x80  }
0x439: {  	[sflag:s2] =	ssyncset.done $0x0  }
0x43a: {  	[sflag:s2] =	ssyncadd.s32 $0xFFFFFF80  }
.Lfunc_end2:
_tile_overlayer_lowered:
.L_overlay_start_2:
0x43b: {  	(tag) =	ssettag $0x2  }
0x43c: {  	s0 =	rddreg [dreg:$0x0];
	s2 =	stileid.u32  }
0x43d: {  	s1 =	rddreg [dreg:$0x1];
	p0 =	sne.s32 s2, $0x0  }
0x43e: {  	s3 =	rddreg [dreg:$0x2];
	[bflag:$0x3] =	sbarrier.arrive $0xFFFF;
	s2 =	simm.s32 @!p0 $0x1C07  }
0x43f: {  	[timem:s3], [sflag:s2] =	dma.local @!p0 [hbm:s0], s1  }
0x440: {  	s0 =	simm.s32 @!p0 $0x7  }
0x441: {  	_ =	swait.ge @!p0 [sflag:s0], s1  }
0x442: {  	s1 =	ssub.s32 @!p0 $0x0, s1;
	[sflag:s0] =	ssyncset.done @!p0 $0x0  }
0x443: {  	[sflag:s0] =	ssyncadd.s32 @!p0 s1  }
0x444: {  	[bflag:$0x3] =	sbarrier.arrive $0xFFFF  }
0x445: {  	_ =	shalt  }

</sc_bundles>
